<compile_context>
chip_gen: v7x
topology: tpu7x:2x2x1
jax: 0.10.2.dev20260603
libtpu: 0.0.44.dev20260713+nightly
codegen_flags: <defaults>
</compile_context>

<pallas_src>
import functools

import jax
import jax.numpy as jnp
from jax import lax
from jax.experimental import pallas as pl
from jax.experimental.pallas import tpu as pltpu
from jax.experimental.pallas import tpu_sc as plsc

_N = 10000
_E = 320000
_D = 128
_H1, _C1 = 8, 8
_C2 = 7

_NC, _NS = 2, 16
_NW = _NC * _NS
_EPW = _E // _NW
_CH1 = 400
_CH2 = 1000
_NP = 10240
_RPT = _NP // _NS

_BLK = 1000
_GRID = _N // _BLK

_W_SRC1 = 80
_W_DST1 = 16
_W_2 = 16



def _tc1_body(x_ref, w1_ref, as_ref, ad_ref, tsrc_ref, tdst_ref):
    hh = jnp.dot(x_ref[...], w1_ref[...], preferred_element_type=jnp.float32)
    asr = jnp.dot(hh, as_ref[...], preferred_element_type=jnp.float32)
    ads = jnp.dot(hh, ad_ref[...], preferred_element_type=jnp.float32)
    z8 = jnp.zeros((_BLK, 8), jnp.float32)
    tsrc_ref[...] = jnp.concatenate([hh, asr, z8], axis=1)
    tdst_ref[...] = jnp.concatenate([ads, z8], axis=1)


def _tc2_body(acc_ref, b1_ref, w2_ref, vs_ref, vd_ref, r_ref,
              tsrc_ref, tdst_ref):
    po = acc_ref[0] + acc_ref[1]
    num = po[:, 0:64]
    den = po[:, 64:72]
    denf = jnp.dot(den, r_ref[...], preferred_element_type=jnp.float32) + 1e-16
    o1 = num / denf + b1_ref[...]
    ht = jnp.where(o1 > 0, o1, jnp.exp(o1) - 1.0)
    h2 = jnp.dot(ht, w2_ref[...], preferred_element_type=jnp.float32)
    asr = jnp.dot(ht, vs_ref[...], preferred_element_type=jnp.float32)
    ads = jnp.dot(ht, vd_ref[...], preferred_element_type=jnp.float32)
    one = jnp.ones((_BLK, 1), jnp.float32)
    z7 = jnp.zeros((_BLK, 7), jnp.float32)
    z8 = jnp.zeros((_BLK, 8), jnp.float32)
    tsrc_ref[...] = jnp.concatenate([h2, one, asr, z7], axis=1)
    tdst_ref[...] = jnp.concatenate([z8, ads, z7], axis=1)


def _tc3_body(acc_ref, b2_ref, out_ref):
    po = acc_ref[0] + acc_ref[1]
    out_ref[...] = po[:, 0:7] / (po[:, 7:8] + 1e-16) + b2_ref[...]


def _acc_spec(width):
    return pl.BlockSpec((_NC, _BLK, width), lambda i: (0, i, 0))


def _full(shape):
    return pl.BlockSpec(shape, lambda i: tuple(0 for _ in shape))



def _sc_edge_pass(width_src, width_dst, layer1, ch, tsrc, tdst, src_i, dst_i,
                  zeros):
    mesh = plsc.VectorSubcoreMesh(core_axis_name="c", subcore_axis_name="s")
    nchunk = _EPW // ch

    @functools.partial(
        pl.kernel,
        out_type=jax.ShapeDtypeStruct((_NC, _NP, width_src), jnp.float32),
        mesh=mesh,
        compiler_params=pltpu.CompilerParams(needs_layout_passes=False,
                                             use_tc_tiling_on_sc=False),
        scratch_types=[
            pltpu.VMEM_SHARED((_NP, width_src), jnp.float32),
            pltpu.VMEM((ch, width_src), jnp.float32),
            pltpu.VMEM((ch, width_src), jnp.float32),
            pltpu.VMEM((ch, width_dst), jnp.float32),
            pltpu.VMEM((ch, width_dst), jnp.float32),
            pltpu.VMEM((ch,), jnp.int32),
            pltpu.VMEM((ch,), jnp.int32),
            pltpu.VMEM((ch,), jnp.int32),
            pltpu.VMEM((ch,), jnp.int32),
            pltpu.SemaphoreType.DMA,
            pltpu.SemaphoreType.DMA,
            pltpu.SemaphoreType.DMA,
            pltpu.SemaphoreType.DMA,
        ],
    )
    def k(tsrc_h, tdst_h, src_h, dst_h, zeros_h, out_h,
          acc_sh, srows0, srows1, drows0, drows1, sidx0, sidx1, didx0, didx1,
          gsem0, gsem1, ssem0, ssem1):
        c = lax.axis_index("c")
        s = lax.axis_index("s")
        wid = s * _NC + c

        pltpu.sync_copy(zeros_h.at[pl.ds(s * _RPT, _RPT)],
                        acc_sh.at[pl.ds(s * _RPT, _RPT)])
        plsc.subcore_barrier()

        half = lax.shift_right_logical(lax.iota(jnp.int32, 16),
                                       jnp.full((16,), 3, jnp.int32))
        pats = [(jnp.full((16,), 2 * j, jnp.int32) + half)[:, None]
                for j in range(4)]
        pat8 = jnp.full((16,), 8, jnp.int32)[:, None]
        gdn = lax.GatherDimensionNumbers(
            offset_dims=(), collapsed_slice_dims=(0,), start_index_map=(0,))

        def bcast(p, pat):
            return lax.gather(p, pat, gdn, slice_sizes=(1,),
                              mode=lax.GatherScatterMode.PROMISE_IN_BOUNDS)

        def issue(kk, srows, drows, sidx, didx, gsem):
            base = wid * _EPW + kk * ch
            pltpu.sync_copy(src_h.at[pl.ds(base, ch)], sidx)
            pltpu.sync_copy(dst_h.at[pl.ds(base, ch)], didx)
            pltpu.async_copy(tsrc_h.at[sidx], srows, gsem)
            pltpu.async_copy(tdst_h.at[didx], drows, gsem)

        def wait_gather(srows, drows, sidx, didx, gsem):
            pltpu.make_async_copy(tsrc_h.at[sidx], srows, gsem).wait()
            pltpu.make_async_copy(tdst_h.at[didx], drows, gsem).wait()

        def compute(srows, drows):
            if layer1:
                @plsc.parallel_loop(0, ch, unroll=8)
                def edge(e):
                    d = drows[e, :]
                    sa = srows[e, pl.ds(64, 16)]
                    t = sa + d
                    p = jnp.exp(jnp.maximum(t, 0.2 * t))
                    srows[e, pl.ds(64, 16)] = p
                    for j in range(4):
                        a = bcast(p, pats[j])
                        srows[e, pl.ds(16 * j, 16)] = (
                            srows[e, pl.ds(16 * j, 16)] * a)
            else:
                @plsc.parallel_loop(0, ch, unroll=8)
                def edge(e):
                    s16 = srows[e, :]
                    t = s16 + drows[e, :]
                    p = jnp.exp(jnp.maximum(t, 0.2 * t))
                    a = bcast(p, pat8)
                    srows[e, :] = s16 * a

        def scatter(srows, didx, ssem):
            pltpu.async_copy(srows, acc_sh.at[didx], ssem, add=True)

        def wait_scatter(srows, didx, ssem):
            pltpu.make_async_copy(srows, acc_sh.at[didx], ssem).wait()

        issue(0, srows0, drows0, sidx0, didx0, gsem0)
        issue(1, srows1, drows1, sidx1, didx1, gsem1)

        def outer(g, carry):
            c1 = 2 * g + 1

            wait_gather(srows0, drows0, sidx0, didx0, gsem0)
            compute(srows0, drows0)
            scatter(srows0, didx0, ssem0)

            @pl.when(c1 < nchunk)
            def _():
                wait_gather(srows1, drows1, sidx1, didx1, gsem1)
                compute(srows1, drows1)
                scatter(srows1, didx1, ssem1)

            wait_scatter(srows0, didx0, ssem0)

            @pl.when(c1 + 1 < nchunk)
            def _():
                issue(c1 + 1, srows0, drows0, sidx0, didx0, gsem0)

            @pl.when(c1 < nchunk)
            def _():
                wait_scatter(srows1, didx1, ssem1)

            @pl.when(c1 + 2 < nchunk)
            def _():
                issue(c1 + 2, srows1, drows1, sidx1, didx1, gsem1)

            return carry

        lax.fori_loop(0, (nchunk + 1) // 2, outer, 0)
        plsc.subcore_barrier()
        pltpu.sync_copy(acc_sh.at[pl.ds(s * _RPT, _RPT)],
                        out_h.at[c, pl.ds(s * _RPT, _RPT)])

    return k(tsrc, tdst, src_i, dst_i, zeros)



def kernel(x, edge_index, W1, att_src1, att_dst1, b1, W2, att_src2, att_dst2,
           b2):
    eye8 = jnp.eye(8, dtype=jnp.float32)
    blk_src1 = (att_src1[0][:, :, None] * eye8[:, None, :]).reshape(64, 8)
    blk_dst1 = (att_dst1[0][:, :, None] * eye8[:, None, :]).reshape(64, 8)
    rep8 = jnp.repeat(eye8, 8, axis=1).reshape(8, 64)
    vs2 = (W2 @ att_src2[0, 0]).reshape(64, 1)
    vd2 = (W2 @ att_dst2[0, 0]).reshape(64, 1)
    b1r = b1.reshape(1, 64)
    b2r = b2.reshape(1, 7)
    zeros80 = jnp.zeros((_NP, _W_SRC1), jnp.float32)
    zeros16 = jnp.zeros((_NP, _W_2), jnp.float32)

    tsrc1, tdst1 = pl.pallas_call(
        _tc1_body,
        grid=(_GRID,),
        in_specs=[
            pl.BlockSpec((_BLK, _D), lambda i: (i, 0)),
            _full((_D, 64)),
            _full((64, 8)),
            _full((64, 8)),
        ],
        out_specs=[
            pl.BlockSpec((_BLK, _W_SRC1), lambda i: (i, 0)),
            pl.BlockSpec((_BLK, _W_DST1), lambda i: (i, 0)),
        ],
        out_shape=[
            jax.ShapeDtypeStruct((_N, _W_SRC1), jnp.float32),
            jax.ShapeDtypeStruct((_N, _W_DST1), jnp.float32),
        ],
    )(x, W1, blk_src1, blk_dst1)

    src_i = edge_index[0]
    dst_i = edge_index[1]
    acc1 = _sc_edge_pass(_W_SRC1, _W_DST1, True, _CH1, tsrc1, tdst1, src_i,
                         dst_i, zeros80)

    tsrc2, tdst2 = pl.pallas_call(
        _tc2_body,
        grid=(_GRID,),
        in_specs=[
            _acc_spec(_W_SRC1),
            _full((1, 64)),
            _full((64, 7)),
            _full((64, 1)),
            _full((64, 1)),
            _full((8, 64)),
        ],
        out_specs=[
            pl.BlockSpec((_BLK, _W_2), lambda i: (i, 0)),
            pl.BlockSpec((_BLK, _W_2), lambda i: (i, 0)),
        ],
        out_shape=[
            jax.ShapeDtypeStruct((_N, _W_2), jnp.float32),
            jax.ShapeDtypeStruct((_N, _W_2), jnp.float32),
        ],
    )(acc1, b1r, W2, vs2, vd2, rep8)

    acc2 = _sc_edge_pass(_W_2, _W_2, False, _CH2, tsrc2, tdst2, src_i, dst_i,
                         zeros16)

    out = pl.pallas_call(
        _tc3_body,
        grid=(_GRID,),
        in_specs=[_acc_spec(_W_2), _full((1, 7))],
        out_specs=pl.BlockSpec((_BLK, 7), lambda i: (i, 0)),
        out_shape=jax.ShapeDtypeStruct((_N, 7), jnp.float32),
    )(acc2, b2r)

    return out

# --- scband reference (transcript-rebuilt; emitter-appended) ---
"""Pipeline reference for scband-gat-40467181863042 (READ-ONLY COPY).

The authoritative reference and input builder live on the scoring server;
editing this copy changes nothing except your own understanding.
"""

import jax, jax.numpy as jnp
import numpy as np

N = 10000
E = 320000
D = 128
H1, C1 = 8, 8
H2, C2 = 1, 7


def gat_conv(x, edge_index, W, att_src, att_dst, bias, heads, out_ch, concat):
    src = edge_index[0]
    dst = edge_index[1]
    n = x.shape[0]
    h = (x @ W).reshape(n, heads, out_ch)
    alpha_src = (h * att_src).sum(-1)  # [N, heads]
    alpha_dst = (h * att_dst).sum(-1)  # [N, heads]
    alpha = alpha_src[src] + alpha_dst[dst]  # [E, heads]
    alpha = jax.nn.leaky_relu(alpha, 0.2)
    amax = jax.ops.segment_max(alpha, dst, num_segments=n)
    amax = jnp.where(jnp.isfinite(amax), amax, 0.0)
    alpha = jnp.exp(alpha - amax[dst])
    denom = jax.ops.segment_sum(alpha, dst, num_segments=n)
    alpha = alpha / (denom[dst] + 1e-16)
    msg = h[src] * alpha[:, :, None]
    out = jax.ops.segment_sum(msg, dst, num_segments=n)
    if concat:
        out = out.reshape(n, heads * out_ch)
    else:
        out = out.mean(axis=1)
    return out + bias


def setup_inputs(seed: int = 0):
    key = jax.random.key(seed)
    ks = jax.random.split(key, 10)
    x = jax.random.normal(ks[0], (N, D), dtype=jnp.float32)
    edge_index = jax.random.randint(ks[1], (2, E), 0, N, dtype=jnp.int32)
    W1 = jax.random.normal(ks[2], (D, H1 * C1), dtype=jnp.float32) * 0.1
    att_src1 = jax.random.normal(ks[3], (1, H1, C1), dtype=jnp.float32) * 0.1
    att_dst1 = jax.random.normal(ks[4], (1, H1, C1), dtype=jnp.float32) * 0.1
    b1 = jnp.zeros((H1 * C1,), dtype=jnp.float32)
    W2 = jax.random.normal(ks[5], (H1 * C1, H2 * C2), dtype=jnp.float32) * 0.1
    att_src2 = jax.random.normal(ks[6], (1, H2, C2), dtype=jnp.float32) * 0.1
    att_dst2 = jax.random.normal(ks[7], (1, H2, C2), dtype=jnp.float32) * 0.1
    b2 = jnp.zeros((C2,), dtype=jnp.float32)
    return {"x": x, "edge_index": edge_index, "W1": W1, "att_src1": att_src1, "att_dst1": att_dst1, "b1": b1, "W2": W2, "att_src2": att_src2, "att_dst2": att_dst2, "b2": b2}


def reference(x, edge_index, W1, att_src1, att_dst1, b1, W2, att_src2, att_dst2, b2):
    # dropout is a no-op in eval mode
    h = jax.nn.elu(gat_conv(x, edge_index, W1, att_src1, att_dst1, b1, H1, C1, True))
    out = gat_conv(h, edge_index, W2, att_src2, att_dst2, b2, H2, C2, False)
    return out

if __name__ == "__main__":
    import jax
    _d = setup_inputs()
    print(jax.jit(kernel)(*tuple(_d.values())))

</pallas_src>

<mosaic_0001>
#map = affine_map<(d0, d1) -> (0, 0)>
#map1 = affine_map<(d0, d1) -> (0)>
#map2 = affine_map<(d0, d1) -> (0, 0, 0)>
module attributes {stable_mosaic.version = 14 : i64} {
  func.func @k(%arg0: i32, %arg1: i32, %arg2: memref<10000x80xf32, #tpu.memory_space<hbm>>, %arg3: memref<10000x16xf32, #tpu.memory_space<hbm>>, %arg4: memref<320000xi32, #tpu.memory_space<hbm>>, %arg5: memref<320000xi32, #tpu.memory_space<hbm>>, %arg6: memref<10240x80xf32, #tpu.memory_space<hbm>>, %arg7: memref<2x10240x80xf32, #tpu.memory_space<hbm>>, %arg8: memref<10240x80xf32, #tpu.memory_space<vmem_shared>>, %arg9: memref<400x80xf32, #tpu.memory_space<vmem>>, %arg10: memref<400x80xf32, #tpu.memory_space<vmem>>, %arg11: memref<400x16xf32, #tpu.memory_space<vmem>>, %arg12: memref<400x16xf32, #tpu.memory_space<vmem>>, %arg13: memref<400xi32, #tpu.memory_space<vmem>>, %arg14: memref<400xi32, #tpu.memory_space<vmem>>, %arg15: memref<400xi32, #tpu.memory_space<vmem>>, %arg16: memref<400xi32, #tpu.memory_space<vmem>>, %arg17: memref<!tpu.dma_semaphore, #tpu.memory_space<semaphore_mem>>, %arg18: memref<!tpu.dma_semaphore, #tpu.memory_space<semaphore_mem>>, %arg19: memref<!tpu.dma_semaphore, #tpu.memory_space<semaphore_mem>>, %arg20: memref<!tpu.dma_semaphore, #tpu.memory_space<semaphore_mem>>) attributes {dimension_semantics = [#tpu.dimension_semantics<core_parallel>, #tpu.dimension_semantics<subcore_parallel>], iteration_bounds = array<i64: 2, 16>, scalar_prefetch = 0 : i64, scratch_operands = 13 : i64, tpu.core_type = #tpu.core_type<sc_vector_subcore>, window_params = [{transform_indices = #map}, {transform_indices = #map}, {transform_indices = #map1}, {transform_indices = #map1}, {transform_indices = #map}, {transform_indices = #map2}]} {
    %mul3A = arith.constant 2 : i32
    %mul3A_0 = arith.muli %arg1, %mul3A : i32
    %add3A = arith.addi %mul3A_0, %arg0 : i32
    %mul3A_1 = arith.constant 640 : i32
    %mul3A_2 = arith.muli %arg1, %mul3A_1 : i32
    %mul3A_3 = arith.constant 640 : i32
    %mul3A_4 = arith.muli %arg1, %mul3A_3 : i32
    "tpu.region"() ({
      %run_scoped3A = tpu.sem_alloc : memref<!tpu.dma_semaphore, #tpu.memory_space<semaphore_mem>>
      %dma_start3A_54 = arith.constant 0 : i32
      %dma_start3A_55 = tpu.memref_slice %arg8[%mul3A_4, %dma_start3A_54] : memref<10240x80xf32, #tpu.memory_space<vmem_shared>> -> memref<640x80xf32, #tpu.memory_space<vmem_shared>>
      %dma_start3A_56 = arith.constant 0 : i32
      %dma_start3A_57 = tpu.memref_slice %arg6[%mul3A_2, %dma_start3A_56] : memref<10240x80xf32, #tpu.memory_space<hbm>> -> memref<640x80xf32, #tpu.memory_space<hbm>>
      tpu.enqueue_dma source(%dma_start3A_57 : memref<640x80xf32, #tpu.memory_space<hbm>>) target(%dma_start3A_55 : memref<640x80xf32, #tpu.memory_space<vmem_shared>>) target_semaphore(%run_scoped3A : memref<!tpu.dma_semaphore, #tpu.memory_space<semaphore_mem>>)
      %dma_wait3A = arith.constant 0 : i32
      %dma_wait3A_58 = tpu.memref_slice %arg8[%mul3A_4, %dma_wait3A] : memref<10240x80xf32, #tpu.memory_space<vmem_shared>> -> memref<640x80xf32, #tpu.memory_space<vmem_shared>>
      %dma_wait3A_59 = arith.constant 0 : i32
      %dma_wait3A_60 = tpu.memref_slice %arg6[%mul3A_2, %dma_wait3A_59] : memref<10240x80xf32, #tpu.memory_space<hbm>> -> memref<640x80xf32, #tpu.memory_space<hbm>>
      tpu.wait_dma2 semaphore(%run_scoped3A : memref<!tpu.dma_semaphore, #tpu.memory_space<semaphore_mem>>) src(%dma_wait3A_60 : memref<640x80xf32, #tpu.memory_space<hbm>>) dst(%dma_wait3A_58 : memref<640x80xf32, #tpu.memory_space<vmem_shared>>)
      tpu.yield
    }) : () -> ()
    %barrier3A = arith.constant 0 : index
    tpu.barrier barrier_id(%barrier3A)
    %iota3A = tpu.iota {dimensions = array<i32: 0>} : vector<16xi32>
    %broadcast_in_dim3A = arith.constant 3 : i32
    %broadcast_in_dim3A_5 = vector.broadcast %broadcast_in_dim3A : i32 to vector<16xi32>
    %shift_right_logical3A = arith.shrui %iota3A, %broadcast_in_dim3A_5 : vector<16xi32>
    %broadcast_in_dim3A_6 = arith.constant 0 : i32
    %broadcast_in_dim3A_7 = vector.broadcast %broadcast_in_dim3A_6 : i32 to vector<16xi32>
    %add3A_8 = arith.addi %broadcast_in_dim3A_7, %shift_right_logical3A : vector<16xi32>
    %broadcast_in_dim3A_9 = vector.shape_cast %add3A_8 : vector<16xi32> to vector<16x1xi32>
    %broadcast_in_dim3A_10 = arith.constant 2 : i32
    %broadcast_in_dim3A_11 = vector.broadcast %broadcast_in_dim3A_10 : i32 to vector<16xi32>
    %add3A_12 = arith.addi %broadcast_in_dim3A_11, %shift_right_logical3A : vector<16xi32>
    %broadcast_in_dim3A_13 = vector.shape_cast %add3A_12 : vector<16xi32> to vector<16x1xi32>
    %broadcast_in_dim3A_14 = arith.constant 4 : i32
    %broadcast_in_dim3A_15 = vector.broadcast %broadcast_in_dim3A_14 : i32 to vector<16xi32>
    %add3A_16 = arith.addi %broadcast_in_dim3A_15, %shift_right_logical3A : vector<16xi32>
    %broadcast_in_dim3A_17 = vector.shape_cast %add3A_16 : vector<16xi32> to vector<16x1xi32>
    %broadcast_in_dim3A_18 = arith.constant 6 : i32
    %broadcast_in_dim3A_19 = vector.broadcast %broadcast_in_dim3A_18 : i32 to vector<16xi32>
    %add3A_20 = arith.addi %broadcast_in_dim3A_19, %shift_right_logical3A : vector<16xi32>
    %broadcast_in_dim3A_21 = vector.shape_cast %add3A_20 : vector<16xi32> to vector<16x1xi32>
    %broadcast_in_dim3A_22 = arith.constant 8 : i32
    %broadcast_in_dim3A_23 = vector.broadcast %broadcast_in_dim3A_22 : i32 to vector<16xi32>
    %broadcast_in_dim3A_24 = vector.shape_cast %broadcast_in_dim3A_23 : vector<16xi32> to vector<16x1xi32>
    %mul3A_25 = arith.constant 10000 : i32
    %mul3A_26 = arith.muli %add3A, %mul3A_25 : i32
    %add3A_27 = arith.constant 0 : i32
    %add3A_28 = arith.addi %mul3A_26, %add3A_27 : i32
    "tpu.region"() ({
      %run_scoped3A = tpu.sem_alloc : memref<!tpu.dma_semaphore, #tpu.memory_space<semaphore_mem>>
      %dma_start3A_54 = tpu.memref_slice %arg4[%add3A_28] : memref<320000xi32, #tpu.memory_space<hbm>> -> memref<400xi32, #tpu.memory_space<hbm>>
      %dma_start3A_55 = tpu.memref_slice %arg4[%add3A_28] : memref<320000xi32, #tpu.memory_space<hbm>> -> memref<400xi32, #tpu.memory_space<hbm>>
      tpu.enqueue_dma source(%dma_start3A_55 : memref<400xi32, #tpu.memory_space<hbm>>) target(%arg13 : memref<400xi32, #tpu.memory_space<vmem>>) target_semaphore(%run_scoped3A : memref<!tpu.dma_semaphore, #tpu.memory_space<semaphore_mem>>)
      %dma_wait3A = tpu.memref_slice %arg4[%add3A_28] : memref<320000xi32, #tpu.memory_space<hbm>> -> memref<400xi32, #tpu.memory_space<hbm>>
      %dma_wait3A_56 = tpu.memref_slice %arg4[%add3A_28] : memref<320000xi32, #tpu.memory_space<hbm>> -> memref<400xi32, #tpu.memory_space<hbm>>
      tpu.wait_dma2 semaphore(%run_scoped3A : memref<!tpu.dma_semaphore, #tpu.memory_space<semaphore_mem>>) src(%dma_wait3A_56 : memref<400xi32, #tpu.memory_space<hbm>>) dst(%arg13 : memref<400xi32, #tpu.memory_space<vmem>>)
      tpu.yield
    }) : () -> ()
    "tpu.region"() ({
      %run_scoped3A = tpu.sem_alloc : memref<!tpu.dma_semaphore, #tpu.memory_space<semaphore_mem>>
      %dma_start3A_54 = tpu.memref_slice %arg5[%add3A_28] : memref<320000xi32, #tpu.memory_space<hbm>> -> memref<400xi32, #tpu.memory_space<hbm>>
      %dma_start3A_55 = tpu.memref_slice %arg5[%add3A_28] : memref<320000xi32, #tpu.memory_space<hbm>> -> memref<400xi32, #tpu.memory_space<hbm>>
      tpu.enqueue_dma source(%dma_start3A_55 : memref<400xi32, #tpu.memory_space<hbm>>) target(%arg15 : memref<400xi32, #tpu.memory_space<vmem>>) target_semaphore(%run_scoped3A : memref<!tpu.dma_semaphore, #tpu.memory_space<semaphore_mem>>)
      %dma_wait3A = tpu.memref_slice %arg5[%add3A_28] : memref<320000xi32, #tpu.memory_space<hbm>> -> memref<400xi32, #tpu.memory_space<hbm>>
      %dma_wait3A_56 = tpu.memref_slice %arg5[%add3A_28] : memref<320000xi32, #tpu.memory_space<hbm>> -> memref<400xi32, #tpu.memory_space<hbm>>
      tpu.wait_dma2 semaphore(%run_scoped3A : memref<!tpu.dma_semaphore, #tpu.memory_space<semaphore_mem>>) src(%dma_wait3A_56 : memref<400xi32, #tpu.memory_space<hbm>>) dst(%arg15 : memref<400xi32, #tpu.memory_space<vmem>>)
      tpu.yield
    }) : () -> ()
    %dma_start3A = arith.constant 0 : i32
    %dma_start3A_29 = arith.constant 0 : i32
    %dma_start3A_30 = tpu.memref_slice %arg2[%dma_start3A, %dma_start3A_29] : memref<10000x80xf32, #tpu.memory_space<hbm>> -> memref<10000x80xf32, #tpu.memory_space<hbm>>
    tpu.enqueue_indirect_dma source(%dma_start3A_30 : memref<10000x80xf32, #tpu.memory_space<hbm>>) target(%arg9 : memref<400x80xf32, #tpu.memory_space<vmem>>) offsets(%arg13 : memref<400xi32, #tpu.memory_space<vmem>>) semaphore(%arg17 : memref<!tpu.dma_semaphore, #tpu.memory_space<semaphore_mem>>)
    %dma_start3A_31 = arith.constant 0 : i32
    %dma_start3A_32 = arith.constant 0 : i32
    %dma_start3A_33 = tpu.memref_slice %arg3[%dma_start3A_31, %dma_start3A_32] : memref<10000x16xf32, #tpu.memory_space<hbm>> -> memref<10000x16xf32, #tpu.memory_space<hbm>>
    tpu.enqueue_indirect_dma source(%dma_start3A_33 : memref<10000x16xf32, #tpu.memory_space<hbm>>) target(%arg11 : memref<400x16xf32, #tpu.memory_space<vmem>>) offsets(%arg15 : memref<400xi32, #tpu.memory_space<vmem>>) semaphore(%arg17 : memref<!tpu.dma_semaphore, #tpu.memory_space<semaphore_mem>>)
    %mul3A_34 = arith.constant 10000 : i32
    %mul3A_35 = arith.muli %add3A, %mul3A_34 : i32
    %add3A_36 = arith.constant 400 : i32
    %add3A_37 = arith.addi %mul3A_35, %add3A_36 : i32
    "tpu.region"() ({
      %run_scoped3A = tpu.sem_alloc : memref<!tpu.dma_semaphore, #tpu.memory_space<semaphore_mem>>
      %dma_start3A_54 = tpu.memref_slice %arg4[%add3A_37] : memref<320000xi32, #tpu.memory_space<hbm>> -> memref<400xi32, #tpu.memory_space<hbm>>
      %dma_start3A_55 = tpu.memref_slice %arg4[%add3A_37] : memref<320000xi32, #tpu.memory_space<hbm>> -> memref<400xi32, #tpu.memory_space<hbm>>
      tpu.enqueue_dma source(%dma_start3A_55 : memref<400xi32, #tpu.memory_space<hbm>>) target(%arg14 : memref<400xi32, #tpu.memory_space<vmem>>) target_semaphore(%run_scoped3A : memref<!tpu.dma_semaphore, #tpu.memory_space<semaphore_mem>>)
      %dma_wait3A = tpu.memref_slice %arg4[%add3A_37] : memref<320000xi32, #tpu.memory_space<hbm>> -> memref<400xi32, #tpu.memory_space<hbm>>
      %dma_wait3A_56 = tpu.memref_slice %arg4[%add3A_37] : memref<320000xi32, #tpu.memory_space<hbm>> -> memref<400xi32, #tpu.memory_space<hbm>>
      tpu.wait_dma2 semaphore(%run_scoped3A : memref<!tpu.dma_semaphore, #tpu.memory_space<semaphore_mem>>) src(%dma_wait3A_56 : memref<400xi32, #tpu.memory_space<hbm>>) dst(%arg14 : memref<400xi32, #tpu.memory_space<vmem>>)
      tpu.yield
    }) : () -> ()
    "tpu.region"() ({
      %run_scoped3A = tpu.sem_alloc : memref<!tpu.dma_semaphore, #tpu.memory_space<semaphore_mem>>
      %dma_start3A_54 = tpu.memref_slice %arg5[%add3A_37] : memref<320000xi32, #tpu.memory_space<hbm>> -> memref<400xi32, #tpu.memory_space<hbm>>
      %dma_start3A_55 = tpu.memref_slice %arg5[%add3A_37] : memref<320000xi32, #tpu.memory_space<hbm>> -> memref<400xi32, #tpu.memory_space<hbm>>
      tpu.enqueue_dma source(%dma_start3A_55 : memref<400xi32, #tpu.memory_space<hbm>>) target(%arg16 : memref<400xi32, #tpu.memory_space<vmem>>) target_semaphore(%run_scoped3A : memref<!tpu.dma_semaphore, #tpu.memory_space<semaphore_mem>>)
      %dma_wait3A = tpu.memref_slice %arg5[%add3A_37] : memref<320000xi32, #tpu.memory_space<hbm>> -> memref<400xi32, #tpu.memory_space<hbm>>
      %dma_wait3A_56 = tpu.memref_slice %arg5[%add3A_37] : memref<320000xi32, #tpu.memory_space<hbm>> -> memref<400xi32, #tpu.memory_space<hbm>>
      tpu.wait_dma2 semaphore(%run_scoped3A : memref<!tpu.dma_semaphore, #tpu.memory_space<semaphore_mem>>) src(%dma_wait3A_56 : memref<400xi32, #tpu.memory_space<hbm>>) dst(%arg16 : memref<400xi32, #tpu.memory_space<vmem>>)
      tpu.yield
    }) : () -> ()
    %dma_start3A_38 = arith.constant 0 : i32
    %dma_start3A_39 = arith.constant 0 : i32
    %dma_start3A_40 = tpu.memref_slice %arg2[%dma_start3A_38, %dma_start3A_39] : memref<10000x80xf32, #tpu.memory_space<hbm>> -> memref<10000x80xf32, #tpu.memory_space<hbm>>
    tpu.enqueue_indirect_dma source(%dma_start3A_40 : memref<10000x80xf32, #tpu.memory_space<hbm>>) target(%arg10 : memref<400x80xf32, #tpu.memory_space<vmem>>) offsets(%arg14 : memref<400xi32, #tpu.memory_space<vmem>>) semaphore(%arg18 : memref<!tpu.dma_semaphore, #tpu.memory_space<semaphore_mem>>)
    %dma_start3A_41 = arith.constant 0 : i32
    %dma_start3A_42 = arith.constant 0 : i32
    %dma_start3A_43 = tpu.memref_slice %arg3[%dma_start3A_41, %dma_start3A_42] : memref<10000x16xf32, #tpu.memory_space<hbm>> -> memref<10000x16xf32, #tpu.memory_space<hbm>>
    tpu.enqueue_indirect_dma source(%dma_start3A_43 : memref<10000x16xf32, #tpu.memory_space<hbm>>) target(%arg12 : memref<400x16xf32, #tpu.memory_space<vmem>>) offsets(%arg16 : memref<400xi32, #tpu.memory_space<vmem>>) semaphore(%arg18 : memref<!tpu.dma_semaphore, #tpu.memory_space<semaphore_mem>>)
    %scan3A = arith.constant 0 : i32
    %scan3A_44 = arith.constant 0 : i32
    %scan3A_45 = arith.constant 13 : i32
    %scan3A_46 = arith.addi %scan3A_44, %scan3A_45 : i32
    %scan3A_47 = arith.constant 1 : i32
    scf.for %scan3A_54 = %scan3A_44 to %scan3A_46 step %scan3A_47  : i32 {
      %mul3A_55 = arith.constant 2 : i32
      %mul3A_56 = arith.muli %mul3A_55, %scan3A_54 : i32
      %add3A_57 = arith.constant 1 : i32
      %add3A_58 = arith.addi %mul3A_56, %add3A_57 : i32
      %dma_wait3A = arith.constant 0 : i32
      %dma_wait3A_59 = arith.constant 0 : i32
      %dma_wait3A_60 = tpu.memref_slice %arg2[%dma_wait3A, %dma_wait3A_59] : memref<10000x80xf32, #tpu.memory_space<hbm>> -> memref<10000x80xf32, #tpu.memory_space<hbm>>
      tpu.wait_indirect_dma semaphore(%arg17 : memref<!tpu.dma_semaphore, #tpu.memory_space<semaphore_mem>>) src(%dma_wait3A_60 : memref<10000x80xf32, #tpu.memory_space<hbm>>) dst(%arg9 : memref<400x80xf32, #tpu.memory_space<vmem>>)
      %dma_wait3A_61 = arith.constant 0 : i32
      %dma_wait3A_62 = arith.constant 0 : i32
      %dma_wait3A_63 = tpu.memref_slice %arg3[%dma_wait3A_61, %dma_wait3A_62] : memref<10000x16xf32, #tpu.memory_space<hbm>> -> memref<10000x16xf32, #tpu.memory_space<hbm>>
      tpu.wait_indirect_dma semaphore(%arg17 : memref<!tpu.dma_semaphore, #tpu.memory_space<semaphore_mem>>) src(%dma_wait3A_63 : memref<10000x16xf32, #tpu.memory_space<hbm>>) dst(%arg11 : memref<400x16xf32, #tpu.memory_space<vmem>>)
      %parallel_loop3A = arith.constant 0 : i32
      %parallel_loop3A_64 = arith.constant 400 : i32
      %parallel_loop3A_65 = arith.constant 1 : i32
      scf.for %parallel_loop3A_93 = %parallel_loop3A to %parallel_loop3A_64 step %parallel_loop3A_65  : i32 {
        %parallel_loop3A_94 = arith.index_cast %parallel_loop3A_93 : i32 to index
        %parallel_loop3A_95 = arith.constant 0 : index
        %parallel_loop3A_96 = tpu.vector_load %arg11[%parallel_loop3A_94, %parallel_loop3A_95] {strides = array<i32>} : memref<400x16xf32, #tpu.memory_space<vmem>>, vector<16xf32>,
        %parallel_loop3A_97 = arith.index_cast %parallel_loop3A_93 : i32 to index
        %parallel_loop3A_98 = arith.constant 64 : index
        %parallel_loop3A_99 = tpu.vector_load %arg9[%parallel_loop3A_97, %parallel_loop3A_98] {strides = array<i32>} : memref<400x80xf32, #tpu.memory_space<vmem>>, vector<16xf32>,
        %parallel_loop3A_100 = arith.addf %parallel_loop3A_99, %parallel_loop3A_96 : vector<16xf32>
        %parallel_loop3A_101 = arith.constant 2.000000e-01 : f32
        %parallel_loop3A_102 = vector.broadcast %parallel_loop3A_101 : f32 to vector<16xf32>
        %parallel_loop3A_103 = arith.mulf %parallel_loop3A_102, %parallel_loop3A_100 : vector<16xf32>
        %parallel_loop3A_104 = arith.maximumf %parallel_loop3A_100, %parallel_loop3A_103 : vector<16xf32>
        %parallel_loop3A_105 = math.exp %parallel_loop3A_104 : vector<16xf32>
        %parallel_loop3A_106 = arith.index_cast %parallel_loop3A_93 : i32 to index
        %parallel_loop3A_107 = arith.constant 64 : index
        %parallel_loop3A_108 = tpu.vector_load %arg9[%parallel_loop3A_106, %parallel_loop3A_107] {strides = array<i32>} : memref<400x80xf32, #tpu.memory_space<vmem>>, vector<16xf32>,
        tpu.vector_store %arg9[%parallel_loop3A_106, %parallel_loop3A_107], %parallel_loop3A_105 {strides = array<i32>} : memref<400x80xf32, #tpu.memory_space<vmem>>, vector<16xf32>,
        %parallel_loop3A_109 = vector.shape_cast %broadcast_in_dim3A_9 : vector<16x1xi32> to vector<16xi32>
        %parallel_loop3A_110 = tpu.dynamic_gather %parallel_loop3A_105[%parallel_loop3A_109] in [0] : vector<16xf32>, vector<16xi32> -> vector<16xf32>
        %parallel_loop3A_111 = arith.index_cast %parallel_loop3A_93 : i32 to index
        %parallel_loop3A_112 = arith.constant 0 : index
        %parallel_loop3A_113 = tpu.vector_load %arg9[%parallel_loop3A_111, %parallel_loop3A_112] {strides = array<i32>} : memref<400x80xf32, #tpu.memory_space<vmem>>, vector<16xf32>,
        %parallel_loop3A_114 = arith.mulf %parallel_loop3A_113, %parallel_loop3A_110 : vector<16xf32>
        %parallel_loop3A_115 = arith.index_cast %parallel_loop3A_93 : i32 to index
        %parallel_loop3A_116 = arith.constant 0 : index
        %parallel_loop3A_117 = tpu.vector_load %arg9[%parallel_loop3A_115, %parallel_loop3A_116] {strides = array<i32>} : memref<400x80xf32, #tpu.memory_space<vmem>>, vector<16xf32>,
        tpu.vector_store %arg9[%parallel_loop3A_115, %parallel_loop3A_116], %parallel_loop3A_114 {strides = array<i32>} : memref<400x80xf32, #tpu.memory_space<vmem>>, vector<16xf32>,
        %parallel_loop3A_118 = vector.shape_cast %broadcast_in_dim3A_13 : vector<16x1xi32> to vector<16xi32>
        %parallel_loop3A_119 = tpu.dynamic_gather %parallel_loop3A_105[%parallel_loop3A_118] in [0] : vector<16xf32>, vector<16xi32> -> vector<16xf32>
        %parallel_loop3A_120 = arith.index_cast %parallel_loop3A_93 : i32 to index
        %parallel_loop3A_121 = arith.constant 16 : index
        %parallel_loop3A_122 = tpu.vector_load %arg9[%parallel_loop3A_120, %parallel_loop3A_121] {strides = array<i32>} : memref<400x80xf32, #tpu.memory_space<vmem>>, vector<16xf32>,
        %parallel_loop3A_123 = arith.mulf %parallel_loop3A_122, %parallel_loop3A_119 : vector<16xf32>
        %parallel_loop3A_124 = arith.index_cast %parallel_loop3A_93 : i32 to index
        %parallel_loop3A_125 = arith.constant 16 : index
        %parallel_loop3A_126 = tpu.vector_load %arg9[%parallel_loop3A_124, %parallel_loop3A_125] {strides = array<i32>} : memref<400x80xf32, #tpu.memory_space<vmem>>, vector<16xf32>,
        tpu.vector_store %arg9[%parallel_loop3A_124, %parallel_loop3A_125], %parallel_loop3A_123 {strides = array<i32>} : memref<400x80xf32, #tpu.memory_space<vmem>>, vector<16xf32>,
        %parallel_loop3A_127 = vector.shape_cast %broadcast_in_dim3A_17 : vector<16x1xi32> to vector<16xi32>
        %parallel_loop3A_128 = tpu.dynamic_gather %parallel_loop3A_105[%parallel_loop3A_127] in [0] : vector<16xf32>, vector<16xi32> -> vector<16xf32>
        %parallel_loop3A_129 = arith.index_cast %parallel_loop3A_93 : i32 to index
        %parallel_loop3A_130 = arith.constant 32 : index
        %parallel_loop3A_131 = tpu.vector_load %arg9[%parallel_loop3A_129, %parallel_loop3A_130] {strides = array<i32>} : memref<400x80xf32, #tpu.memory_space<vmem>>, vector<16xf32>,
        %parallel_loop3A_132 = arith.mulf %parallel_loop3A_131, %parallel_loop3A_128 : vector<16xf32>
        %parallel_loop3A_133 = arith.index_cast %parallel_loop3A_93 : i32 to index
        %parallel_loop3A_134 = arith.constant 32 : index
        %parallel_loop3A_135 = tpu.vector_load %arg9[%parallel_loop3A_133, %parallel_loop3A_134] {strides = array<i32>} : memref<400x80xf32, #tpu.memory_space<vmem>>, vector<16xf32>,
        tpu.vector_store %arg9[%parallel_loop3A_133, %parallel_loop3A_134], %parallel_loop3A_132 {strides = array<i32>} : memref<400x80xf32, #tpu.memory_space<vmem>>, vector<16xf32>,
        %parallel_loop3A_136 = vector.shape_cast %broadcast_in_dim3A_21 : vector<16x1xi32> to vector<16xi32>
        %parallel_loop3A_137 = tpu.dynamic_gather %parallel_loop3A_105[%parallel_loop3A_136] in [0] : vector<16xf32>, vector<16xi32> -> vector<16xf32>
        %parallel_loop3A_138 = arith.index_cast %parallel_loop3A_93 : i32 to index
        %parallel_loop3A_139 = arith.constant 48 : index
        %parallel_loop3A_140 = tpu.vector_load %arg9[%parallel_loop3A_138, %parallel_loop3A_139] {strides = array<i32>} : memref<400x80xf32, #tpu.memory_space<vmem>>, vector<16xf32>,
        %parallel_loop3A_141 = arith.mulf %parallel_loop3A_140, %parallel_loop3A_137 : vector<16xf32>
        %parallel_loop3A_142 = arith.index_cast %parallel_loop3A_93 : i32 to index
        %parallel_loop3A_143 = arith.constant 48 : index
        %parallel_loop3A_144 = tpu.vector_load %arg9[%parallel_loop3A_142, %parallel_loop3A_143] {strides = array<i32>} : memref<400x80xf32, #tpu.memory_space<vmem>>, vector<16xf32>,
        tpu.vector_store %arg9[%parallel_loop3A_142, %parallel_loop3A_143], %parallel_loop3A_141 {strides = array<i32>} : memref<400x80xf32, #tpu.memory_space<vmem>>, vector<16xf32>,
      } {sc.loop_unroll_factor = 8 : i64, sc.parallel_access}
      %dma_start3A_66 = arith.constant 0 : i32
      %dma_start3A_67 = arith.constant 0 : i32
      %dma_start3A_68 = tpu.memref_slice %arg8[%dma_start3A_66, %dma_start3A_67] : memref<10240x80xf32, #tpu.memory_space<vmem_shared>> -> memref<10240x80xf32, #tpu.memory_space<vmem_shared>>
      tpu.enqueue_indirect_dma source(%arg9 : memref<400x80xf32, #tpu.memory_space<vmem>>) target(%dma_start3A_68 : memref<10240x80xf32, #tpu.memory_space<vmem_shared>>) offsets(%arg15 : memref<400xi32, #tpu.memory_space<vmem>>) semaphore(%arg19 : memref<!tpu.dma_semaphore, #tpu.memory_space<semaphore_mem>>) {add = true}
      %lt3A = arith.constant 25 : i32
      %lt3A_69 = arith.cmpi slt, %add3A_58, %lt3A : i32
      %convert_element_type3A = arith.extui %lt3A_69 : i1 to i32
      %cond3A = arith.constant 0 : i32
      %cond3A_70 = arith.cmpi ne, %convert_element_type3A, %cond3A : i32
      scf.if %cond3A_70 {
        %dma_wait3A_93 = arith.constant 0 : i32
        %dma_wait3A_94 = arith.constant 0 : i32
        %dma_wait3A_95 = tpu.memref_slice %arg2[%dma_wait3A_93, %dma_wait3A_94] : memref<10000x80xf32, #tpu.memory_space<hbm>> -> memref<10000x80xf32, #tpu.memory_space<hbm>>
        tpu.wait_indirect_dma semaphore(%arg18 : memref<!tpu.dma_semaphore, #tpu.memory_space<semaphore_mem>>) src(%dma_wait3A_95 : memref<10000x80xf32, #tpu.memory_space<hbm>>) dst(%arg10 : memref<400x80xf32, #tpu.memory_space<vmem>>)
        %dma_wait3A_96 = arith.constant 0 : i32
        %dma_wait3A_97 = arith.constant 0 : i32
        %dma_wait3A_98 = tpu.memref_slice %arg3[%dma_wait3A_96, %dma_wait3A_97] : memref<10000x16xf32, #tpu.memory_space<hbm>> -> memref<10000x16xf32, #tpu.memory_space<hbm>>
        tpu.wait_indirect_dma semaphore(%arg18 : memref<!tpu.dma_semaphore, #tpu.memory_space<semaphore_mem>>) src(%dma_wait3A_98 : memref<10000x16xf32, #tpu.memory_space<hbm>>) dst(%arg12 : memref<400x16xf32, #tpu.memory_space<vmem>>)
        %parallel_loop3A_99 = arith.constant 0 : i32
        %parallel_loop3A_100 = arith.constant 400 : i32
        %parallel_loop3A_101 = arith.constant 1 : i32
        scf.for %parallel_loop3A_105 = %parallel_loop3A_99 to %parallel_loop3A_100 step %parallel_loop3A_101  : i32 {
          %parallel_loop3A_106 = arith.index_cast %parallel_loop3A_105 : i32 to index
          %parallel_loop3A_107 = arith.constant 0 : index
          %parallel_loop3A_108 = tpu.vector_load %arg12[%parallel_loop3A_106, %parallel_loop3A_107] {strides = array<i32>} : memref<400x16xf32, #tpu.memory_space<vmem>>, vector<16xf32>,
          %parallel_loop3A_109 = arith.index_cast %parallel_loop3A_105 : i32 to index
          %parallel_loop3A_110 = arith.constant 64 : index
          %parallel_loop3A_111 = tpu.vector_load %arg10[%parallel_loop3A_109, %parallel_loop3A_110] {strides = array<i32>} : memref<400x80xf32, #tpu.memory_space<vmem>>, vector<16xf32>,
          %parallel_loop3A_112 = arith.addf %parallel_loop3A_111, %parallel_loop3A_108 : vector<16xf32>
          %parallel_loop3A_113 = arith.constant 2.000000e-01 : f32
          %parallel_loop3A_114 = vector.broadcast %parallel_loop3A_113 : f32 to vector<16xf32>
          %parallel_loop3A_115 = arith.mulf %parallel_loop3A_114, %parallel_loop3A_112 : vector<16xf32>
          %parallel_loop3A_116 = arith.maximumf %parallel_loop3A_112, %parallel_loop3A_115 : vector<16xf32>
          %parallel_loop3A_117 = math.exp %parallel_loop3A_116 : vector<16xf32>
          %parallel_loop3A_118 = arith.index_cast %parallel_loop3A_105 : i32 to index
          %parallel_loop3A_119 = arith.constant 64 : index
          %parallel_loop3A_120 = tpu.vector_load %arg10[%parallel_loop3A_118, %parallel_loop3A_119] {strides = array<i32>} : memref<400x80xf32, #tpu.memory_space<vmem>>, vector<16xf32>,
          tpu.vector_store %arg10[%parallel_loop3A_118, %parallel_loop3A_119], %parallel_loop3A_117 {strides = array<i32>} : memref<400x80xf32, #tpu.memory_space<vmem>>, vector<16xf32>,
          %parallel_loop3A_121 = vector.shape_cast %broadcast_in_dim3A_9 : vector<16x1xi32> to vector<16xi32>
          %parallel_loop3A_122 = tpu.dynamic_gather %parallel_loop3A_117[%parallel_loop3A_121] in [0] : vector<16xf32>, vector<16xi32> -> vector<16xf32>
          %parallel_loop3A_123 = arith.index_cast %parallel_loop3A_105 : i32 to index
          %parallel_loop3A_124 = arith.constant 0 : index
          %parallel_loop3A_125 = tpu.vector_load %arg10[%parallel_loop3A_123, %parallel_loop3A_124] {strides = array<i32>} : memref<400x80xf32, #tpu.memory_space<vmem>>, vector<16xf32>,
          %parallel_loop3A_126 = arith.mulf %parallel_loop3A_125, %parallel_loop3A_122 : vector<16xf32>
          %parallel_loop3A_127 = arith.index_cast %parallel_loop3A_105 : i32 to index
          %parallel_loop3A_128 = arith.constant 0 : index
          %parallel_loop3A_129 = tpu.vector_load %arg10[%parallel_loop3A_127, %parallel_loop3A_128] {strides = array<i32>} : memref<400x80xf32, #tpu.memory_space<vmem>>, vector<16xf32>,
          tpu.vector_store %arg10[%parallel_loop3A_127, %parallel_loop3A_128], %parallel_loop3A_126 {strides = array<i32>} : memref<400x80xf32, #tpu.memory_space<vmem>>, vector<16xf32>,
          %parallel_loop3A_130 = vector.shape_cast %broadcast_in_dim3A_13 : vector<16x1xi32> to vector<16xi32>
          %parallel_loop3A_131 = tpu.dynamic_gather %parallel_loop3A_117[%parallel_loop3A_130] in [0] : vector<16xf32>, vector<16xi32> -> vector<16xf32>
          %parallel_loop3A_132 = arith.index_cast %parallel_loop3A_105 : i32 to index
          %parallel_loop3A_133 = arith.constant 16 : index
          %parallel_loop3A_134 = tpu.vector_load %arg10[%parallel_loop3A_132, %parallel_loop3A_133] {strides = array<i32>} : memref<400x80xf32, #tpu.memory_space<vmem>>, vector<16xf32>,
          %parallel_loop3A_135 = arith.mulf %parallel_loop3A_134, %parallel_loop3A_131 : vector<16xf32>
          %parallel_loop3A_136 = arith.index_cast %parallel_loop3A_105 : i32 to index
          %parallel_loop3A_137 = arith.constant 16 : index
          %parallel_loop3A_138 = tpu.vector_load %arg10[%parallel_loop3A_136, %parallel_loop3A_137] {strides = array<i32>} : memref<400x80xf32, #tpu.memory_space<vmem>>, vector<16xf32>,
          tpu.vector_store %arg10[%parallel_loop3A_136, %parallel_loop3A_137], %parallel_loop3A_135 {strides = array<i32>} : memref<400x80xf32, #tpu.memory_space<vmem>>, vector<16xf32>,
          %parallel_loop3A_139 = vector.shape_cast %broadcast_in_dim3A_17 : vector<16x1xi32> to vector<16xi32>
          %parallel_loop3A_140 = tpu.dynamic_gather %parallel_loop3A_117[%parallel_loop3A_139] in [0] : vector<16xf32>, vector<16xi32> -> vector<16xf32>
          %parallel_loop3A_141 = arith.index_cast %parallel_loop3A_105 : i32 to index
          %parallel_loop3A_142 = arith.constant 32 : index
          %parallel_loop3A_143 = tpu.vector_load %arg10[%parallel_loop3A_141, %parallel_loop3A_142] {strides = array<i32>} : memref<400x80xf32, #tpu.memory_space<vmem>>, vector<16xf32>,
          %parallel_loop3A_144 = arith.mulf %parallel_loop3A_143, %parallel_loop3A_140 : vector<16xf32>
          %parallel_loop3A_145 = arith.index_cast %parallel_loop3A_105 : i32 to index
          %parallel_loop3A_146 = arith.constant 32 : index
          %parallel_loop3A_147 = tpu.vector_load %arg10[%parallel_loop3A_145, %parallel_loop3A_146] {strides = array<i32>} : memref<400x80xf32, #tpu.memory_space<vmem>>, vector<16xf32>,
          tpu.vector_store %arg10[%parallel_loop3A_145, %parallel_loop3A_146], %parallel_loop3A_144 {strides = array<i32>} : memref<400x80xf32, #tpu.memory_space<vmem>>, vector<16xf32>,
          %parallel_loop3A_148 = vector.shape_cast %broadcast_in_dim3A_21 : vector<16x1xi32> to vector<16xi32>
          %parallel_loop3A_149 = tpu.dynamic_gather %parallel_loop3A_117[%parallel_loop3A_148] in [0] : vector<16xf32>, vector<16xi32> -> vector<16xf32>
          %parallel_loop3A_150 = arith.index_cast %parallel_loop3A_105 : i32 to index
          %parallel_loop3A_151 = arith.constant 48 : index
          %parallel_loop3A_152 = tpu.vector_load %arg10[%parallel_loop3A_150, %parallel_loop3A_151] {strides = array<i32>} : memref<400x80xf32, #tpu.memory_space<vmem>>, vector<16xf32>,
          %parallel_loop3A_153 = arith.mulf %parallel_loop3A_152, %parallel_loop3A_149 : vector<16xf32>
          %parallel_loop3A_154 = arith.index_cast %parallel_loop3A_105 : i32 to index
          %parallel_loop3A_155 = arith.constant 48 : index
          %parallel_loop3A_156 = tpu.vector_load %arg10[%parallel_loop3A_154, %parallel_loop3A_155] {strides = array<i32>} : memref<400x80xf32, #tpu.memory_space<vmem>>, vector<16xf32>,
          tpu.vector_store %arg10[%parallel_loop3A_154, %parallel_loop3A_155], %parallel_loop3A_153 {strides = array<i32>} : memref<400x80xf32, #tpu.memory_space<vmem>>, vector<16xf32>,
        } {sc.loop_unroll_factor = 8 : i64, sc.parallel_access}
        %dma_start3A_102 = arith.constant 0 : i32
        %dma_start3A_103 = arith.constant 0 : i32
        %dma_start3A_104 = tpu.memref_slice %arg8[%dma_start3A_102, %dma_start3A_103] : memref<10240x80xf32, #tpu.memory_space<vmem_shared>> -> memref<10240x80xf32, #tpu.memory_space<vmem_shared>>
        tpu.enqueue_indirect_dma source(%arg10 : memref<400x80xf32, #tpu.memory_space<vmem>>) target(%dma_start3A_104 : memref<10240x80xf32, #tpu.memory_space<vmem_shared>>) offsets(%arg16 : memref<400xi32, #tpu.memory_space<vmem>>) semaphore(%arg20 : memref<!tpu.dma_semaphore, #tpu.memory_space<semaphore_mem>>) {add = true}
      } else {
      }
      %dma_wait3A_71 = arith.constant 0 : i32
      %dma_wait3A_72 = arith.constant 0 : i32
      %dma_wait3A_73 = tpu.memref_slice %arg8[%dma_wait3A_71, %dma_wait3A_72] : memref<10240x80xf32, #tpu.memory_space<vmem_shared>> -> memref<10240x80xf32, #tpu.memory_space<vmem_shared>>
      tpu.wait_indirect_dma semaphore(%arg19 : memref<!tpu.dma_semaphore, #tpu.memory_space<semaphore_mem>>) src(%arg9 : memref<400x80xf32, #tpu.memory_space<vmem>>) dst(%dma_wait3A_73 : memref<10240x80xf32, #tpu.memory_space<vmem_shared>>)
      %add3A_74 = arith.constant 1 : i32
      %add3A_75 = arith.addi %add3A_58, %add3A_74 : i32
      %lt3A_76 = arith.constant 25 : i32
      %lt3A_77 = arith.cmpi slt, %add3A_75, %lt3A_76 : i32
      %convert_element_type3A_78 = arith.extui %lt3A_77 : i1 to i32
      %cond3A_79 = arith.constant 0 : i32
      %cond3A_80 = arith.cmpi ne, %convert_element_type3A_78, %cond3A_79 : i32
      scf.if %cond3A_80 {
        %add3A_93 = arith.constant 1 : i32
        %add3A_94 = arith.addi %add3A_58, %add3A_93 : i32
        %mul3A_95 = arith.constant 10000 : i32
        %mul3A_96 = arith.muli %add3A, %mul3A_95 : i32
        %mul3A_97 = arith.constant 400 : i32
        %mul3A_98 = arith.muli %add3A_94, %mul3A_97 : i32
        %add3A_99 = arith.addi %mul3A_96, %mul3A_98 : i32
        "tpu.region"() ({
          %run_scoped3A = tpu.sem_alloc : memref<!tpu.dma_semaphore, #tpu.memory_space<semaphore_mem>>
          %dma_start3A_106 = tpu.memref_slice %arg4[%add3A_99] : memref<320000xi32, #tpu.memory_space<hbm>> -> memref<400xi32, #tpu.memory_space<hbm>>
          %dma_start3A_107 = tpu.memref_slice %arg4[%add3A_99] : memref<320000xi32, #tpu.memory_space<hbm>> -> memref<400xi32, #tpu.memory_space<hbm>>
          tpu.enqueue_dma source(%dma_start3A_107 : memref<400xi32, #tpu.memory_space<hbm>>) target(%arg13 : memref<400xi32, #tpu.memory_space<vmem>>) target_semaphore(%run_scoped3A : memref<!tpu.dma_semaphore, #tpu.memory_space<semaphore_mem>>)
          %dma_wait3A_108 = tpu.memref_slice %arg4[%add3A_99] : memref<320000xi32, #tpu.memory_space<hbm>> -> memref<400xi32, #tpu.memory_space<hbm>>
          %dma_wait3A_109 = tpu.memref_slice %arg4[%add3A_99] : memref<320000xi32, #tpu.memory_space<hbm>> -> memref<400xi32, #tpu.memory_space<hbm>>
          tpu.wait_dma2 semaphore(%run_scoped3A : memref<!tpu.dma_semaphore, #tpu.memory_space<semaphore_mem>>) src(%dma_wait3A_109 : memref<400xi32, #tpu.memory_space<hbm>>) dst(%arg13 : memref<400xi32, #tpu.memory_space<vmem>>)
          tpu.yield
        }) : () -> ()
        "tpu.region"() ({
          %run_scoped3A = tpu.sem_alloc : memref<!tpu.dma_semaphore, #tpu.memory_space<semaphore_mem>>
          %dma_start3A_106 = tpu.memref_slice %arg5[%add3A_99] : memref<320000xi32, #tpu.memory_space<hbm>> -> memref<400xi32, #tpu.memory_space<hbm>>
          %dma_start3A_107 = tpu.memref_slice %arg5[%add3A_99] : memref<320000xi32, #tpu.memory_space<hbm>> -> memref<400xi32, #tpu.memory_space<hbm>>
          tpu.enqueue_dma source(%dma_start3A_107 : memref<400xi32, #tpu.memory_space<hbm>>) target(%arg15 : memref<400xi32, #tpu.memory_space<vmem>>) target_semaphore(%run_scoped3A : memref<!tpu.dma_semaphore, #tpu.memory_space<semaphore_mem>>)
          %dma_wait3A_108 = tpu.memref_slice %arg5[%add3A_99] : memref<320000xi32, #tpu.memory_space<hbm>> -> memref<400xi32, #tpu.memory_space<hbm>>
          %dma_wait3A_109 = tpu.memref_slice %arg5[%add3A_99] : memref<320000xi32, #tpu.memory_space<hbm>> -> memref<400xi32, #tpu.memory_space<hbm>>
          tpu.wait_dma2 semaphore(%run_scoped3A : memref<!tpu.dma_semaphore, #tpu.memory_space<semaphore_mem>>) src(%dma_wait3A_109 : memref<400xi32, #tpu.memory_space<hbm>>) dst(%arg15 : memref<400xi32, #tpu.memory_space<vmem>>)
          tpu.yield
        }) : () -> ()
        %dma_start3A_100 = arith.constant 0 : i32
        %dma_start3A_101 = arith.constant 0 : i32
        %dma_start3A_102 = tpu.memref_slice %arg2[%dma_start3A_100, %dma_start3A_101] : memref<10000x80xf32, #tpu.memory_space<hbm>> -> memref<10000x80xf32, #tpu.memory_space<hbm>>
        tpu.enqueue_indirect_dma source(%dma_start3A_102 : memref<10000x80xf32, #tpu.memory_space<hbm>>) target(%arg9 : memref<400x80xf32, #tpu.memory_space<vmem>>) offsets(%arg13 : memref<400xi32, #tpu.memory_space<vmem>>) semaphore(%arg17 : memref<!tpu.dma_semaphore, #tpu.memory_space<semaphore_mem>>)
        %dma_start3A_103 = arith.constant 0 : i32
        %dma_start3A_104 = arith.constant 0 : i32
        %dma_start3A_105 = tpu.memref_slice %arg3[%dma_start3A_103, %dma_start3A_104] : memref<10000x16xf32, #tpu.memory_space<hbm>> -> memref<10000x16xf32, #tpu.memory_space<hbm>>
        tpu.enqueue_indirect_dma source(%dma_start3A_105 : memref<10000x16xf32, #tpu.memory_space<hbm>>) target(%arg11 : memref<400x16xf32, #tpu.memory_space<vmem>>) offsets(%arg15 : memref<400xi32, #tpu.memory_space<vmem>>) semaphore(%arg17 : memref<!tpu.dma_semaphore, #tpu.memory_space<semaphore_mem>>)
      } else {
      }
      %lt3A_81 = arith.constant 25 : i32
      %lt3A_82 = arith.cmpi slt, %add3A_58, %lt3A_81 : i32
      %convert_element_type3A_83 = arith.extui %lt3A_82 : i1 to i32
      %cond3A_84 = arith.constant 0 : i32
      %cond3A_85 = arith.cmpi ne, %convert_element_type3A_83, %cond3A_84 : i32
      scf.if %cond3A_85 {
        %dma_wait3A_93 = arith.constant 0 : i32
        %dma_wait3A_94 = arith.constant 0 : i32
        %dma_wait3A_95 = tpu.memref_slice %arg8[%dma_wait3A_93, %dma_wait3A_94] : memref<10240x80xf32, #tpu.memory_space<vmem_shared>> -> memref<10240x80xf32, #tpu.memory_space<vmem_shared>>
        tpu.wait_indirect_dma semaphore(%arg20 : memref<!tpu.dma_semaphore, #tpu.memory_space<semaphore_mem>>) src(%arg10 : memref<400x80xf32, #tpu.memory_space<vmem>>) dst(%dma_wait3A_95 : memref<10240x80xf32, #tpu.memory_space<vmem_shared>>)
      } else {
      }
      %add3A_86 = arith.constant 2 : i32
      %add3A_87 = arith.addi %add3A_58, %add3A_86 : i32
      %lt3A_88 = arith.constant 25 : i32
      %lt3A_89 = arith.cmpi slt, %add3A_87, %lt3A_88 : i32
      %convert_element_type3A_90 = arith.extui %lt3A_89 : i1 to i32
      %cond3A_91 = arith.constant 0 : i32
      %cond3A_92 = arith.cmpi ne, %convert_element_type3A_90, %cond3A_91 : i32
      scf.if %cond3A_92 {
        %add3A_93 = arith.constant 2 : i32
        %add3A_94 = arith.addi %add3A_58, %add3A_93 : i32
        %mul3A_95 = arith.constant 10000 : i32
        %mul3A_96 = arith.muli %add3A, %mul3A_95 : i32
        %mul3A_97 = arith.constant 400 : i32
        %mul3A_98 = arith.muli %add3A_94, %mul3A_97 : i32
        %add3A_99 = arith.addi %mul3A_96, %mul3A_98 : i32
        "tpu.region"() ({
          %run_scoped3A = tpu.sem_alloc : memref<!tpu.dma_semaphore, #tpu.memory_space<semaphore_mem>>
          %dma_start3A_106 = tpu.memref_slice %arg4[%add3A_99] : memref<320000xi32, #tpu.memory_space<hbm>> -> memref<400xi32, #tpu.memory_space<hbm>>
          %dma_start3A_107 = tpu.memref_slice %arg4[%add3A_99] : memref<320000xi32, #tpu.memory_space<hbm>> -> memref<400xi32, #tpu.memory_space<hbm>>
          tpu.enqueue_dma source(%dma_start3A_107 : memref<400xi32, #tpu.memory_space<hbm>>) target(%arg14 : memref<400xi32, #tpu.memory_space<vmem>>) target_semaphore(%run_scoped3A : memref<!tpu.dma_semaphore, #tpu.memory_space<semaphore_mem>>)
          %dma_wait3A_108 = tpu.memref_slice %arg4[%add3A_99] : memref<320000xi32, #tpu.memory_space<hbm>> -> memref<400xi32, #tpu.memory_space<hbm>>
          %dma_wait3A_109 = tpu.memref_slice %arg4[%add3A_99] : memref<320000xi32, #tpu.memory_space<hbm>> -> memref<400xi32, #tpu.memory_space<hbm>>
          tpu.wait_dma2 semaphore(%run_scoped3A : memref<!tpu.dma_semaphore, #tpu.memory_space<semaphore_mem>>) src(%dma_wait3A_109 : memref<400xi32, #tpu.memory_space<hbm>>) dst(%arg14 : memref<400xi32, #tpu.memory_space<vmem>>)
          tpu.yield
        }) : () -> ()
        "tpu.region"() ({
          %run_scoped3A = tpu.sem_alloc : memref<!tpu.dma_semaphore, #tpu.memory_space<semaphore_mem>>
          %dma_start3A_106 = tpu.memref_slice %arg5[%add3A_99] : memref<320000xi32, #tpu.memory_space<hbm>> -> memref<400xi32, #tpu.memory_space<hbm>>
          %dma_start3A_107 = tpu.memref_slice %arg5[%add3A_99] : memref<320000xi32, #tpu.memory_space<hbm>> -> memref<400xi32, #tpu.memory_space<hbm>>
          tpu.enqueue_dma source(%dma_start3A_107 : memref<400xi32, #tpu.memory_space<hbm>>) target(%arg16 : memref<400xi32, #tpu.memory_space<vmem>>) target_semaphore(%run_scoped3A : memref<!tpu.dma_semaphore, #tpu.memory_space<semaphore_mem>>)
          %dma_wait3A_108 = tpu.memref_slice %arg5[%add3A_99] : memref<320000xi32, #tpu.memory_space<hbm>> -> memref<400xi32, #tpu.memory_space<hbm>>
          %dma_wait3A_109 = tpu.memref_slice %arg5[%add3A_99] : memref<320000xi32, #tpu.memory_space<hbm>> -> memref<400xi32, #tpu.memory_space<hbm>>
          tpu.wait_dma2 semaphore(%run_scoped3A : memref<!tpu.dma_semaphore, #tpu.memory_space<semaphore_mem>>) src(%dma_wait3A_109 : memref<400xi32, #tpu.memory_space<hbm>>) dst(%arg16 : memref<400xi32, #tpu.memory_space<vmem>>)
          tpu.yield
        }) : () -> ()
        %dma_start3A_100 = arith.constant 0 : i32
        %dma_start3A_101 = arith.constant 0 : i32
        %dma_start3A_102 = tpu.memref_slice %arg2[%dma_start3A_100, %dma_start3A_101] : memref<10000x80xf32, #tpu.memory_space<hbm>> -> memref<10000x80xf32, #tpu.memory_space<hbm>>
        tpu.enqueue_indirect_dma source(%dma_start3A_102 : memref<10000x80xf32, #tpu.memory_space<hbm>>) target(%arg10 : memref<400x80xf32, #tpu.memory_space<vmem>>) offsets(%arg14 : memref<400xi32, #tpu.memory_space<vmem>>) semaphore(%arg18 : memref<!tpu.dma_semaphore, #tpu.memory_space<semaphore_mem>>)
        %dma_start3A_103 = arith.constant 0 : i32
        %dma_start3A_104 = arith.constant 0 : i32
        %dma_start3A_105 = tpu.memref_slice %arg3[%dma_start3A_103, %dma_start3A_104] : memref<10000x16xf32, #tpu.memory_space<hbm>> -> memref<10000x16xf32, #tpu.memory_space<hbm>>
        tpu.enqueue_indirect_dma source(%dma_start3A_105 : memref<10000x16xf32, #tpu.memory_space<hbm>>) target(%arg12 : memref<400x16xf32, #tpu.memory_space<vmem>>) offsets(%arg16 : memref<400xi32, #tpu.memory_space<vmem>>) semaphore(%arg18 : memref<!tpu.dma_semaphore, #tpu.memory_space<semaphore_mem>>)
      } else {
      }
    }
    %scan3A_48 = arith.constant 13 : i32
    %barrier3A_49 = arith.constant 0 : index
    tpu.barrier barrier_id(%barrier3A_49)
    %mul3A_50 = arith.constant 640 : i32
    %mul3A_51 = arith.muli %arg1, %mul3A_50 : i32
    %mul3A_52 = arith.constant 640 : i32
    %mul3A_53 = arith.muli %arg1, %mul3A_52 : i32
    "tpu.region"() ({
      %run_scoped3A = tpu.sem_alloc : memref<!tpu.dma_semaphore, #tpu.memory_space<semaphore_mem>>
      %dma_start3A_54 = arith.constant 0 : i32
      %dma_start3A_55 = tpu.memref_slice %arg7[%arg0, %mul3A_53, %dma_start3A_54] : memref<2x10240x80xf32, #tpu.memory_space<hbm>> -> memref<1x640x80xf32, #tpu.memory_space<hbm>>
      %dma_start3A_56 = tpu.memref_squeeze %dma_start3A_55 : memref<1x640x80xf32, #tpu.memory_space<hbm>> -> memref<640x80xf32, #tpu.memory_space<hbm>>
      %dma_start3A_57 = arith.constant 0 : i32
      %dma_start3A_58 = tpu.memref_slice %arg8[%mul3A_51, %dma_start3A_57] : memref<10240x80xf32, #tpu.memory_space<vmem_shared>> -> memref<640x80xf32, #tpu.memory_space<vmem_shared>>
      tpu.enqueue_dma source(%dma_start3A_58 : memref<640x80xf32, #tpu.memory_space<vmem_shared>>) target(%dma_start3A_56 : memref<640x80xf32, #tpu.memory_space<hbm>>) target_semaphore(%run_scoped3A : memref<!tpu.dma_semaphore, #tpu.memory_space<semaphore_mem>>)
      %dma_wait3A = arith.constant 0 : i32
      %dma_wait3A_59 = tpu.memref_slice %arg7[%arg0, %mul3A_53, %dma_wait3A] : memref<2x10240x80xf32, #tpu.memory_space<hbm>> -> memref<1x640x80xf32, #tpu.memory_space<hbm>>
      %dma_wait3A_60 = tpu.memref_squeeze %dma_wait3A_59 : memref<1x640x80xf32, #tpu.memory_space<hbm>> -> memref<640x80xf32, #tpu.memory_space<hbm>>
      %dma_wait3A_61 = arith.constant 0 : i32
      %dma_wait3A_62 = tpu.memref_slice %arg8[%mul3A_51, %dma_wait3A_61] : memref<10240x80xf32, #tpu.memory_space<vmem_shared>> -> memref<640x80xf32, #tpu.memory_space<vmem_shared>>
      tpu.wait_dma2 semaphore(%run_scoped3A : memref<!tpu.dma_semaphore, #tpu.memory_space<semaphore_mem>>) src(%dma_wait3A_62 : memref<640x80xf32, #tpu.memory_space<vmem_shared>>) dst(%dma_wait3A_60 : memref<640x80xf32, #tpu.memory_space<hbm>>)
      tpu.yield
    }) : () -> ()
    return
  }
}

#map = affine_map<(d0, d1) -> (0, 0)>
#map1 = affine_map<(d0, d1) -> (0)>
#map2 = affine_map<(d0, d1) -> (0, 0, 0)>
module attributes {stable_mosaic.version = 14 : i64} {
  func.func @k(%arg0: i32, %arg1: i32, %arg2: memref<10000x16xf32, #tpu.memory_space<hbm>>, %arg3: memref<10000x16xf32, #tpu.memory_space<hbm>>, %arg4: memref<320000xi32, #tpu.memory_space<hbm>>, %arg5: memref<320000xi32, #tpu.memory_space<hbm>>, %arg6: memref<10240x16xf32, #tpu.memory_space<hbm>>, %arg7: memref<2x10240x16xf32, #tpu.memory_space<hbm>>, %arg8: memref<10240x16xf32, #tpu.memory_space<vmem_shared>>, %arg9: memref<1000x16xf32, #tpu.memory_space<vmem>>, %arg10: memref<1000x16xf32, #tpu.memory_space<vmem>>, %arg11: memref<1000x16xf32, #tpu.memory_space<vmem>>, %arg12: memref<1000x16xf32, #tpu.memory_space<vmem>>, %arg13: memref<1000xi32, #tpu.memory_space<vmem>>, %arg14: memref<1000xi32, #tpu.memory_space<vmem>>, %arg15: memref<1000xi32, #tpu.memory_space<vmem>>, %arg16: memref<1000xi32, #tpu.memory_space<vmem>>, %arg17: memref<!tpu.dma_semaphore, #tpu.memory_space<semaphore_mem>>, %arg18: memref<!tpu.dma_semaphore, #tpu.memory_space<semaphore_mem>>, %arg19: memref<!tpu.dma_semaphore, #tpu.memory_space<semaphore_mem>>, %arg20: memref<!tpu.dma_semaphore, #tpu.memory_space<semaphore_mem>>) attributes {dimension_semantics = [#tpu.dimension_semantics<core_parallel>, #tpu.dimension_semantics<subcore_parallel>], iteration_bounds = array<i64: 2, 16>, scalar_prefetch = 0 : i64, scratch_operands = 13 : i64, tpu.core_type = #tpu.core_type<sc_vector_subcore>, window_params = [{transform_indices = #map}, {transform_indices = #map}, {transform_indices = #map1}, {transform_indices = #map1}, {transform_indices = #map}, {transform_indices = #map2}]} {
    %mul3A = arith.constant 2 : i32
    %mul3A_0 = arith.muli %arg1, %mul3A : i32
    %add3A = arith.addi %mul3A_0, %arg0 : i32
    %mul3A_1 = arith.constant 640 : i32
    %mul3A_2 = arith.muli %arg1, %mul3A_1 : i32
    %mul3A_3 = arith.constant 640 : i32
    %mul3A_4 = arith.muli %arg1, %mul3A_3 : i32
    "tpu.region"() ({
      %run_scoped3A = tpu.sem_alloc : memref<!tpu.dma_semaphore, #tpu.memory_space<semaphore_mem>>
      %dma_start3A_54 = arith.constant 0 : i32
      %dma_start3A_55 = tpu.memref_slice %arg8[%mul3A_4, %dma_start3A_54] : memref<10240x16xf32, #tpu.memory_space<vmem_shared>> -> memref<640x16xf32, #tpu.memory_space<vmem_shared>>
      %dma_start3A_56 = arith.constant 0 : i32
      %dma_start3A_57 = tpu.memref_slice %arg6[%mul3A_2, %dma_start3A_56] : memref<10240x16xf32, #tpu.memory_space<hbm>> -> memref<640x16xf32, #tpu.memory_space<hbm>>
      tpu.enqueue_dma source(%dma_start3A_57 : memref<640x16xf32, #tpu.memory_space<hbm>>) target(%dma_start3A_55 : memref<640x16xf32, #tpu.memory_space<vmem_shared>>) target_semaphore(%run_scoped3A : memref<!tpu.dma_semaphore, #tpu.memory_space<semaphore_mem>>)
      %dma_wait3A = arith.constant 0 : i32
      %dma_wait3A_58 = tpu.memref_slice %arg8[%mul3A_4, %dma_wait3A] : memref<10240x16xf32, #tpu.memory_space<vmem_shared>> -> memref<640x16xf32, #tpu.memory_space<vmem_shared>>
      %dma_wait3A_59 = arith.constant 0 : i32
      %dma_wait3A_60 = tpu.memref_slice %arg6[%mul3A_2, %dma_wait3A_59] : memref<10240x16xf32, #tpu.memory_space<hbm>> -> memref<640x16xf32, #tpu.memory_space<hbm>>
      tpu.wait_dma2 semaphore(%run_scoped3A : memref<!tpu.dma_semaphore, #tpu.memory_space<semaphore_mem>>) src(%dma_wait3A_60 : memref<640x16xf32, #tpu.memory_space<hbm>>) dst(%dma_wait3A_58 : memref<640x16xf32, #tpu.memory_space<vmem_shared>>)
      tpu.yield
    }) : () -> ()
    %barrier3A = arith.constant 0 : index
    tpu.barrier barrier_id(%barrier3A)
    %iota3A = tpu.iota {dimensions = array<i32: 0>} : vector<16xi32>
    %broadcast_in_dim3A = arith.constant 3 : i32
    %broadcast_in_dim3A_5 = vector.broadcast %broadcast_in_dim3A : i32 to vector<16xi32>
    %shift_right_logical3A = arith.shrui %iota3A, %broadcast_in_dim3A_5 : vector<16xi32>
    %broadcast_in_dim3A_6 = arith.constant 0 : i32
    %broadcast_in_dim3A_7 = vector.broadcast %broadcast_in_dim3A_6 : i32 to vector<16xi32>
    %add3A_8 = arith.addi %broadcast_in_dim3A_7, %shift_right_logical3A : vector<16xi32>
    %broadcast_in_dim3A_9 = vector.shape_cast %add3A_8 : vector<16xi32> to vector<16x1xi32>
    %broadcast_in_dim3A_10 = arith.constant 2 : i32
    %broadcast_in_dim3A_11 = vector.broadcast %broadcast_in_dim3A_10 : i32 to vector<16xi32>
    %add3A_12 = arith.addi %broadcast_in_dim3A_11, %shift_right_logical3A : vector<16xi32>
    %broadcast_in_dim3A_13 = vector.shape_cast %add3A_12 : vector<16xi32> to vector<16x1xi32>
    %broadcast_in_dim3A_14 = arith.constant 4 : i32
    %broadcast_in_dim3A_15 = vector.broadcast %broadcast_in_dim3A_14 : i32 to vector<16xi32>
    %add3A_16 = arith.addi %broadcast_in_dim3A_15, %shift_right_logical3A : vector<16xi32>
    %broadcast_in_dim3A_17 = vector.shape_cast %add3A_16 : vector<16xi32> to vector<16x1xi32>
    %broadcast_in_dim3A_18 = arith.constant 6 : i32
    %broadcast_in_dim3A_19 = vector.broadcast %broadcast_in_dim3A_18 : i32 to vector<16xi32>
    %add3A_20 = arith.addi %broadcast_in_dim3A_19, %shift_right_logical3A : vector<16xi32>
    %broadcast_in_dim3A_21 = vector.shape_cast %add3A_20 : vector<16xi32> to vector<16x1xi32>
    %broadcast_in_dim3A_22 = arith.constant 8 : i32
    %broadcast_in_dim3A_23 = vector.broadcast %broadcast_in_dim3A_22 : i32 to vector<16xi32>
    %broadcast_in_dim3A_24 = vector.shape_cast %broadcast_in_dim3A_23 : vector<16xi32> to vector<16x1xi32>
    %mul3A_25 = arith.constant 10000 : i32
    %mul3A_26 = arith.muli %add3A, %mul3A_25 : i32
    %add3A_27 = arith.constant 0 : i32
    %add3A_28 = arith.addi %mul3A_26, %add3A_27 : i32
    "tpu.region"() ({
      %run_scoped3A = tpu.sem_alloc : memref<!tpu.dma_semaphore, #tpu.memory_space<semaphore_mem>>
      %dma_start3A_54 = tpu.memref_slice %arg4[%add3A_28] : memref<320000xi32, #tpu.memory_space<hbm>> -> memref<1000xi32, #tpu.memory_space<hbm>>
      %dma_start3A_55 = tpu.memref_slice %arg4[%add3A_28] : memref<320000xi32, #tpu.memory_space<hbm>> -> memref<1000xi32, #tpu.memory_space<hbm>>
      tpu.enqueue_dma source(%dma_start3A_55 : memref<1000xi32, #tpu.memory_space<hbm>>) target(%arg13 : memref<1000xi32, #tpu.memory_space<vmem>>) target_semaphore(%run_scoped3A : memref<!tpu.dma_semaphore, #tpu.memory_space<semaphore_mem>>)
      %dma_wait3A = tpu.memref_slice %arg4[%add3A_28] : memref<320000xi32, #tpu.memory_space<hbm>> -> memref<1000xi32, #tpu.memory_space<hbm>>
      %dma_wait3A_56 = tpu.memref_slice %arg4[%add3A_28] : memref<320000xi32, #tpu.memory_space<hbm>> -> memref<1000xi32, #tpu.memory_space<hbm>>
      tpu.wait_dma2 semaphore(%run_scoped3A : memref<!tpu.dma_semaphore, #tpu.memory_space<semaphore_mem>>) src(%dma_wait3A_56 : memref<1000xi32, #tpu.memory_space<hbm>>) dst(%arg13 : memref<1000xi32, #tpu.memory_space<vmem>>)
      tpu.yield
    }) : () -> ()
    "tpu.region"() ({
      %run_scoped3A = tpu.sem_alloc : memref<!tpu.dma_semaphore, #tpu.memory_space<semaphore_mem>>
      %dma_start3A_54 = tpu.memref_slice %arg5[%add3A_28] : memref<320000xi32, #tpu.memory_space<hbm>> -> memref<1000xi32, #tpu.memory_space<hbm>>
      %dma_start3A_55 = tpu.memref_slice %arg5[%add3A_28] : memref<320000xi32, #tpu.memory_space<hbm>> -> memref<1000xi32, #tpu.memory_space<hbm>>
      tpu.enqueue_dma source(%dma_start3A_55 : memref<1000xi32, #tpu.memory_space<hbm>>) target(%arg15 : memref<1000xi32, #tpu.memory_space<vmem>>) target_semaphore(%run_scoped3A : memref<!tpu.dma_semaphore, #tpu.memory_space<semaphore_mem>>)
      %dma_wait3A = tpu.memref_slice %arg5[%add3A_28] : memref<320000xi32, #tpu.memory_space<hbm>> -> memref<1000xi32, #tpu.memory_space<hbm>>
      %dma_wait3A_56 = tpu.memref_slice %arg5[%add3A_28] : memref<320000xi32, #tpu.memory_space<hbm>> -> memref<1000xi32, #tpu.memory_space<hbm>>
      tpu.wait_dma2 semaphore(%run_scoped3A : memref<!tpu.dma_semaphore, #tpu.memory_space<semaphore_mem>>) src(%dma_wait3A_56 : memref<1000xi32, #tpu.memory_space<hbm>>) dst(%arg15 : memref<1000xi32, #tpu.memory_space<vmem>>)
      tpu.yield
    }) : () -> ()
    %dma_start3A = arith.constant 0 : i32
    %dma_start3A_29 = arith.constant 0 : i32
    %dma_start3A_30 = tpu.memref_slice %arg2[%dma_start3A, %dma_start3A_29] : memref<10000x16xf32, #tpu.memory_space<hbm>> -> memref<10000x16xf32, #tpu.memory_space<hbm>>
    tpu.enqueue_indirect_dma source(%dma_start3A_30 : memref<10000x16xf32, #tpu.memory_space<hbm>>) target(%arg9 : memref<1000x16xf32, #tpu.memory_space<vmem>>) offsets(%arg13 : memref<1000xi32, #tpu.memory_space<vmem>>) semaphore(%arg17 : memref<!tpu.dma_semaphore, #tpu.memory_space<semaphore_mem>>)
    %dma_start3A_31 = arith.constant 0 : i32
    %dma_start3A_32 = arith.constant 0 : i32
    %dma_start3A_33 = tpu.memref_slice %arg3[%dma_start3A_31, %dma_start3A_32] : memref<10000x16xf32, #tpu.memory_space<hbm>> -> memref<10000x16xf32, #tpu.memory_space<hbm>>
    tpu.enqueue_indirect_dma source(%dma_start3A_33 : memref<10000x16xf32, #tpu.memory_space<hbm>>) target(%arg11 : memref<1000x16xf32, #tpu.memory_space<vmem>>) offsets(%arg15 : memref<1000xi32, #tpu.memory_space<vmem>>) semaphore(%arg17 : memref<!tpu.dma_semaphore, #tpu.memory_space<semaphore_mem>>)
    %mul3A_34 = arith.constant 10000 : i32
    %mul3A_35 = arith.muli %add3A, %mul3A_34 : i32
    %add3A_36 = arith.constant 1000 : i32
    %add3A_37 = arith.addi %mul3A_35, %add3A_36 : i32
    "tpu.region"() ({
      %run_scoped3A = tpu.sem_alloc : memref<!tpu.dma_semaphore, #tpu.memory_space<semaphore_mem>>
      %dma_start3A_54 = tpu.memref_slice %arg4[%add3A_37] : memref<320000xi32, #tpu.memory_space<hbm>> -> memref<1000xi32, #tpu.memory_space<hbm>>
      %dma_start3A_55 = tpu.memref_slice %arg4[%add3A_37] : memref<320000xi32, #tpu.memory_space<hbm>> -> memref<1000xi32, #tpu.memory_space<hbm>>
      tpu.enqueue_dma source(%dma_start3A_55 : memref<1000xi32, #tpu.memory_space<hbm>>) target(%arg14 : memref<1000xi32, #tpu.memory_space<vmem>>) target_semaphore(%run_scoped3A : memref<!tpu.dma_semaphore, #tpu.memory_space<semaphore_mem>>)
      %dma_wait3A = tpu.memref_slice %arg4[%add3A_37] : memref<320000xi32, #tpu.memory_space<hbm>> -> memref<1000xi32, #tpu.memory_space<hbm>>
      %dma_wait3A_56 = tpu.memref_slice %arg4[%add3A_37] : memref<320000xi32, #tpu.memory_space<hbm>> -> memref<1000xi32, #tpu.memory_space<hbm>>
      tpu.wait_dma2 semaphore(%run_scoped3A : memref<!tpu.dma_semaphore, #tpu.memory_space<semaphore_mem>>) src(%dma_wait3A_56 : memref<1000xi32, #tpu.memory_space<hbm>>) dst(%arg14 : memref<1000xi32, #tpu.memory_space<vmem>>)
      tpu.yield
    }) : () -> ()
    "tpu.region"() ({
      %run_scoped3A = tpu.sem_alloc : memref<!tpu.dma_semaphore, #tpu.memory_space<semaphore_mem>>
      %dma_start3A_54 = tpu.memref_slice %arg5[%add3A_37] : memref<320000xi32, #tpu.memory_space<hbm>> -> memref<1000xi32, #tpu.memory_space<hbm>>
      %dma_start3A_55 = tpu.memref_slice %arg5[%add3A_37] : memref<320000xi32, #tpu.memory_space<hbm>> -> memref<1000xi32, #tpu.memory_space<hbm>>
      tpu.enqueue_dma source(%dma_start3A_55 : memref<1000xi32, #tpu.memory_space<hbm>>) target(%arg16 : memref<1000xi32, #tpu.memory_space<vmem>>) target_semaphore(%run_scoped3A : memref<!tpu.dma_semaphore, #tpu.memory_space<semaphore_mem>>)
      %dma_wait3A = tpu.memref_slice %arg5[%add3A_37] : memref<320000xi32, #tpu.memory_space<hbm>> -> memref<1000xi32, #tpu.memory_space<hbm>>
      %dma_wait3A_56 = tpu.memref_slice %arg5[%add3A_37] : memref<320000xi32, #tpu.memory_space<hbm>> -> memref<1000xi32, #tpu.memory_space<hbm>>
      tpu.wait_dma2 semaphore(%run_scoped3A : memref<!tpu.dma_semaphore, #tpu.memory_space<semaphore_mem>>) src(%dma_wait3A_56 : memref<1000xi32, #tpu.memory_space<hbm>>) dst(%arg16 : memref<1000xi32, #tpu.memory_space<vmem>>)
      tpu.yield
    }) : () -> ()
    %dma_start3A_38 = arith.constant 0 : i32
    %dma_start3A_39 = arith.constant 0 : i32
    %dma_start3A_40 = tpu.memref_slice %arg2[%dma_start3A_38, %dma_start3A_39] : memref<10000x16xf32, #tpu.memory_space<hbm>> -> memref<10000x16xf32, #tpu.memory_space<hbm>>
    tpu.enqueue_indirect_dma source(%dma_start3A_40 : memref<10000x16xf32, #tpu.memory_space<hbm>>) target(%arg10 : memref<1000x16xf32, #tpu.memory_space<vmem>>) offsets(%arg14 : memref<1000xi32, #tpu.memory_space<vmem>>) semaphore(%arg18 : memref<!tpu.dma_semaphore, #tpu.memory_space<semaphore_mem>>)
    %dma_start3A_41 = arith.constant 0 : i32
    %dma_start3A_42 = arith.constant 0 : i32
    %dma_start3A_43 = tpu.memref_slice %arg3[%dma_start3A_41, %dma_start3A_42] : memref<10000x16xf32, #tpu.memory_space<hbm>> -> memref<10000x16xf32, #tpu.memory_space<hbm>>
    tpu.enqueue_indirect_dma source(%dma_start3A_43 : memref<10000x16xf32, #tpu.memory_space<hbm>>) target(%arg12 : memref<1000x16xf32, #tpu.memory_space<vmem>>) offsets(%arg16 : memref<1000xi32, #tpu.memory_space<vmem>>) semaphore(%arg18 : memref<!tpu.dma_semaphore, #tpu.memory_space<semaphore_mem>>)
    %scan3A = arith.constant 0 : i32
    %scan3A_44 = arith.constant 0 : i32
    %scan3A_45 = arith.constant 5 : i32
    %scan3A_46 = arith.addi %scan3A_44, %scan3A_45 : i32
    %scan3A_47 = arith.constant 1 : i32
    scf.for %scan3A_54 = %scan3A_44 to %scan3A_46 step %scan3A_47  : i32 {
      %mul3A_55 = arith.constant 2 : i32
      %mul3A_56 = arith.muli %mul3A_55, %scan3A_54 : i32
      %add3A_57 = arith.constant 1 : i32
      %add3A_58 = arith.addi %mul3A_56, %add3A_57 : i32
      %dma_wait3A = arith.constant 0 : i32
      %dma_wait3A_59 = arith.constant 0 : i32
      %dma_wait3A_60 = tpu.memref_slice %arg2[%dma_wait3A, %dma_wait3A_59] : memref<10000x16xf32, #tpu.memory_space<hbm>> -> memref<10000x16xf32, #tpu.memory_space<hbm>>
      tpu.wait_indirect_dma semaphore(%arg17 : memref<!tpu.dma_semaphore, #tpu.memory_space<semaphore_mem>>) src(%dma_wait3A_60 : memref<10000x16xf32, #tpu.memory_space<hbm>>) dst(%arg9 : memref<1000x16xf32, #tpu.memory_space<vmem>>)
      %dma_wait3A_61 = arith.constant 0 : i32
      %dma_wait3A_62 = arith.constant 0 : i32
      %dma_wait3A_63 = tpu.memref_slice %arg3[%dma_wait3A_61, %dma_wait3A_62] : memref<10000x16xf32, #tpu.memory_space<hbm>> -> memref<10000x16xf32, #tpu.memory_space<hbm>>
      tpu.wait_indirect_dma semaphore(%arg17 : memref<!tpu.dma_semaphore, #tpu.memory_space<semaphore_mem>>) src(%dma_wait3A_63 : memref<10000x16xf32, #tpu.memory_space<hbm>>) dst(%arg11 : memref<1000x16xf32, #tpu.memory_space<vmem>>)
      %parallel_loop3A = arith.constant 0 : i32
      %parallel_loop3A_64 = arith.constant 1000 : i32
      %parallel_loop3A_65 = arith.constant 1 : i32
      scf.for %parallel_loop3A_93 = %parallel_loop3A to %parallel_loop3A_64 step %parallel_loop3A_65  : i32 {
        %parallel_loop3A_94 = arith.index_cast %parallel_loop3A_93 : i32 to index
        %parallel_loop3A_95 = arith.constant 0 : index
        %parallel_loop3A_96 = tpu.vector_load %arg9[%parallel_loop3A_94, %parallel_loop3A_95] {strides = array<i32>} : memref<1000x16xf32, #tpu.memory_space<vmem>>, vector<16xf32>,
        %parallel_loop3A_97 = arith.index_cast %parallel_loop3A_93 : i32 to index
        %parallel_loop3A_98 = arith.constant 0 : index
        %parallel_loop3A_99 = tpu.vector_load %arg11[%parallel_loop3A_97, %parallel_loop3A_98] {strides = array<i32>} : memref<1000x16xf32, #tpu.memory_space<vmem>>, vector<16xf32>,
        %parallel_loop3A_100 = arith.addf %parallel_loop3A_96, %parallel_loop3A_99 : vector<16xf32>
        %parallel_loop3A_101 = arith.constant 2.000000e-01 : f32
        %parallel_loop3A_102 = vector.broadcast %parallel_loop3A_101 : f32 to vector<16xf32>
        %parallel_loop3A_103 = arith.mulf %parallel_loop3A_102, %parallel_loop3A_100 : vector<16xf32>
        %parallel_loop3A_104 = arith.maximumf %parallel_loop3A_100, %parallel_loop3A_103 : vector<16xf32>
        %parallel_loop3A_105 = math.exp %parallel_loop3A_104 : vector<16xf32>
        %parallel_loop3A_106 = vector.shape_cast %broadcast_in_dim3A_24 : vector<16x1xi32> to vector<16xi32>
        %parallel_loop3A_107 = tpu.dynamic_gather %parallel_loop3A_105[%parallel_loop3A_106] in [0] : vector<16xf32>, vector<16xi32> -> vector<16xf32>
        %parallel_loop3A_108 = arith.mulf %parallel_loop3A_96, %parallel_loop3A_107 : vector<16xf32>
        %parallel_loop3A_109 = arith.index_cast %parallel_loop3A_93 : i32 to index
        %parallel_loop3A_110 = arith.constant 0 : index
        %parallel_loop3A_111 = tpu.vector_load %arg9[%parallel_loop3A_109, %parallel_loop3A_110] {strides = array<i32>} : memref<1000x16xf32, #tpu.memory_space<vmem>>, vector<16xf32>,
        tpu.vector_store %arg9[%parallel_loop3A_109, %parallel_loop3A_110], %parallel_loop3A_108 {strides = array<i32>} : memref<1000x16xf32, #tpu.memory_space<vmem>>, vector<16xf32>,
      } {sc.loop_unroll_factor = 8 : i64, sc.parallel_access}
      %dma_start3A_66 = arith.constant 0 : i32
      %dma_start3A_67 = arith.constant 0 : i32
      %dma_start3A_68 = tpu.memref_slice %arg8[%dma_start3A_66, %dma_start3A_67] : memref<10240x16xf32, #tpu.memory_space<vmem_shared>> -> memref<10240x16xf32, #tpu.memory_space<vmem_shared>>
      tpu.enqueue_indirect_dma source(%arg9 : memref<1000x16xf32, #tpu.memory_space<vmem>>) target(%dma_start3A_68 : memref<10240x16xf32, #tpu.memory_space<vmem_shared>>) offsets(%arg15 : memref<1000xi32, #tpu.memory_space<vmem>>) semaphore(%arg19 : memref<!tpu.dma_semaphore, #tpu.memory_space<semaphore_mem>>) {add = true}
      %lt3A = arith.constant 10 : i32
      %lt3A_69 = arith.cmpi slt, %add3A_58, %lt3A : i32
      %convert_element_type3A = arith.extui %lt3A_69 : i1 to i32
      %cond3A = arith.constant 0 : i32
      %cond3A_70 = arith.cmpi ne, %convert_element_type3A, %cond3A : i32
      scf.if %cond3A_70 {
        %dma_wait3A_93 = arith.constant 0 : i32
        %dma_wait3A_94 = arith.constant 0 : i32
        %dma_wait3A_95 = tpu.memref_slice %arg2[%dma_wait3A_93, %dma_wait3A_94] : memref<10000x16xf32, #tpu.memory_space<hbm>> -> memref<10000x16xf32, #tpu.memory_space<hbm>>
        tpu.wait_indirect_dma semaphore(%arg18 : memref<!tpu.dma_semaphore, #tpu.memory_space<semaphore_mem>>) src(%dma_wait3A_95 : memref<10000x16xf32, #tpu.memory_space<hbm>>) dst(%arg10 : memref<1000x16xf32, #tpu.memory_space<vmem>>)
        %dma_wait3A_96 = arith.constant 0 : i32
        %dma_wait3A_97 = arith.constant 0 : i32
        %dma_wait3A_98 = tpu.memref_slice %arg3[%dma_wait3A_96, %dma_wait3A_97] : memref<10000x16xf32, #tpu.memory_space<hbm>> -> memref<10000x16xf32, #tpu.memory_space<hbm>>
        tpu.wait_indirect_dma semaphore(%arg18 : memref<!tpu.dma_semaphore, #tpu.memory_space<semaphore_mem>>) src(%dma_wait3A_98 : memref<10000x16xf32, #tpu.memory_space<hbm>>) dst(%arg12 : memref<1000x16xf32, #tpu.memory_space<vmem>>)
        %parallel_loop3A_99 = arith.constant 0 : i32
        %parallel_loop3A_100 = arith.constant 1000 : i32
        %parallel_loop3A_101 = arith.constant 1 : i32
        scf.for %parallel_loop3A_105 = %parallel_loop3A_99 to %parallel_loop3A_100 step %parallel_loop3A_101  : i32 {
          %parallel_loop3A_106 = arith.index_cast %parallel_loop3A_105 : i32 to index
          %parallel_loop3A_107 = arith.constant 0 : index
          %parallel_loop3A_108 = tpu.vector_load %arg10[%parallel_loop3A_106, %parallel_loop3A_107] {strides = array<i32>} : memref<1000x16xf32, #tpu.memory_space<vmem>>, vector<16xf32>,
          %parallel_loop3A_109 = arith.index_cast %parallel_loop3A_105 : i32 to index
          %parallel_loop3A_110 = arith.constant 0 : index
          %parallel_loop3A_111 = tpu.vector_load %arg12[%parallel_loop3A_109, %parallel_loop3A_110] {strides = array<i32>} : memref<1000x16xf32, #tpu.memory_space<vmem>>, vector<16xf32>,
          %parallel_loop3A_112 = arith.addf %parallel_loop3A_108, %parallel_loop3A_111 : vector<16xf32>
          %parallel_loop3A_113 = arith.constant 2.000000e-01 : f32
          %parallel_loop3A_114 = vector.broadcast %parallel_loop3A_113 : f32 to vector<16xf32>
          %parallel_loop3A_115 = arith.mulf %parallel_loop3A_114, %parallel_loop3A_112 : vector<16xf32>
          %parallel_loop3A_116 = arith.maximumf %parallel_loop3A_112, %parallel_loop3A_115 : vector<16xf32>
          %parallel_loop3A_117 = math.exp %parallel_loop3A_116 : vector<16xf32>
          %parallel_loop3A_118 = vector.shape_cast %broadcast_in_dim3A_24 : vector<16x1xi32> to vector<16xi32>
          %parallel_loop3A_119 = tpu.dynamic_gather %parallel_loop3A_117[%parallel_loop3A_118] in [0] : vector<16xf32>, vector<16xi32> -> vector<16xf32>
          %parallel_loop3A_120 = arith.mulf %parallel_loop3A_108, %parallel_loop3A_119 : vector<16xf32>
          %parallel_loop3A_121 = arith.index_cast %parallel_loop3A_105 : i32 to index
          %parallel_loop3A_122 = arith.constant 0 : index
          %parallel_loop3A_123 = tpu.vector_load %arg10[%parallel_loop3A_121, %parallel_loop3A_122] {strides = array<i32>} : memref<1000x16xf32, #tpu.memory_space<vmem>>, vector<16xf32>,
          tpu.vector_store %arg10[%parallel_loop3A_121, %parallel_loop3A_122], %parallel_loop3A_120 {strides = array<i32>} : memref<1000x16xf32, #tpu.memory_space<vmem>>, vector<16xf32>,
        } {sc.loop_unroll_factor = 8 : i64, sc.parallel_access}
        %dma_start3A_102 = arith.constant 0 : i32
        %dma_start3A_103 = arith.constant 0 : i32
        %dma_start3A_104 = tpu.memref_slice %arg8[%dma_start3A_102, %dma_start3A_103] : memref<10240x16xf32, #tpu.memory_space<vmem_shared>> -> memref<10240x16xf32, #tpu.memory_space<vmem_shared>>
        tpu.enqueue_indirect_dma source(%arg10 : memref<1000x16xf32, #tpu.memory_space<vmem>>) target(%dma_start3A_104 : memref<10240x16xf32, #tpu.memory_space<vmem_shared>>) offsets(%arg16 : memref<1000xi32, #tpu.memory_space<vmem>>) semaphore(%arg20 : memref<!tpu.dma_semaphore, #tpu.memory_space<semaphore_mem>>) {add = true}
      } else {
      }
      %dma_wait3A_71 = arith.constant 0 : i32
      %dma_wait3A_72 = arith.constant 0 : i32
      %dma_wait3A_73 = tpu.memref_slice %arg8[%dma_wait3A_71, %dma_wait3A_72] : memref<10240x16xf32, #tpu.memory_space<vmem_shared>> -> memref<10240x16xf32, #tpu.memory_space<vmem_shared>>
      tpu.wait_indirect_dma semaphore(%arg19 : memref<!tpu.dma_semaphore, #tpu.memory_space<semaphore_mem>>) src(%arg9 : memref<1000x16xf32, #tpu.memory_space<vmem>>) dst(%dma_wait3A_73 : memref<10240x16xf32, #tpu.memory_space<vmem_shared>>)
      %add3A_74 = arith.constant 1 : i32
      %add3A_75 = arith.addi %add3A_58, %add3A_74 : i32
      %lt3A_76 = arith.constant 10 : i32
      %lt3A_77 = arith.cmpi slt, %add3A_75, %lt3A_76 : i32
      %convert_element_type3A_78 = arith.extui %lt3A_77 : i1 to i32
      %cond3A_79 = arith.constant 0 : i32
      %cond3A_80 = arith.cmpi ne, %convert_element_type3A_78, %cond3A_79 : i32
      scf.if %cond3A_80 {
        %add3A_93 = arith.constant 1 : i32
        %add3A_94 = arith.addi %add3A_58, %add3A_93 : i32
        %mul3A_95 = arith.constant 10000 : i32
        %mul3A_96 = arith.muli %add3A, %mul3A_95 : i32
        %mul3A_97 = arith.constant 1000 : i32
        %mul3A_98 = arith.muli %add3A_94, %mul3A_97 : i32
        %add3A_99 = arith.addi %mul3A_96, %mul3A_98 : i32
        "tpu.region"() ({
          %run_scoped3A = tpu.sem_alloc : memref<!tpu.dma_semaphore, #tpu.memory_space<semaphore_mem>>
          %dma_start3A_106 = tpu.memref_slice %arg4[%add3A_99] : memref<320000xi32, #tpu.memory_space<hbm>> -> memref<1000xi32, #tpu.memory_space<hbm>>
          %dma_start3A_107 = tpu.memref_slice %arg4[%add3A_99] : memref<320000xi32, #tpu.memory_space<hbm>> -> memref<1000xi32, #tpu.memory_space<hbm>>
          tpu.enqueue_dma source(%dma_start3A_107 : memref<1000xi32, #tpu.memory_space<hbm>>) target(%arg13 : memref<1000xi32, #tpu.memory_space<vmem>>) target_semaphore(%run_scoped3A : memref<!tpu.dma_semaphore, #tpu.memory_space<semaphore_mem>>)
          %dma_wait3A_108 = tpu.memref_slice %arg4[%add3A_99] : memref<320000xi32, #tpu.memory_space<hbm>> -> memref<1000xi32, #tpu.memory_space<hbm>>
          %dma_wait3A_109 = tpu.memref_slice %arg4[%add3A_99] : memref<320000xi32, #tpu.memory_space<hbm>> -> memref<1000xi32, #tpu.memory_space<hbm>>
          tpu.wait_dma2 semaphore(%run_scoped3A : memref<!tpu.dma_semaphore, #tpu.memory_space<semaphore_mem>>) src(%dma_wait3A_109 : memref<1000xi32, #tpu.memory_space<hbm>>) dst(%arg13 : memref<1000xi32, #tpu.memory_space<vmem>>)
          tpu.yield
        }) : () -> ()
        "tpu.region"() ({
          %run_scoped3A = tpu.sem_alloc : memref<!tpu.dma_semaphore, #tpu.memory_space<semaphore_mem>>
          %dma_start3A_106 = tpu.memref_slice %arg5[%add3A_99] : memref<320000xi32, #tpu.memory_space<hbm>> -> memref<1000xi32, #tpu.memory_space<hbm>>
          %dma_start3A_107 = tpu.memref_slice %arg5[%add3A_99] : memref<320000xi32, #tpu.memory_space<hbm>> -> memref<1000xi32, #tpu.memory_space<hbm>>
          tpu.enqueue_dma source(%dma_start3A_107 : memref<1000xi32, #tpu.memory_space<hbm>>) target(%arg15 : memref<1000xi32, #tpu.memory_space<vmem>>) target_semaphore(%run_scoped3A : memref<!tpu.dma_semaphore, #tpu.memory_space<semaphore_mem>>)
          %dma_wait3A_108 = tpu.memref_slice %arg5[%add3A_99] : memref<320000xi32, #tpu.memory_space<hbm>> -> memref<1000xi32, #tpu.memory_space<hbm>>
          %dma_wait3A_109 = tpu.memref_slice %arg5[%add3A_99] : memref<320000xi32, #tpu.memory_space<hbm>> -> memref<1000xi32, #tpu.memory_space<hbm>>
          tpu.wait_dma2 semaphore(%run_scoped3A : memref<!tpu.dma_semaphore, #tpu.memory_space<semaphore_mem>>) src(%dma_wait3A_109 : memref<1000xi32, #tpu.memory_space<hbm>>) dst(%arg15 : memref<1000xi32, #tpu.memory_space<vmem>>)
          tpu.yield
        }) : () -> ()
        %dma_start3A_100 = arith.constant 0 : i32
        %dma_start3A_101 = arith.constant 0 : i32
        %dma_start3A_102 = tpu.memref_slice %arg2[%dma_start3A_100, %dma_start3A_101] : memref<10000x16xf32, #tpu.memory_space<hbm>> -> memref<10000x16xf32, #tpu.memory_space<hbm>>
        tpu.enqueue_indirect_dma source(%dma_start3A_102 : memref<10000x16xf32, #tpu.memory_space<hbm>>) target(%arg9 : memref<1000x16xf32, #tpu.memory_space<vmem>>) offsets(%arg13 : memref<1000xi32, #tpu.memory_space<vmem>>) semaphore(%arg17 : memref<!tpu.dma_semaphore, #tpu.memory_space<semaphore_mem>>)
        %dma_start3A_103 = arith.constant 0 : i32
        %dma_start3A_104 = arith.constant 0 : i32
        %dma_start3A_105 = tpu.memref_slice %arg3[%dma_start3A_103, %dma_start3A_104] : memref<10000x16xf32, #tpu.memory_space<hbm>> -> memref<10000x16xf32, #tpu.memory_space<hbm>>
        tpu.enqueue_indirect_dma source(%dma_start3A_105 : memref<10000x16xf32, #tpu.memory_space<hbm>>) target(%arg11 : memref<1000x16xf32, #tpu.memory_space<vmem>>) offsets(%arg15 : memref<1000xi32, #tpu.memory_space<vmem>>) semaphore(%arg17 : memref<!tpu.dma_semaphore, #tpu.memory_space<semaphore_mem>>)
      } else {
      }
      %lt3A_81 = arith.constant 10 : i32
      %lt3A_82 = arith.cmpi slt, %add3A_58, %lt3A_81 : i32
      %convert_element_type3A_83 = arith.extui %lt3A_82 : i1 to i32
      %cond3A_84 = arith.constant 0 : i32
      %cond3A_85 = arith.cmpi ne, %convert_element_type3A_83, %cond3A_84 : i32
      scf.if %cond3A_85 {
        %dma_wait3A_93 = arith.constant 0 : i32
        %dma_wait3A_94 = arith.constant 0 : i32
        %dma_wait3A_95 = tpu.memref_slice %arg8[%dma_wait3A_93, %dma_wait3A_94] : memref<10240x16xf32, #tpu.memory_space<vmem_shared>> -> memref<10240x16xf32, #tpu.memory_space<vmem_shared>>
        tpu.wait_indirect_dma semaphore(%arg20 : memref<!tpu.dma_semaphore, #tpu.memory_space<semaphore_mem>>) src(%arg10 : memref<1000x16xf32, #tpu.memory_space<vmem>>) dst(%dma_wait3A_95 : memref<10240x16xf32, #tpu.memory_space<vmem_shared>>)
      } else {
      }
      %add3A_86 = arith.constant 2 : i32
      %add3A_87 = arith.addi %add3A_58, %add3A_86 : i32
      %lt3A_88 = arith.constant 10 : i32
      %lt3A_89 = arith.cmpi slt, %add3A_87, %lt3A_88 : i32
      %convert_element_type3A_90 = arith.extui %lt3A_89 : i1 to i32
      %cond3A_91 = arith.constant 0 : i32
      %cond3A_92 = arith.cmpi ne, %convert_element_type3A_90, %cond3A_91 : i32
      scf.if %cond3A_92 {
        %add3A_93 = arith.constant 2 : i32
        %add3A_94 = arith.addi %add3A_58, %add3A_93 : i32
        %mul3A_95 = arith.constant 10000 : i32
        %mul3A_96 = arith.muli %add3A, %mul3A_95 : i32
        %mul3A_97 = arith.constant 1000 : i32
        %mul3A_98 = arith.muli %add3A_94, %mul3A_97 : i32
        %add3A_99 = arith.addi %mul3A_96, %mul3A_98 : i32
        "tpu.region"() ({
          %run_scoped3A = tpu.sem_alloc : memref<!tpu.dma_semaphore, #tpu.memory_space<semaphore_mem>>
          %dma_start3A_106 = tpu.memref_slice %arg4[%add3A_99] : memref<320000xi32, #tpu.memory_space<hbm>> -> memref<1000xi32, #tpu.memory_space<hbm>>
          %dma_start3A_107 = tpu.memref_slice %arg4[%add3A_99] : memref<320000xi32, #tpu.memory_space<hbm>> -> memref<1000xi32, #tpu.memory_space<hbm>>
          tpu.enqueue_dma source(%dma_start3A_107 : memref<1000xi32, #tpu.memory_space<hbm>>) target(%arg14 : memref<1000xi32, #tpu.memory_space<vmem>>) target_semaphore(%run_scoped3A : memref<!tpu.dma_semaphore, #tpu.memory_space<semaphore_mem>>)
          %dma_wait3A_108 = tpu.memref_slice %arg4[%add3A_99] : memref<320000xi32, #tpu.memory_space<hbm>> -> memref<1000xi32, #tpu.memory_space<hbm>>
          %dma_wait3A_109 = tpu.memref_slice %arg4[%add3A_99] : memref<320000xi32, #tpu.memory_space<hbm>> -> memref<1000xi32, #tpu.memory_space<hbm>>
          tpu.wait_dma2 semaphore(%run_scoped3A : memref<!tpu.dma_semaphore, #tpu.memory_space<semaphore_mem>>) src(%dma_wait3A_109 : memref<1000xi32, #tpu.memory_space<hbm>>) dst(%arg14 : memref<1000xi32, #tpu.memory_space<vmem>>)
          tpu.yield
        }) : () -> ()
        "tpu.region"() ({
          %run_scoped3A = tpu.sem_alloc : memref<!tpu.dma_semaphore, #tpu.memory_space<semaphore_mem>>
          %dma_start3A_106 = tpu.memref_slice %arg5[%add3A_99] : memref<320000xi32, #tpu.memory_space<hbm>> -> memref<1000xi32, #tpu.memory_space<hbm>>
          %dma_start3A_107 = tpu.memref_slice %arg5[%add3A_99] : memref<320000xi32, #tpu.memory_space<hbm>> -> memref<1000xi32, #tpu.memory_space<hbm>>
          tpu.enqueue_dma source(%dma_start3A_107 : memref<1000xi32, #tpu.memory_space<hbm>>) target(%arg16 : memref<1000xi32, #tpu.memory_space<vmem>>) target_semaphore(%run_scoped3A : memref<!tpu.dma_semaphore, #tpu.memory_space<semaphore_mem>>)
          %dma_wait3A_108 = tpu.memref_slice %arg5[%add3A_99] : memref<320000xi32, #tpu.memory_space<hbm>> -> memref<1000xi32, #tpu.memory_space<hbm>>
          %dma_wait3A_109 = tpu.memref_slice %arg5[%add3A_99] : memref<320000xi32, #tpu.memory_space<hbm>> -> memref<1000xi32, #tpu.memory_space<hbm>>
          tpu.wait_dma2 semaphore(%run_scoped3A : memref<!tpu.dma_semaphore, #tpu.memory_space<semaphore_mem>>) src(%dma_wait3A_109 : memref<1000xi32, #tpu.memory_space<hbm>>) dst(%arg16 : memref<1000xi32, #tpu.memory_space<vmem>>)
          tpu.yield
        }) : () -> ()
        %dma_start3A_100 = arith.constant 0 : i32
        %dma_start3A_101 = arith.constant 0 : i32
        %dma_start3A_102 = tpu.memref_slice %arg2[%dma_start3A_100, %dma_start3A_101] : memref<10000x16xf32, #tpu.memory_space<hbm>> -> memref<10000x16xf32, #tpu.memory_space<hbm>>
        tpu.enqueue_indirect_dma source(%dma_start3A_102 : memref<10000x16xf32, #tpu.memory_space<hbm>>) target(%arg10 : memref<1000x16xf32, #tpu.memory_space<vmem>>) offsets(%arg14 : memref<1000xi32, #tpu.memory_space<vmem>>) semaphore(%arg18 : memref<!tpu.dma_semaphore, #tpu.memory_space<semaphore_mem>>)
        %dma_start3A_103 = arith.constant 0 : i32
        %dma_start3A_104 = arith.constant 0 : i32
        %dma_start3A_105 = tpu.memref_slice %arg3[%dma_start3A_103, %dma_start3A_104] : memref<10000x16xf32, #tpu.memory_space<hbm>> -> memref<10000x16xf32, #tpu.memory_space<hbm>>
        tpu.enqueue_indirect_dma source(%dma_start3A_105 : memref<10000x16xf32, #tpu.memory_space<hbm>>) target(%arg12 : memref<1000x16xf32, #tpu.memory_space<vmem>>) offsets(%arg16 : memref<1000xi32, #tpu.memory_space<vmem>>) semaphore(%arg18 : memref<!tpu.dma_semaphore, #tpu.memory_space<semaphore_mem>>)
      } else {
      }
    }
    %scan3A_48 = arith.constant 5 : i32
    %barrier3A_49 = arith.constant 0 : index
    tpu.barrier barrier_id(%barrier3A_49)
    %mul3A_50 = arith.constant 640 : i32
    %mul3A_51 = arith.muli %arg1, %mul3A_50 : i32
    %mul3A_52 = arith.constant 640 : i32
    %mul3A_53 = arith.muli %arg1, %mul3A_52 : i32
    "tpu.region"() ({
      %run_scoped3A = tpu.sem_alloc : memref<!tpu.dma_semaphore, #tpu.memory_space<semaphore_mem>>
      %dma_start3A_54 = arith.constant 0 : i32
      %dma_start3A_55 = tpu.memref_slice %arg7[%arg0, %mul3A_53, %dma_start3A_54] : memref<2x10240x16xf32, #tpu.memory_space<hbm>> -> memref<1x640x16xf32, #tpu.memory_space<hbm>>
      %dma_start3A_56 = tpu.memref_squeeze %dma_start3A_55 : memref<1x640x16xf32, #tpu.memory_space<hbm>> -> memref<640x16xf32, #tpu.memory_space<hbm>>
      %dma_start3A_57 = arith.constant 0 : i32
      %dma_start3A_58 = tpu.memref_slice %arg8[%mul3A_51, %dma_start3A_57] : memref<10240x16xf32, #tpu.memory_space<vmem_shared>> -> memref<640x16xf32, #tpu.memory_space<vmem_shared>>
      tpu.enqueue_dma source(%dma_start3A_58 : memref<640x16xf32, #tpu.memory_space<vmem_shared>>) target(%dma_start3A_56 : memref<640x16xf32, #tpu.memory_space<hbm>>) target_semaphore(%run_scoped3A : memref<!tpu.dma_semaphore, #tpu.memory_space<semaphore_mem>>)
      %dma_wait3A = arith.constant 0 : i32
      %dma_wait3A_59 = tpu.memref_slice %arg7[%arg0, %mul3A_53, %dma_wait3A] : memref<2x10240x16xf32, #tpu.memory_space<hbm>> -> memref<1x640x16xf32, #tpu.memory_space<hbm>>
      %dma_wait3A_60 = tpu.memref_squeeze %dma_wait3A_59 : memref<1x640x16xf32, #tpu.memory_space<hbm>> -> memref<640x16xf32, #tpu.memory_space<hbm>>
      %dma_wait3A_61 = arith.constant 0 : i32
      %dma_wait3A_62 = tpu.memref_slice %arg8[%mul3A_51, %dma_wait3A_61] : memref<10240x16xf32, #tpu.memory_space<vmem_shared>> -> memref<640x16xf32, #tpu.memory_space<vmem_shared>>
      tpu.wait_dma2 semaphore(%run_scoped3A : memref<!tpu.dma_semaphore, #tpu.memory_space<semaphore_mem>>) src(%dma_wait3A_62 : memref<640x16xf32, #tpu.memory_space<vmem_shared>>) dst(%dma_wait3A_60 : memref<640x16xf32, #tpu.memory_space<hbm>>)
      tpu.yield
    }) : () -> ()
    return
  }
}

module attributes {stable_mosaic.version = 14 : i64} {
  func.func @_tc1_body(%arg0: i32, %arg1: memref<1000x128xf32, #tpu.memory_space<vmem>>, %arg2: memref<128x64xf32, #tpu.memory_space<vmem>>, %arg3: memref<64x8xf32, #tpu.memory_space<vmem>>, %arg4: memref<64x8xf32, #tpu.memory_space<vmem>>, %arg5: memref<1000x80xf32, #tpu.memory_space<vmem>>, %arg6: memref<1000x16xf32, #tpu.memory_space<vmem>>) attributes {dimension_semantics = [#tpu.dimension_semantics<arbitrary>], iteration_bounds = array<i64: 10>, scalar_prefetch = 0 : i64, scratch_operands = 0 : i64, tpu.core_type = #tpu.core_type<tc>, window_params = [{transform_indices = @transform_0, window_bounds = array<i64: 1000, 128>}, {pipeline_mode = #tpu.pipeline_mode<synchronous>, transform_indices = @transform_1, window_bounds = array<i64: 128, 64>}, {pipeline_mode = #tpu.pipeline_mode<synchronous>, transform_indices = @transform_2, window_bounds = array<i64: 64, 8>}, {pipeline_mode = #tpu.pipeline_mode<synchronous>, transform_indices = @transform_3, window_bounds = array<i64: 64, 8>}, {transform_indices = @transform_4, window_bounds = array<i64: 1000, 80>}, {transform_indices = @transform_5, window_bounds = array<i64: 1000, 16>}]} {
    %get3A = arith.constant 0 : index
    %get3A_0 = arith.constant 0 : index
    %get3A_1 = vector.load %arg1[%get3A, %get3A_0] : memref<1000x128xf32, #tpu.memory_space<vmem>>, vector<1000x128xf32>
    %get3A_2 = arith.constant 0 : index
    %get3A_3 = arith.constant 0 : index
    %get3A_4 = vector.load %arg2[%get3A_2, %get3A_3] : memref<128x64xf32, #tpu.memory_space<vmem>>, vector<128x64xf32>
    %dot_general3A = arith.constant dense<0.000000e+00> : vector<1000x64xf32>
    %dot_general3A_5 = tpu.matmul %get3A_1, %get3A_4, %dot_general3A {dimension_numbers = #tpu.dot_dimension_numbers<[1], [0], [0], [1], [0, 0, 1, 1], [], []>, transpose_lhs_hint = false} : vector<1000x128xf32>, vector<128x64xf32>, vector<1000x64xf32> -> vector<1000x64xf32>
    %get3A_6 = arith.constant 0 : index
    %get3A_7 = arith.constant 0 : index
    %get3A_8 = vector.load %arg3[%get3A_6, %get3A_7] : memref<64x8xf32, #tpu.memory_space<vmem>>, vector<64x8xf32>
    %dot_general3A_9 = arith.constant dense<0.000000e+00> : vector<1000x8xf32>
    %dot_general3A_10 = tpu.matmul %dot_general3A_5, %get3A_8, %dot_general3A_9 {dimension_numbers = #tpu.dot_dimension_numbers<[1], [0], [0], [1], [0, 0, 1, 1], [], []>, transpose_lhs_hint = false} : vector<1000x64xf32>, vector<64x8xf32>, vector<1000x8xf32> -> vector<1000x8xf32>
    %get3A_11 = arith.constant 0 : index
    %get3A_12 = arith.constant 0 : index
    %get3A_13 = vector.load %arg4[%get3A_11, %get3A_12] : memref<64x8xf32, #tpu.memory_space<vmem>>, vector<64x8xf32>
    %dot_general3A_14 = arith.constant dense<0.000000e+00> : vector<1000x8xf32>
    %dot_general3A_15 = tpu.matmul %dot_general3A_5, %get3A_13, %dot_general3A_14 {dimension_numbers = #tpu.dot_dimension_numbers<[1], [0], [0], [1], [0, 0, 1, 1], [], []>, transpose_lhs_hint = false} : vector<1000x64xf32>, vector<64x8xf32>, vector<1000x8xf32> -> vector<1000x8xf32>
    %broadcast_in_dim3A = arith.constant 0.000000e+00 : f32
    %broadcast_in_dim3A_16 = vector.broadcast %broadcast_in_dim3A : f32 to vector<1000x8xf32>
    %concatenate3A = tpu.concatenate %dot_general3A_5, %dot_general3A_10, %broadcast_in_dim3A_16 in 1 : vector<1000x64xf32>, vector<1000x8xf32>, vector<1000x8xf32> -> vector<1000x80xf32>
    %swap3A = arith.constant 0 : index
    %swap3A_17 = arith.constant 0 : index
    %swap3A_18 = vector.load %arg5[%swap3A, %swap3A_17] : memref<1000x80xf32, #tpu.memory_space<vmem>>, vector<1000x80xf32>
    tpu.vector_store %arg5[%swap3A, %swap3A_17], %concatenate3A {strides = array<i32>} : memref<1000x80xf32, #tpu.memory_space<vmem>>, vector<1000x80xf32>,
    %concatenate3A_19 = tpu.concatenate %dot_general3A_15, %broadcast_in_dim3A_16 in 1 : vector<1000x8xf32>, vector<1000x8xf32> -> vector<1000x16xf32>
    %swap3A_20 = arith.constant 0 : index
    %swap3A_21 = arith.constant 0 : index
    %swap3A_22 = vector.load %arg6[%swap3A_20, %swap3A_21] : memref<1000x16xf32, #tpu.memory_space<vmem>>, vector<1000x16xf32>
    tpu.vector_store %arg6[%swap3A_20, %swap3A_21], %concatenate3A_19 {strides = array<i32>} : memref<1000x16xf32, #tpu.memory_space<vmem>>, vector<1000x16xf32>,
    return
  }
  func.func @transform_0(%arg0: i32) -> (i32, i32) {
    %c0_i32 = arith.constant 0 : i32
    %c0_i32_0 = arith.constant 0 : i32
    return %arg0, %c0_i32 : i32, i32
  }
  func.func @transform_1(%arg0: i32) -> (i32, i32) {
    %c0_i32 = arith.constant 0 : i32
    %c0_i32_0 = arith.constant 0 : i32
    %c0_i32_1 = arith.constant 0 : i32
    return %c0_i32, %c0_i32_0 : i32, i32
  }
  func.func @transform_2(%arg0: i32) -> (i32, i32) {
    %c0_i32 = arith.constant 0 : i32
    %c0_i32_0 = arith.constant 0 : i32
    %c0_i32_1 = arith.constant 0 : i32
    return %c0_i32, %c0_i32_0 : i32, i32
  }
  func.func @transform_3(%arg0: i32) -> (i32, i32) {
    %c0_i32 = arith.constant 0 : i32
    %c0_i32_0 = arith.constant 0 : i32
    %c0_i32_1 = arith.constant 0 : i32
    return %c0_i32, %c0_i32_0 : i32, i32
  }
  func.func @transform_4(%arg0: i32) -> (i32, i32) {
    %c0_i32 = arith.constant 0 : i32
    %c0_i32_0 = arith.constant 0 : i32
    return %arg0, %c0_i32 : i32, i32
  }
  func.func @transform_5(%arg0: i32) -> (i32, i32) {
    %c0_i32 = arith.constant 0 : i32
    %c0_i32_0 = arith.constant 0 : i32
    return %arg0, %c0_i32 : i32, i32
  }
}

module attributes {stable_mosaic.version = 14 : i64} {
  func.func @_tc2_body(%arg0: i32, %arg1: memref<2x1000x80xf32, #tpu.memory_space<vmem>>, %arg2: memref<1x64xf32, #tpu.memory_space<vmem>>, %arg3: memref<64x7xf32, #tpu.memory_space<vmem>>, %arg4: memref<64x1xf32, #tpu.memory_space<vmem>>, %arg5: memref<64x1xf32, #tpu.memory_space<vmem>>, %arg6: memref<8x64xf32, #tpu.memory_space<vmem>>, %arg7: memref<1000x16xf32, #tpu.memory_space<vmem>>, %arg8: memref<1000x16xf32, #tpu.memory_space<vmem>>) attributes {dimension_semantics = [#tpu.dimension_semantics<arbitrary>], iteration_bounds = array<i64: 10>, scalar_prefetch = 0 : i64, scratch_operands = 0 : i64, tpu.core_type = #tpu.core_type<tc>, window_params = [{transform_indices = @transform_0, window_bounds = array<i64: 2, 1000, 80>}, {pipeline_mode = #tpu.pipeline_mode<synchronous>, transform_indices = @transform_1, window_bounds = array<i64: 1, 64>}, {pipeline_mode = #tpu.pipeline_mode<synchronous>, transform_indices = @transform_2, window_bounds = array<i64: 64, 7>}, {pipeline_mode = #tpu.pipeline_mode<synchronous>, transform_indices = @transform_3, window_bounds = array<i64: 64, 1>}, {pipeline_mode = #tpu.pipeline_mode<synchronous>, transform_indices = @transform_4, window_bounds = array<i64: 64, 1>}, {pipeline_mode = #tpu.pipeline_mode<synchronous>, transform_indices = @transform_5, window_bounds = array<i64: 8, 64>}, {transform_indices = @transform_6, window_bounds = array<i64: 1000, 16>}, {transform_indices = @transform_7, window_bounds = array<i64: 1000, 16>}]} {
    %get3A = arith.constant 0 : index
    %get3A_0 = arith.constant 0 : index
    %get3A_1 = arith.constant 0 : index
    %get3A_2 = vector.load %arg1[%get3A, %get3A_0, %get3A_1] : memref<2x1000x80xf32, #tpu.memory_space<vmem>>, vector<1x1000x80xf32>
    %get3A_3 = vector.shape_cast %get3A_2 : vector<1x1000x80xf32> to vector<1000x80xf32>
    %get3A_4 = arith.constant 1 : index
    %get3A_5 = arith.constant 0 : index
    %get3A_6 = arith.constant 0 : index
    %get3A_7 = vector.load %arg1[%get3A_4, %get3A_5, %get3A_6] : memref<2x1000x80xf32, #tpu.memory_space<vmem>>, vector<1x1000x80xf32>
    %get3A_8 = vector.shape_cast %get3A_7 : vector<1x1000x80xf32> to vector<1000x80xf32>
    %add3A = arith.addf %get3A_3, %get3A_8 : vector<1000x80xf32>
    %slice3A = vector.extract_strided_slice %add3A {offsets = [0, 0], sizes = [1000, 64], strides = [1, 1]} : vector<1000x80xf32> to vector<1000x64xf32>
    %slice3A_9 = vector.extract_strided_slice %add3A {offsets = [0, 64], sizes = [1000, 8], strides = [1, 1]} : vector<1000x80xf32> to vector<1000x8xf32>
    %get3A_10 = arith.constant 0 : index
    %get3A_11 = arith.constant 0 : index
    %get3A_12 = vector.load %arg6[%get3A_10, %get3A_11] : memref<8x64xf32, #tpu.memory_space<vmem>>, vector<8x64xf32>
    %dot_general3A = arith.constant dense<0.000000e+00> : vector<1000x64xf32>
    %dot_general3A_13 = tpu.matmul %slice3A_9, %get3A_12, %dot_general3A {dimension_numbers = #tpu.dot_dimension_numbers<[1], [0], [0], [1], [0, 0, 1, 1], [], []>, transpose_lhs_hint = false} : vector<1000x8xf32>, vector<8x64xf32>, vector<1000x64xf32> -> vector<1000x64xf32>
    %add3A_14 = arith.constant 1.000000e-16 : f32
    %add3A_15 = vector.broadcast %add3A_14 : f32 to vector<1000x64xf32>
    %add3A_16 = arith.addf %dot_general3A_13, %add3A_15 : vector<1000x64xf32>
    %div3A = arith.divf %slice3A, %add3A_16 : vector<1000x64xf32>
    %get3A_17 = arith.constant 0 : index
    %get3A_18 = arith.constant 0 : index
    %get3A_19 = vector.load %arg2[%get3A_17, %get3A_18] : memref<1x64xf32, #tpu.memory_space<vmem>>, vector<1x64xf32>
    %add3A_20 = vector.broadcast %get3A_19 : vector<1x64xf32> to vector<1000x64xf32>
    %add3A_21 = arith.addf %div3A, %add3A_20 : vector<1000x64xf32>
    %gt3A = arith.constant 0.000000e+00 : f32
    %gt3A_22 = vector.broadcast %gt3A : f32 to vector<1000x64xf32>
    %gt3A_23 = arith.cmpf ogt, %add3A_21, %gt3A_22 : vector<1000x64xf32>
    %exp3A = math.exp %add3A_21 : vector<1000x64xf32>
    %sub3A = arith.constant 1.000000e+00 : f32
    %sub3A_24 = vector.broadcast %sub3A : f32 to vector<1000x64xf32>
    %sub3A_25 = arith.subf %exp3A, %sub3A_24 : vector<1000x64xf32>
    %select_n3A = arith.select %gt3A_23, %add3A_21, %sub3A_25 : vector<1000x64xi1>, vector<1000x64xf32>
    %get3A_26 = arith.constant 0 : index
    %get3A_27 = arith.constant 0 : index
    %get3A_28 = vector.load %arg3[%get3A_26, %get3A_27] : memref<64x7xf32, #tpu.memory_space<vmem>>, vector<64x7xf32>
    %dot_general3A_29 = arith.constant dense<0.000000e+00> : vector<1000x7xf32>
    %dot_general3A_30 = tpu.matmul %select_n3A, %get3A_28, %dot_general3A_29 {dimension_numbers = #tpu.dot_dimension_numbers<[1], [0], [0], [1], [0, 0, 1, 1], [], []>, transpose_lhs_hint = false} : vector<1000x64xf32>, vector<64x7xf32>, vector<1000x7xf32> -> vector<1000x7xf32>
    %get3A_31 = arith.constant 0 : index
    %get3A_32 = arith.constant 0 : index
    %get3A_33 = vector.load %arg4[%get3A_31, %get3A_32] : memref<64x1xf32, #tpu.memory_space<vmem>>, vector<64x1xf32>
    %dot_general3A_34 = arith.constant dense<0.000000e+00> : vector<1000x1xf32>
    %dot_general3A_35 = tpu.matmul %select_n3A, %get3A_33, %dot_general3A_34 {dimension_numbers = #tpu.dot_dimension_numbers<[1], [0], [0], [1], [0, 0, 1, 1], [], []>, transpose_lhs_hint = false} : vector<1000x64xf32>, vector<64x1xf32>, vector<1000x1xf32> -> vector<1000x1xf32>
    %get3A_36 = arith.constant 0 : index
    %get3A_37 = arith.constant 0 : index
    %get3A_38 = vector.load %arg5[%get3A_36, %get3A_37] : memref<64x1xf32, #tpu.memory_space<vmem>>, vector<64x1xf32>
    %dot_general3A_39 = arith.constant dense<0.000000e+00> : vector<1000x1xf32>
    %dot_general3A_40 = tpu.matmul %select_n3A, %get3A_38, %dot_general3A_39 {dimension_numbers = #tpu.dot_dimension_numbers<[1], [0], [0], [1], [0, 0, 1, 1], [], []>, transpose_lhs_hint = false} : vector<1000x64xf32>, vector<64x1xf32>, vector<1000x1xf32> -> vector<1000x1xf32>
    %broadcast_in_dim3A = arith.constant 1.000000e+00 : f32
    %broadcast_in_dim3A_41 = vector.broadcast %broadcast_in_dim3A : f32 to vector<1000x1xf32>
    %broadcast_in_dim3A_42 = arith.constant 0.000000e+00 : f32
    %broadcast_in_dim3A_43 = vector.broadcast %broadcast_in_dim3A_42 : f32 to vector<1000x7xf32>
    %broadcast_in_dim3A_44 = arith.constant 0.000000e+00 : f32
    %broadcast_in_dim3A_45 = vector.broadcast %broadcast_in_dim3A_44 : f32 to vector<1000x8xf32>
    %concatenate3A = tpu.concatenate %dot_general3A_30, %broadcast_in_dim3A_41, %dot_general3A_35, %broadcast_in_dim3A_43 in 1 : vector<1000x7xf32>, vector<1000x1xf32>, vector<1000x1xf32>, vector<1000x7xf32> -> vector<1000x16xf32>
    %swap3A = arith.constant 0 : index
    %swap3A_46 = arith.constant 0 : index
    %swap3A_47 = vector.load %arg7[%swap3A, %swap3A_46] : memref<1000x16xf32, #tpu.memory_space<vmem>>, vector<1000x16xf32>
    tpu.vector_store %arg7[%swap3A, %swap3A_46], %concatenate3A {strides = array<i32>} : memref<1000x16xf32, #tpu.memory_space<vmem>>, vector<1000x16xf32>,
    %concatenate3A_48 = tpu.concatenate %broadcast_in_dim3A_45, %dot_general3A_40, %broadcast_in_dim3A_43 in 1 : vector<1000x8xf32>, vector<1000x1xf32>, vector<1000x7xf32> -> vector<1000x16xf32>
    %swap3A_49 = arith.constant 0 : index
    %swap3A_50 = arith.constant 0 : index
    %swap3A_51 = vector.load %arg8[%swap3A_49, %swap3A_50] : memref<1000x16xf32, #tpu.memory_space<vmem>>, vector<1000x16xf32>
    tpu.vector_store %arg8[%swap3A_49, %swap3A_50], %concatenate3A_48 {strides = array<i32>} : memref<1000x16xf32, #tpu.memory_space<vmem>>, vector<1000x16xf32>,
    return
  }
  func.func @transform_0(%arg0: i32) -> (i32, i32, i32) {
    %c0_i32 = arith.constant 0 : i32
    %c0_i32_0 = arith.constant 0 : i32
    %c0_i32_1 = arith.constant 0 : i32
    return %c0_i32, %arg0, %c0_i32_0 : i32, i32, i32
  }
  func.func @transform_1(%arg0: i32) -> (i32, i32) {
    %c0_i32 = arith.constant 0 : i32
    %c0_i32_0 = arith.constant 0 : i32
    %c0_i32_1 = arith.constant 0 : i32
    return %c0_i32, %c0_i32_0 : i32, i32
  }
  func.func @transform_2(%arg0: i32) -> (i32, i32) {
    %c0_i32 = arith.constant 0 : i32
    %c0_i32_0 = arith.constant 0 : i32
    %c0_i32_1 = arith.constant 0 : i32
    return %c0_i32, %c0_i32_0 : i32, i32
  }
  func.func @transform_3(%arg0: i32) -> (i32, i32) {
    %c0_i32 = arith.constant 0 : i32
    %c0_i32_0 = arith.constant 0 : i32
    %c0_i32_1 = arith.constant 0 : i32
    return %c0_i32, %c0_i32_0 : i32, i32
  }
  func.func @transform_4(%arg0: i32) -> (i32, i32) {
    %c0_i32 = arith.constant 0 : i32
    %c0_i32_0 = arith.constant 0 : i32
    %c0_i32_1 = arith.constant 0 : i32
    return %c0_i32, %c0_i32_0 : i32, i32
  }
  func.func @transform_5(%arg0: i32) -> (i32, i32) {
    %c0_i32 = arith.constant 0 : i32
    %c0_i32_0 = arith.constant 0 : i32
    %c0_i32_1 = arith.constant 0 : i32
    return %c0_i32, %c0_i32_0 : i32, i32
  }
  func.func @transform_6(%arg0: i32) -> (i32, i32) {
    %c0_i32 = arith.constant 0 : i32
    %c0_i32_0 = arith.constant 0 : i32
    return %arg0, %c0_i32 : i32, i32
  }
  func.func @transform_7(%arg0: i32) -> (i32, i32) {
    %c0_i32 = arith.constant 0 : i32
    %c0_i32_0 = arith.constant 0 : i32
    return %arg0, %c0_i32 : i32, i32
  }
}

module attributes {stable_mosaic.version = 14 : i64} {
  func.func @_tc3_body(%arg0: i32, %arg1: memref<2x1000x16xf32, #tpu.memory_space<vmem>>, %arg2: memref<1x7xf32, #tpu.memory_space<vmem>>, %arg3: memref<1000x7xf32, #tpu.memory_space<vmem>>) attributes {dimension_semantics = [#tpu.dimension_semantics<arbitrary>], iteration_bounds = array<i64: 10>, scalar_prefetch = 0 : i64, scratch_operands = 0 : i64, tpu.core_type = #tpu.core_type<tc>, window_params = [{transform_indices = @transform_0, window_bounds = array<i64: 2, 1000, 16>}, {pipeline_mode = #tpu.pipeline_mode<synchronous>, transform_indices = @transform_1, window_bounds = array<i64: 1, 7>}, {transform_indices = @transform_2, window_bounds = array<i64: 1000, 7>}]} {
    %get3A = arith.constant 0 : index
    %get3A_0 = arith.constant 0 : index
    %get3A_1 = arith.constant 0 : index
    %get3A_2 = vector.load %arg1[%get3A, %get3A_0, %get3A_1] : memref<2x1000x16xf32, #tpu.memory_space<vmem>>, vector<1x1000x16xf32>
    %get3A_3 = vector.shape_cast %get3A_2 : vector<1x1000x16xf32> to vector<1000x16xf32>
    %get3A_4 = arith.constant 1 : index
    %get3A_5 = arith.constant 0 : index
    %get3A_6 = arith.constant 0 : index
    %get3A_7 = vector.load %arg1[%get3A_4, %get3A_5, %get3A_6] : memref<2x1000x16xf32, #tpu.memory_space<vmem>>, vector<1x1000x16xf32>
    %get3A_8 = vector.shape_cast %get3A_7 : vector<1x1000x16xf32> to vector<1000x16xf32>
    %add3A = arith.addf %get3A_3, %get3A_8 : vector<1000x16xf32>
    %slice3A = vector.extract_strided_slice %add3A {offsets = [0, 0], sizes = [1000, 7], strides = [1, 1]} : vector<1000x16xf32> to vector<1000x7xf32>
    %slice3A_9 = vector.extract_strided_slice %add3A {offsets = [0, 7], sizes = [1000, 1], strides = [1, 1]} : vector<1000x16xf32> to vector<1000x1xf32>
    %add3A_10 = arith.constant 1.000000e-16 : f32
    %add3A_11 = vector.broadcast %add3A_10 : f32 to vector<1000x1xf32>
    %add3A_12 = arith.addf %slice3A_9, %add3A_11 : vector<1000x1xf32>
    %div3A = vector.broadcast %add3A_12 : vector<1000x1xf32> to vector<1000x7xf32>
    %div3A_13 = arith.divf %slice3A, %div3A : vector<1000x7xf32>
    %get3A_14 = arith.constant 0 : index
    %get3A_15 = arith.constant 0 : index
    %get3A_16 = vector.load %arg2[%get3A_14, %get3A_15] : memref<1x7xf32, #tpu.memory_space<vmem>>, vector<1x7xf32>
    %add3A_17 = vector.broadcast %get3A_16 : vector<1x7xf32> to vector<1000x7xf32>
    %add3A_18 = arith.addf %div3A_13, %add3A_17 : vector<1000x7xf32>
    %swap3A = arith.constant 0 : index
    %swap3A_19 = arith.constant 0 : index
    %swap3A_20 = vector.load %arg3[%swap3A, %swap3A_19] : memref<1000x7xf32, #tpu.memory_space<vmem>>, vector<1000x7xf32>
    tpu.vector_store %arg3[%swap3A, %swap3A_19], %add3A_18 {strides = array<i32>} : memref<1000x7xf32, #tpu.memory_space<vmem>>, vector<1000x7xf32>,
    return
  }
  func.func @transform_0(%arg0: i32) -> (i32, i32, i32) {
    %c0_i32 = arith.constant 0 : i32
    %c0_i32_0 = arith.constant 0 : i32
    %c0_i32_1 = arith.constant 0 : i32
    return %c0_i32, %arg0, %c0_i32_0 : i32, i32, i32
  }
  func.func @transform_1(%arg0: i32) -> (i32, i32) {
    %c0_i32 = arith.constant 0 : i32
    %c0_i32_0 = arith.constant 0 : i32
    %c0_i32_1 = arith.constant 0 : i32
    return %c0_i32, %c0_i32_0 : i32, i32
  }
  func.func @transform_2(%arg0: i32) -> (i32, i32) {
    %c0_i32 = arith.constant 0 : i32
    %c0_i32_0 = arith.constant 0 : i32
    return %arg0, %c0_i32 : i32, i32
  }
}

</mosaic_0001>

<sc_bundles>
// kernel: kernel.10.cloned.1.call-start
scs
__scs_entry_jumppad:
0x0: {  	(pc) =	sbr.rel $0x88, $3  }
0x1: {  	(tag) =	ssettag $0x0;
	lr =	simm.s32 $0x1  }
0x2: {  	[smem:$0x3F97] =	sst lr;
	_ =	strace $0xD0000000  }
0x3: {  	_ = 	snop  }
0x4: {  	_ = 	snop  }
0x5: {  	_ = 	snop  }
0x6: {  	_ = 	snop  }
0x7: {  	_ = 	snop  }
__scs_overlays_trampoline_lowered:
0x8: {  	[smem:$0x3FA6] =	sst s0  }
0x9: {  	[smem:$0x3FA7] =	sst s1  }
0xa: {  	[smem:$0x3FA8] =	sst s2  }
0xb: {  	[smem:$0x3FA9] =	sst s3  }
0xc: {  	[smem:$0x3FAA] =	sst s4  }
0xd: {  	[smem:$0x3FAB] =	sst s5  }
0xe: {  	[smem:$0x3FAC] =	sst s6  }
0xf: {  	[smem:$0x3FAD] =	sst s7  }
0x10: {  	[smem:$0x3FAE] =	sst s8  }
0x11: {  	[smem:$0x3FAF] =	sst s9;
	s0 =	simm.s32 @!p0 $0x0  }
0x12: {  	s1 =	sld [smem:$0x3F95];
	s0 =	simm.s32 @p0 $0x1  }
0x13: {  	[smem:$0x3FB0] =	sst s0;
	s0 =	simm.s32 @!p1 $0x0  }
0x14: {  	s2 =	sld [smem:$0x3F94];
	s0 =	simm.s32 @p1 $0x1  }
0x15: {  	[smem:$0x3FB1] =	sst s0;
	s0 =	simm.s32 @!p2 $0x0  }
0x16: {  	s3 =	sld [smem:$0x3FDB];
	s0 =	simm.s32 @p2 $0x1  }
0x17: {  	s4 =	simm.s32 $0x1BF5;
	[smem:$0x3FB3] =	sst s0  }
0x18: {  	s0 =	sld [smem:$0x3F96];
	_ =	swait.ge [sflag:s4], $0x0  }
0x19: {  	s7 =	sld [smem:$0x3F97]  }
0x1a: {  	s8 =	sadd.s32 $0xFFFFE003, lr  }
0x1b: {  	s9 =	sadd.s32 $0xFFFFFEF7, lr;
	s5 =	simm.s32 $0xFFFFFFFF;
	p2 =	slt.u32 s8, $0xFFFFF086  }
0x1c: {  	p1 =	slt.u32 s9, $0xF7A;
	s5 =	simm.s32 @!p2 $0x0  }
0x1d: {  	s5 =	simm.s32 @p1 $0x1;
	p0 =	seq.s32 s7, s2  }
0x1e: {  	s7 =	smul.u32 @!p0 $0xF7A, s2;
	p2 =	seq.s32 @!p0 s5, $0x0  }
0x1f: {  	s9 =	smul.u32 $0xF7A, s1;
	s8 =	simm.s32 @!p0 $0x1BF5;
	p2 =	por !p2, p0  }
0x20: {  	[sflag:s8] =	ssyncset.s32 @!p0 $0xFFFFF086;
	s6 =	sadd.s32 @!p0 s3, s7;
	s7 =	simm.s32 @!p0 $0x108  }
0x21: {  	s3 =	sadd.s32 s3, s9;
	s6 =	sadd.s32 @!p0 $0x88, s6;
	s7 =	simm.s32 @p2 $0x1082  }
0x22: {  	[simem:s7], [sflag:s8] =	dma.local @!p0 [hbm:s6], $0xF7A  }
0x23: {  	s9 =	sor.u32 $0xD0000000, s2;
	s6 =	simm.s32 $0x108;
	_ =	swait.ge @!p0 [sflag:s8], $0x0  }
0x24: {  	s3 =	sadd.s32 $0x88, s3;
	s6 =	simm.s32 @!p1 $0x1082;
	[sflag:s4] =	ssyncset.s32 $0xFFFFF086  }
0x25: {  	[simem:s6], [sflag:s4] =	dma.local [hbm:s3], $0xF7A  }
0x26: {  	[smem:$0x3F97] =	sst s1;
	(tag) =	ssettag s2;
	_ =	strace s9  }
0x27: {  	s1 =	sld [smem:$0x3FA7]  }
0x28: {  	s2 =	sld [smem:$0x3FA8]  }
0x29: {  	s4 =	sld [smem:$0x3FAA]  }
0x2a: {  	p0 =	seq.s32 s5, $0x0;
	s5 =	sld [smem:$0x3FAB]  }
0x2b: {  	s6 =	sld [smem:$0x3FAC]  }
0x2c: {  	s7 =	sld [smem:$0x3FAD]  }
0x2d: {  	s3 =	simm.s32 $0x108;
	s8 =	sld [smem:$0x3FAE]  }
0x2e: {  	s3 =	simm.s32 @!p0 $0x1082;
	s9 =	sld [smem:$0x3FAF]  }
0x2f: {  	lr =	sadd.s32 s0, s3;
	s0 =	sld [smem:$0x3FA6]  }
0x30: {  	s3 =	sld [smem:$0x3FA9]  }
0x31: {  	[smem:$0x3FB2] =	sst s10  }
0x32: {  	s10 =	sld [smem:$0x3FB0];
	_ =	sdelay $0x3  }
0x33: {  	p0 =	seq.s32 s10, $0x1;
	s10 =	sld [smem:$0x3FB2];
	_ =	sdelay $0x3  }
0x34: {  	[smem:$0x3FB2] =	sst s10  }
0x35: {  	s10 =	sld [smem:$0x3FB1];
	_ =	sdelay $0x3  }
0x36: {  	p1 =	seq.s32 s10, $0x1;
	s10 =	sld [smem:$0x3FB2];
	_ =	sdelay $0x3  }
0x37: {  	[smem:$0x3FB2] =	sst s10  }
0x38: {  	s10 =	sld [smem:$0x3FB3]  }
0x39: {  	_ = 	snop;
	(pc) =	sbr.ind lr, $3  }
0x3a: {  	_ = 	snop  }
0x3b: {  	_ = 	snop  }
0x3c: {  	p2 =	seq.s32 s10, $0x1;
	s10 =	sld [smem:$0x3FB2]  }
0x3d: {  	_ =	shalt  }
0x3e: {  	_ =	shalt  }
0x3f: {  	_ =	shalt  }
0x40: {  	_ =	shalt  }
0x41: {  	_ =	shalt  }
0x42: {  	_ =	shalt  }
0x43: {  	_ =	shalt  }
0x44: {  	_ =	shalt  }
0x45: {  	_ =	shalt  }
0x46: {  	_ =	shalt  }
0x47: {  	_ =	shalt  }
0x48: {  	_ =	shalt  }
0x49: {  	_ =	shalt  }
0x4a: {  	_ =	shalt  }
0x4b: {  	_ =	shalt  }
0x4c: {  	_ =	shalt  }
0x4d: {  	_ =	shalt  }
0x4e: {  	_ =	shalt  }
0x4f: {  	_ =	shalt  }
0x50: {  	_ =	shalt  }
0x51: {  	_ =	shalt  }
0x52: {  	_ =	shalt  }
0x53: {  	_ =	shalt  }
0x54: {  	_ =	shalt  }
0x55: {  	_ =	shalt  }
0x56: {  	_ =	shalt  }
0x57: {  	_ =	shalt  }
0x58: {  	_ =	shalt  }
0x59: {  	_ =	shalt  }
0x5a: {  	_ =	shalt  }
0x5b: {  	_ =	shalt  }
0x5c: {  	_ =	shalt  }
0x5d: {  	_ =	shalt  }
0x5e: {  	_ =	shalt  }
0x5f: {  	_ =	shalt  }
0x60: {  	_ =	shalt  }
0x61: {  	_ =	shalt  }
0x62: {  	_ =	shalt  }
0x63: {  	_ =	shalt  }
0x64: {  	_ =	shalt  }
0x65: {  	_ =	shalt  }
0x66: {  	_ =	shalt  }
0x67: {  	_ =	shalt  }
0x68: {  	_ =	shalt  }
0x69: {  	_ =	shalt  }
0x6a: {  	_ =	shalt  }
0x6b: {  	_ =	shalt  }
0x6c: {  	_ =	shalt  }
0x6d: {  	_ =	shalt  }
0x6e: {  	_ =	shalt  }
0x6f: {  	_ =	shalt  }
0x70: {  	_ =	shalt  }
0x71: {  	_ =	shalt  }
0x72: {  	_ =	shalt  }
0x73: {  	_ =	shalt  }
0x74: {  	_ =	shalt  }
0x75: {  	_ =	shalt  }
0x76: {  	_ =	shalt  }
0x77: {  	_ =	shalt  }
0x78: {  	_ =	shalt  }
0x79: {  	_ =	shalt  }
0x7a: {  	_ =	shalt  }
0x7b: {  	_ =	shalt  }
0x7c: {  	_ =	shalt  }
0x7d: {  	_ =	shalt  }
0x7e: {  	_ =	shalt  }
0x7f: {  	_ =	shalt  }
0x80: {  	_ =	shalt  }
0x81: {  	_ =	shalt  }
0x82: {  	_ =	shalt  }
0x83: {  	_ =	shalt  }
0x84: {  	_ =	shalt  }
0x85: {  	_ =	shalt  }
0x86: {  	_ =	shalt  }
0x87: {  	_ =	shalt  }
.Lfunc_end0:
.L_simem_size_0:
called_computation.1_lowered:
.L_overlay_start_0:
0x88: {  	s2 =	sld [smem:$0x3FD9]  }
0x89: {  	s3 =	sld [smem:$0x3FFE];
	_ =	sdelay $0x1  }
0x8a: {  	s1 =	srdreg.scid  }
0x8b: {  	s0 =	sand.u32 $0x1, s1  }
0x8c: {  	s16 =	sshll.u32 s0, $0xA;
	s2 =	sadd.s32 s3, s2  }
0x8d: {  	s2 =	sadd.s32 s2, s16  }
0x8e: {  	[smem:$0x3FBE] =	sst s2  }
0x8f: {  	_ = 	snop  }
0x90: {  	(tm) =	ssettm $0x1  }
0x91: {  	s17 =	sld [smem:$0x3FFB];
	_ =	sdelay $0x3  }
0x92: {  	_ =	strace s17  }
0x93: {  	s2 =	sld [smem:$0x3FFC];
	_ =	sdelay $0x3  }
0x94: {  	_ =	strace s2  }
0x95: {  	s2 =	sld [smem:$0x3FFD];
	_ =	sdelay $0x3  }
0x96: {  	_ =	strace s2  }
0x97: {  	_ =	strace $0x8FFFFFFF  }
0x98: {  	s18 =	sld [smem:$0x3FDB];
	_ =	sdelay $0x1  }
0x99: {  	s19 =	simm.s32 $_scs_section_size  }
0x9a: {  	s4 =	simm.s32 $_size__tile_overlayer_lowered;
	s5 =	simm.s32 $_tile_overlayer_lowered  }
0x9b: {  	s22 =	simm.s32 $0x1BFF;
	s21 =	sshll.u32 s5, $0x1;
	s2 =	sadd.s32 s19, s18  }
0x9c: {  	s6 =	simm.s32 $0x0;
	s20 =	sshll.u32 s4, $0x1;
	s4 =	sadd.s32 s21, s2  }
0x9d: {  	[timem:s6], [sflag:s22] =	dma.local [hbm:s4], s20  }
0x9e: {  	_ =	swait.ge [sflag:s22], s20  }
0x9f: {  	s3 =	ssub.s32 $0x0, s20;
	[sflag:s22] =	ssyncset.done $0x0  }
0xa0: {  	[sflag:s22] =	ssyncadd.s32 s3;
	_ =	sdelay $0x1  }
0xa1: {  	s23 =	simm.s32 $0x1B8B  }
0xa2: {  	_ =	swait.ge [sflag:s23], $0x1  }
0xa3: {  	[sflag:s23] =	ssyncset.done $0x0  }
0xa4: {  	s25 =	simm.s32 $0x1B8E;
	s24 =	sld [smem:$0x3FFE];
	[sflag:s23] =	ssyncadd.s32 $0xFFFFFFFF  }
0xa5: {  	s26 =	simm.s32 $execute0_lowered;
	[smem:$0x3FD2] =	sst s25  }
0xa6: {  	s4 =	sshll.u32 s26, $0x1;
	_ =	strace $0x80000049;
	[dreg:$0x1] =	wrdreg $0xFFFFFFFF  }
0xa7: {  	s28 =	simm.s32 $_size_execute0_lowered;
	s2 =	sadd.s32 s2, s4;
	[dreg:$0x0] =	wrdreg $0x0  }
0xa8: {  	s4 =	sshll.u32 s28, $0x1;
	[dreg:$0x2] =	wrdreg s2  }
0xa9: {  	[dreg:$0x3] =	wrdreg s4  }
0xaa: {  	[dreg:$0x4] =	wrdreg $0xC0  }
0xab: {  	_ =	task [dreg:s6], $0x5FFFF  }
0xac: {  	[dreg:$0x1] =	wrdreg $0xFFFFFFFF  }
0xad: {  	[dreg:$0x0] =	wrdreg $0x60  }
0xae: {  	[dreg:$0x2] =	wrdreg s24  }
0xaf: {  	[dreg:$0x3] =	wrdreg $0x0  }
0xb0: {  	[dreg:$0x4] =	wrdreg $0x9  }
0xb1: {  	_ =	task.clear_ibuf [dreg:s6], $0x5FFFF;
	_ =	strace $0x90000049  }
0xb2: {  	s29 =	simm.s32 $0x9;
	_ =	strace $0x8000004B  }
0xb3: {  	_ =	swait.ge [sflag:s29], $0x1  }
0xb4: {  	[sflag:s29] =	ssyncadd.s32 $0xFFFFFFFF  }
0xb5: {  	_ =	strace $0x9000004B  }
0xb6: {  	_ =	sfence  }
0xb7: {  	s30 =	sld [smem:$0x0];
	_ =	sdelay $0x2  }
0xb8: {  	s31 =	sshll.u32 s1, $0xD;
	s1 =	sshrl.u32 s1, $0x2  }
0xb9: {  	s3 =	sand.u32 $0x4000, s31;
	s1 =	sadd.s32 s1, s30  }
0xba: {  	s0 =	sor.u32 s3, s0;
	s1 =	sshll.u32 s1, $0x11  }
0xbb: {  	s0 =	sor.u32 s1, s0  }
0xbc: {  	s0 =	sadd.s32 $0x8F2B, s0  }
0xbd: {  	[sflag:s0] =	ssyncadd.remote.s32 $0x1  }
0xbe: {  	_ =	sfence.sel $0xFFFF  }
0xbf: {  	[dreg:$0x0] =	wrdreg $0xFFFFFFFF;
	(pc) =	sbr.abs _section_cstart, $3  }
0xc0: {  	[dreg:$0x1] =	wrdreg $0xFFFFFFFF  }
0xc1: {  	_ =	task.clear_ibuf [dreg:s6], $0x2FFFF;
	_ =	strace $0x9FFFFFFF  }
0xc2: {  	(tm) =	ssettm $0x7FFFFFFF  }
0xc3: {  	_ =	shalt  }
tec
execute0_lowered:
.L_overlay_start_1:
0x0: {  	(tag) =	ssettag $0x1  }
0x1: {  	s0 =	rddreg [dreg:$0x0]  }
0x2: {  	s2 =	rddreg [dreg:$0x1]  }
0x3: {  	s3 =	simm.s32 $0x0;
	s13 =	stileid.u32;
	s6 =	srdreg.scid  }
0x4: {  	s28 =	simm.s32 $0x6680;
	s29 =	simm.s32 $0xE380;
	s30 =	simm.s32 $0x1  }
0x5: {  	s31 =	simm.s32 $0x2;
	[smem:$0x7FF] =	sst s3;
	s1 =	smul.u32 $0x2800, s13  }
0x6: {  	s4 =	sadd.s32 $0x6600, s0;
	s5 =	sadd.s32 $0x1600, s0;
	s8 =	sand.u32 $0x1, s6  }
0x7: {  	s6 =	sadd.s32 $0x28C00, s0;
	s7 =	sadd.s32 $0x1EE00, s0;
	s11 =	sshll.u32 s13, $0x1  }
0x8: {  	s20 =	sshll.u32 s13, $0x6;
	_ =	strace $0x8000004A;
	s10 =	smul.u32 $0x28000, s8  }
0x9: {  	s12 =	ssub.s32 $0x2, s8;
	s8 =	sor.u32 s8, s11;
	s9 =	sshrl.u32 s1, $0x3  }
0xa: {  	s18 =	sshrl.u32 s12, $0x1;
	s8 =	smul.u32 $0x2710, s8;
	s9 =	sadd.s32 s9, s0  }
0xb: {  	s10 =	sadd.s32 s1, s10;
	s19 =	ssub.s32 s12, s18;
	s1 =	sadd.s32 s1, s2  }
0xc: {  	s12 =	sor.u32 $0x1C05, s20;
	s20 =	simm.s32 $0x12200;
	s10 =	sshrl.u32 s10, $0x3  }
0xd: {  	s9 =	sadd.s32 $0xB600, s9;
	s21 =	sadd.s32 $0x3E8, s8;
	s22 =	sshrl.u32 s8, $0x3  }
0xe: {  	s14 =	sadd.s32 $0x7D0, s8;
	s15 =	sadd.s32 $0xBB8, s8;
	s26 =	smax.u32 s19, $0x1  }
0xf: {  	s19 =	simm.s32 $0x5;
	s8 =	simm.s32 $0x0;
	[dreg:$0x3] =	wrdreg s9  }
0x10: {  	s0 =	sadd.s32 s10, s0;
	s23 =	sadd.s32 s6, s22;
	[dreg:$0x9] =	wrdreg s26  }
0x11: {  	s11 =	sshrl.u32 s21, $0x3;
	s9 =	sadd.s32 s7, s22;
	[dreg:$0x4] =	wrdreg s23  }
0x12: {  	s10 =	sshrl.u32 s1, $0x3;
	s21 =	simm.s32 $0x129D0;
	[dreg:$0x5] =	wrdreg s9  }
.Ltmp0:
0x13: {  	s24 =	sadd.s32 s6, s11;
	[dreg:$0xa] =	wrdreg s10;
	(pc) =	sbr.rel .LBB2_1-.Ltmp0, $4  }
0x14: {  	s22 =	simm.s32 $0x3E8;
	s25 =	sadd.s32 s7, s11;
	[dreg:$0x6] =	wrdreg s24  }
0x15: {  	s26 =	simm.s32 $0x12DB8;
	s0 =	sadd.s32 $0x10600, s0;
	[dreg:$0x7] =	wrdreg s25  }
0x16: {  	s1 =	simm.s32 $0x4;
	s23 =	simm.s32 $0x2800;
	[dreg:$0x8] =	wrdreg s0  }
0x17: {  	v0 =	vimm.s32 $0x8;
	s24 =	simm.s32 $0xA500;
	s25 =	simm.s32 $0x125E8;
	s0 =	simm.s32 $0x3  }
.LBB2_8:
0x18: {  	_ =	swait.ge [sflag:s1], $0x3E80  }
0x19: {  	[sflag:s1] =	ssyncset.done $0x0  }
0x1a: {  	[sflag:s1] =	ssyncadd.s32 $0xFFFFC180  }
0x1b: {  	[bflag:$0x0] =	sbarrier.arrive $0xFFFF  }
0x1c: {  	s9 =	rddreg [dreg:$0x8]  }
0x1d: {  	s10 =	rddreg [dreg:$0xa]  }
0x1e: {  	[hbm:s9], [sflag:s18] =	dma.local [spmem:s10], $0x500  }
0x1f: {  	_ =	swait.ge [sflag:s19], $0x500  }
0x20: {  	s12 =	smov.u32 s18;
	s8 =	sadd.s32 $0x1, s8;
	s18 =	rddreg [dreg:$0x9]  }
0x21: {  	p0 =	sne.s32 s8, s18  }
.Ltmp1:
0x22: {  	_ = 	snop;
	(pc) =	sbr.rel @!p0 .LBB2_9-.Ltmp1, $3  }
0x23: {  	_ =	sdelay $0x1  }
0x24: {  	[sflag:s19] =	ssyncset.done $0x0  }
0x25: {  	[sflag:s19] =	ssyncadd.s32 $0xFFFFFB00  }
.LBB2_1:
0x26: {  	s9 =	rddreg [dreg:$0x3]  }
0x27: {  	[spmem:s10], [sflag:s12] =	dma.local [hbm:s9], $0x500  }
0x28: {  	_ =	swait.ge [sflag:s19], $0x500  }
0x29: {  	[sflag:s19] =	ssyncset.done $0x0  }
0x2a: {  	[sflag:s19] =	ssyncadd.s32 $0xFFFFFB00  }
0x2b: {  	[bflag:$0x0] =	sbarrier.arrive $0xFFFF  }
0x2c: {  	s18 =	smov.u32 s12;
	s12 =	rddreg [dreg:$0x4]  }
0x2d: {  	[tilespmem:s20], [sflag:$0x5] =	stream.linear.gather [hbm4b:s12+s3], $0x3E8, $0x38;
	[tilespmem:$0x131A0] =	vst v63  }
0x2e: {  	_ =	swait.ge [sflag:s19], $0x3E8  }
0x2f: {  	[sflag:s19] =	ssyncset.done $0x0  }
0x30: {  	s13 =	rddreg [dreg:$0x5];
	[sflag:s19] =	ssyncadd.s32 $0xFFFFFC18  }
0x31: {  	[tilespmem:s21], [sflag:$0x5] =	stream.linear.gather [hbm4b:s13+s3], $0x3E8, $0x38;
	[tilespmem:$0x131A0] =	vst v63  }
0x32: {  	_ =	swait.ge [sflag:s19], $0x3E8  }
0x33: {  	[sflag:s19] =	ssyncset.done $0x0  }
0x34: {  	[sflag:s19] =	ssyncadd.s32 $0xFFFFFC18  }
0x35: {  	[tilespmem:s23], [sflag:$0x1] =	stream.indirect.gather [hbm4b:s4+s22], $0x10, s20, s22, $0xb8;
	[tilespmem:$0x131A0] =	vst v63  }
0x36: {  	_ = 	snop  }
0x37: {  	[tilespmem:s24], [sflag:$0x1] =	stream.indirect.gather [hbm4b:s5+s22], $0x10, s21, s22, $0xb8;
	[tilespmem:$0x131A0] =	vst v63  }
0x38: {  	s16 =	rddreg [dreg:$0x6]  }
0x39: {  	[tilespmem:s25], [sflag:$0x5] =	stream.linear.gather [hbm4b:s16+s3], $0x3E8, $0x38;
	[tilespmem:$0x131A0] =	vst v63  }
0x3a: {  	_ =	swait.ge [sflag:s19], $0x3E8  }
0x3b: {  	[sflag:s19] =	ssyncset.done $0x0  }
0x3c: {  	s17 =	rddreg [dreg:$0x7];
	[sflag:s19] =	ssyncadd.s32 $0xFFFFFC18  }
0x3d: {  	[tilespmem:s26], [sflag:$0x5] =	stream.linear.gather [hbm4b:s17+s3], $0x3E8, $0x38;
	[tilespmem:$0x131A0] =	vst v63  }
0x3e: {  	_ =	swait.ge [sflag:s19], $0x3E8  }
0x3f: {  	[sflag:s19] =	ssyncset.done $0x0  }
0x40: {  	[sflag:s19] =	ssyncadd.s32 $0xFFFFFC18  }
0x41: {  	[tilespmem:s28], [sflag:$0x2] =	stream.indirect.gather [hbm4b:s4+s22], $0x10, s25, s22, $0xb8;
	[tilespmem:$0x131A0] =	vst v63  }
0x42: {  	s10 =	simm.s32 $0x0  }
0x43: {  	[tilespmem:s29], [sflag:$0x2] =	stream.indirect.gather [hbm4b:s5+s22], $0x10, s26, s22, $0xb8;
	[tilespmem:$0x131A0] =	vst v63  }
.LBB2_2:
0x44: {  	_ =	swait.ge [sflag:s30], $0x3E80  }
0x45: {  	[sflag:s30] =	ssyncset.done $0x0  }
0x46: {  	[sflag:s30] =	ssyncadd.s32 $0xFFFFC180  }
0x47: {  	_ =	swait.ge [sflag:s30], $0x3E80  }
0x48: {  	[sflag:s30] =	ssyncset.done $0x0  }
0x49: {  	s9 =	simm.s32 $0xA540;
	[sflag:s30] =	ssyncadd.s32 $0xFFFFC180  }
0x4a: {  	v1 =	vld [tilespmem:s9+$0xFFFFFFC0]  }
0x4b: {  	v2 =	vld [tilespmem:s9+$0x30]  }
0x4c: {  	v3 =	vld [tilespmem:s9+$0xFFFFFFF0]  }
0x4d: {  	v4 =	vld [tilespmem:s9+$0xFFFFFFE0]  }
0x4e: {  	v5 =	vld [tilespmem:s9+$0x10]  }
0x4f: {  	v6 =	vld [tilespmem:s9+$0x20]  }
0x50: {  	s12 =	simm.s32 $0x2840;
	v7 =	vld [tilespmem:s9+$0x0]  }
0x51: {  	v12 =	vld [tilespmem:s12+$0xFFFFFFF0]  }
0x52: {  	v16 =	vld [tilespmem:s12+$0x30]  }
0x53: {  	v14 =	vld [tilespmem:s12+$0x20]  }
0x54: {  	v18 =	vld [tilespmem:s12+$0xFFFFFFE0]  }
0x55: {  	v19 =	vld [tilespmem:s12+$0x10]  }
0x56: {  	v8 =	vld [tilespmem:s9+$0xFFFFFFD0]  }
0x57: {  	v23 =	vld [tilespmem:s12+$0x0]  }
0x58: {  	v15 =	vld [tilespmem:s12+$0xFFFFFFC0]  }
0x59: {  	s16 =	simm.s32 $0xA5C0;
	v20 =	vld [tilespmem:s12+$0xFFFFFFD0];
	v3 =	vadd.f32 v3, v12  }
0x5a: {  	v9 =	vld [tilespmem:s16+$0x30];
	v6 =	vadd.f32 v6, v14  }
0x5b: {  	v11 =	vld [tilespmem:s16+$0xFFFFFFF0];
	v2 =	vadd.f32 v2, v16;
	v10 =	vmul.f32 $2.000000030e-01, v3  }
0x5c: {  	s11 =	simm.s32 $0x28C0;
	v17 =	vld [tilespmem:s16+$0xFFFFFFE0];
	v22 =	vadd.f32 v4, v18;
	v13 =	vmul.f32 $2.000000030e-01, v6  }
0x5d: {  	v25 =	vadd.f32 v1, v15;
	v1 =	vld [tilespmem:s11+$0xFFFFFFE0];
	v21 =	vmul.f32 $2.000000030e-01, v2;
	v3 =	vmax.f32 v3, v10  }
0x5e: {  	v24 =	vadd.f32 v5, v19;
	v5 =	vld [tilespmem:s11+$0x10];
	v6 =	vmax.f32 v6, v13;
	v3 =	vmul.f32 $1.442695020e+00, v3  }
0x5f: {  	v10 =	vld [tilespmem:s16+$0x10];
	v2 =	vmax.f32 v2, v21;
	v4 =	vmul.f32 $1.442695020e+00, v6;
	v6 =	vadd.f32 v7, v23  }
0x60: {  	v8 =	vadd.f32 v8, v20;
	v7 =	vmul.f32 $1.442695020e+00, v2;
	v2 =	vld [tilespmem:s11+$0x30];
	(erf) = vpow2.f32 v3  }
0x61: {  	v13 =	vld [tilespmem:s16+$0x20];
	(erf) = vpow2.f32 v4;
	v4 =	vmul.f32 $2.000000030e-01, v6  }
0x62: {  	v26 =	vmul.f32 $2.000000030e-01, v8;
	v28 =	vmul.f32 $2.000000030e-01, v25;
	v3 =	vld [tilespmem:s11+$0xFFFFFFF0]  }
0x63: {  	v27 =	vmul.f32 $2.000000030e-01, v24;
	v21 =	vld [tilespmem:s16+$0x0];
	(erf) = vpow2.f32 v7;
	v6 =	vmax.f32 v6, v4  }
0x64: {  	v25 =	vmax.f32 v25, v28;
	v7 =	vmul.f32 $2.000000030e-01, v22;
	v29 =	vmul.f32 $1.442695020e+00, v6;
	v6 =	vld [tilespmem:s11+$0x0]  }
0x65: {  	v17 =	vadd.f32 v17, v1;
	v25 =	vmul.f32 $1.442695020e+00, v25;
	v4 =	vld [tilespmem:s11+$0x20];
	v9 =	vadd.f32 v9, v2  }
0x66: {  	v22 =	vmax.f32 v22, v7;
	v7 =	vmax.f32 v8, v26;
	v8 =	vmax.f32 v24, v27  }
0x67: {  	v7 =	vmul.f32 $1.442695020e+00, v7;
	v11 =	vadd.f32 v11, v3;
	(erf) = vpow2.f32 v29  }
0x68: {  	v28 =	vadd.f32 v10, v5;
	v24 =	vmul.f32 $1.442695020e+00, v8;
	v27 =	vmul.f32 $2.000000030e-01, v9  }
0x69: {  	v26 =	vld [tilespmem:s16+$0xFFFFFFD0];
	(erf) = vpow2.f32 v7;
	v33 =	vmul.f32 $2.000000030e-01, v11;
	v21 =	vadd.f32 v21, v6  }
0x6a: {  	v8 =	vld [tilespmem:s11+$0xFFFFFFD0];
	v29 =	vmul.f32 $2.000000030e-01, v17;
	v13 =	vadd.f32 v13, v4;
	(erf) = vpow2.f32 v24  }
0x6b: {  	v30 =	vld [tilespmem:s16+$0xFFFFFFC0];
	v24 =	vmul.f32 $2.000000030e-01, v28;
	v11 =	vmax.f32 v11, v33;
	v58 =	vmul.f32 $2.000000030e-01, v21  }
0x6c: {  	s17 =	simm.s32 $0xA640;
	v7 =	vld [tilespmem:s11+$0xFFFFFFC0];
	v9 =	vmax.f32 v9, v27;
	v10 =	vpop (erf);
	v34 =	vmul.f32 $2.000000030e-01, v13;
	v11 =	vmul.f32 $1.442695020e+00, v11  }
0x6d: {  	v35 =	vld [tilespmem:s17+$0xFFFFFFC0];
	v31 =	vpop (erf);
	v59 =	vperm.xlane v10, v0;
	v10 =	vmax.f32 v21, v58;
	v21 =	vmul.f32 $1.442695020e+00, v22  }
0x6e: {  	v36 =	vld [tilespmem:s17+$0x30];
	v24 =	vmax.f32 v28, v24;
	v32 =	vpop (erf);
	v31 =	vperm.xlane v31, v0;
	(erf) = vpow2.f32 v11  }
0x6f: {  	v37 =	vld [tilespmem:s17+$0xFFFFFFF0];
	v26 =	vadd.f32 v26, v8;
	v61 =	vmul.f32 $1.442695020e+00, v24;
	(erf) = vpow2.f32 v21  }
0x70: {  	v60 =	vld [tilespmem:s17+$0xFFFFFFE0];
	v32 =	vperm.xlane v32, v0;
	v13 =	vmax.f32 v13, v34;
	v11 =	vpop (erf);
	(erf) = vpow2.f32 v25  }
0x71: {  	v39 =	vld [tilespmem:s17+$0x10];
	v30 =	vadd.f32 v30, v7;
	v38 =	vmul.f32 $1.442695020e+00, v10;
	v10 =	vmul.f32 $2.000000030e-01, v26  }
0x72: {  	v40 =	vld [tilespmem:s17+$0x0];
	v17 =	vmax.f32 v17, v29;
	v13 =	vmul.f32 $1.442695020e+00, v13;
	v29 =	vmul.f32 v32, v16  }
0x73: {  	s13 =	simm.s32 $0x2940;
	v27 =	vld [tilespmem:s17+$0x20];
	v21 =	vmul.f32 $2.000000030e-01, v30;
	v25 =	vmul.f32 $1.442695020e+00, v9;
	v9 =	vmax.f32 v26, v10  }
0x74: {  	v16 =	vld [tilespmem:s13+$0xFFFFFFC0];
	v22 =	vpop (erf);
	v26 =	vperm.xlane v11, v0;
	v41 =	vmul.f32 $1.442695020e+00, v9  }
0x75: {  	v11 =	vld [tilespmem:s13+$0x30];
	(erf) = vpow2.f32 v13;
	v22 =	vperm.xlane v22, v0  }
0x76: {  	v9 =	vld [tilespmem:s13+$0xFFFFFFE0];
	v10 =	vpop (erf);
	(erf) = vpow2.f32 v25;
	v25 =	vmul.f32 v59, v12  }
0x77: {  	v42 =	vperm.xlane v10, v0;
	v10 =	vld [tilespmem:s13+$0x20];
	v24 =	vmul.f32 v22, v20;
	v20 =	vmax.f32 v30, v21;
	v21 =	vpop (erf)  }
0x78: {  	v12 =	vld [tilespmem:s13+$0xFFFFFFF0];
	[tilespmem:s12+$0xFFFFFFF0] =	vst v25;
	v25 =	vmul.f32 v26, v23;
	v23 =	vpop (erf)  }
0x79: {  	[tilespmem:s12+$0x30] =	vst v29;
	v13 =	vld [tilespmem:s13+$0x10];
	v30 =	vmul.f32 v31, v14;
	v29 =	vpop (erf)  }
0x7a: {  	v14 =	vld [tilespmem:s13+$0x0];
	(erf) = vpow2.f32 v38;
	v62 =	vperm.xlane v29, v0  }
0x7b: {  	(erf) = vpow2.f32 v41;
	v19 =	vmul.f32 v42, v19;
	v22 =	vadd.f32 v36, v11;
	v29 =	vld [tilespmem:s17+$0xFFFFFFD0]  }
0x7c: {  	[tilespmem:s12+$0x20] =	vst v30;
	v28 =	vadd.f32 v27, v10;
	v27 =	vperm.xlane v23, v0;
	v30 =	vmul.f32 v62, v15;
	v15 =	vld [tilespmem:s13+$0xFFFFFFD0]  }
0x7d: {  	(erf) = vpow2.f32 v61;
	[tilespmem:s12+$0x10] =	vst v19;
	v19 =	vadd.f32 v60, v9;
	v31 =	vadd.f32 v37, v12  }
0x7e: {  	[tilespmem:s12+$0xFFFFFFD0] =	vst v24;
	v26 =	vmul.f32 $2.000000030e-01, v22;
	v23 =	vadd.f32 v39, v13;
	v63 =	vmul.f32 v27, v18  }
0x7f: {  	[tilespmem:s12+$0x0] =	vst v25;
	v25 =	vadd.f32 v35, v16;
	v24 =	vmul.f32 $2.000000030e-01, v19;
	v34 =	vmul.f32 $2.000000030e-01, v31;
	v18 =	vpop (erf)  }
0x80: {  	s9 =	simm.s32 $0x29C0;
	s16 =	simm.s32 $0x10;
	v32 =	vadd.f32 v40, v14;
	s17 =	simm.s32 $0xA6C0;
	v27 =	vmul.f32 $2.000000030e-01, v23;
	v33 =	vpop (erf);
	v18 =	vperm.xlane v18, v0;
	[tilespmem:s12+$0xFFFFFFE0] =	vst v63  }
.LBB2_3:
0x81: {  	v35 =	vld [tilespmem:s17+$0xFFFFFFC0];
	s16 =	sadd.s32 $0x8, s16;
	v29 =	vadd.f32 v29, v15;
	v39 =	vmul.f32 $2.000000030e-01, v28;
	v33 =	vperm.xlane v33, v0;
	[tilespmem:s12+$0xFFFFFFC0] =	vst v30;
	v30 =	vmovc v7;
	s12 =	smov.u32 s11;
	s11 =	smov.u32 s13  }
0x82: {  	v20 =	vmul.f32 $1.442695020e+00, v20;
	v7 =	vmovc v16;
	s13 =	smov.u32 s9;
	v37 =	vld [tilespmem:s17+$0x30];
	v31 =	vmax.f32 v31, v34;
	v34 =	vmul.f32 $2.000000030e-01, v32  }
0x83: {  	v21 =	vperm.xlane v21, v0;
	p0 =	slt.u32 s16, $0x3E0;
	v38 =	vld [tilespmem:s17+$0xFFFFFFF0];
	v40 =	vmul.f32 $1.442695020e+00, v31;
	v28 =	vmax.f32 v28, v39  }
0x84: {  	v31 =	vld [tilespmem:s17+$0xFFFFFFE0];
	v32 =	vmax.f32 v32, v34;
	v28 =	vmul.f32 $1.442695020e+00, v28;
	v34 =	vmul.f32 $1.442695020e+00, v17;
	v36 =	vpop (erf)  }
0x85: {  	v43 =	vmax.f32 v22, v26;
	v39 =	vld [tilespmem:s17+$0x10];
	v32 =	vmul.f32 $1.442695020e+00, v32;
	(erf) = vpow2.f32 v40;
	v16 =	vpop (erf)  }
0x86: {  	v41 =	vmul.f32 $2.000000030e-01, v29;
	v17 =	vmax.f32 v19, v24;
	v40 =	vmul.f32 $2.000000030e-01, v25;
	v26 =	vld [tilespmem:s17+$0x20]  }
0x87: {  	v19 =	vmul.f32 $1.442695020e+00, v43;
	v42 =	vld [tilespmem:s17+$0x0];
	(erf) = vpow2.f32 v34;
	v22 =	vpop (erf)  }
0x88: {  	v29 =	vmax.f32 v29, v41;
	v34 =	vperm.xlane v36, v0;
	v24 =	vld [tilespmem:s9+$0xFFFFFFF0];
	(erf) = vpow2.f32 v20  }
0x89: {  	v20 =	vmax.f32 v25, v40;
	v25 =	vmul.f32 $1.442695020e+00, v29;
	v36 =	vld [tilespmem:s9+$0x30];
	(erf) = vpow2.f32 v28  }
0x8a: {  	v16 =	vperm.xlane v16, v0;
	v22 =	vperm.xlane v22, v0;
	v40 =	vld [tilespmem:s9+$0x20]  }
0x8b: {  	v41 =	vld [tilespmem:s9+$0xFFFFFFE0];
	(erf) = vpow2.f32 v19;
	v19 =	vmul.f32 v21, v3;
	v3 =	vmov v12  }
0x8c: {  	v28 =	vmax.f32 v23, v27;
	v27 =	vmul.f32 v33, v2;
	v2 =	vmovc v11;
	v23 =	vmul.f32 v22, v5;
	v43 =	vld [tilespmem:s9+$0x10]  }
0x8d: {  	v44 =	vmul.f32 v16, v8;
	v8 =	vmovc v15;
	v33 =	vmul.f32 $1.442695020e+00, v28;
	v5 =	vmovc v13;
	v29 =	vld [tilespmem:s17+$0xFFFFFFD0];
	[tilespmem:s12+$0xFFFFFFF0] =	vst v19;
	v12 =	vmov v24  }
0x8e: {  	v18 =	vmul.f32 v18, v4;
	v24 =	vmul.f32 v34, v6;
	v45 =	vld [tilespmem:s9+$0x0];
	v22 =	vadd.f32 v37, v36;
	v21 =	vpop (erf);
	[tilespmem:s12+$0x10] =	vst v23  }
0x8f: {  	v4 =	vmovc v10;
	v6 =	vmovc v14;
	v11 =	vmov v36;
	v16 =	vld [tilespmem:s9+$0xFFFFFFC0];
	v28 =	vadd.f32 v26, v40;
	[tilespmem:s12+$0x30] =	vst v27;
	v10 =	vmov v40  }
0x90: {  	v19 =	vadd.f32 v31, v41;
	v26 =	vmul.f32 $2.000000030e-01, v22;
	(erf) = vpow2.f32 v32;
	[tilespmem:s12+$0xFFFFFFD0] =	vst v44;
	v14 =	vpop (erf)  }
.Ltmp2:
0x91: {  	v15 =	vld [tilespmem:s9+$0xFFFFFFD0];
	(erf) = vpow2.f32 v25;
	v14 =	vperm.xlane v14, v0;
	[tilespmem:s12+$0x0] =	vst v24;
	v25 =	vpop (erf);
	v13 =	vmov v43;
	(pc) =	sbr.rel @p0 .LBB2_3-.Ltmp2, $4  }
0x92: {  	v24 =	vmul.f32 $2.000000030e-01, v19;
	v23 =	vadd.f32 v39, v13;
	v36 =	vpop (erf);
	v32 =	vperm.xlane v25, v0;
	[tilespmem:s12+$0x20] =	vst v18  }
0x93: {  	v31 =	vadd.f32 v38, v12;
	(erf) = vpow2.f32 v33;
	v37 =	vmul.f32 v14, v1;
	v1 =	vmovc v9;
	v9 =	vmovc v41  }
0x94: {  	v25 =	vadd.f32 v35, v16;
	v27 =	vmul.f32 $2.000000030e-01, v23;
	v33 =	vpop (erf);
	v30 =	vmul.f32 v32, v30  }
0x95: {  	s17 =	sadd.s32 $0x80, s17;
	s9 =	sadd.s32 $0x80, s9;
	v34 =	vmul.f32 $2.000000030e-01, v31;
	v18 =	vperm.xlane v36, v0;
	v32 =	vadd.f32 v42, v45;
	[tilespmem:s12+$0xFFFFFFE0] =	vst v37;
	v14 =	vmovc v45  }
0x96: {  	_ = 	snop  }
0x97: {  	v35 =	vmul.f32 $2.000000030e-01, v28;
	v31 =	vmax.f32 v31, v34  }
0x98: {  	v29 =	vadd.f32 v29, v15;
	v20 =	vmul.f32 $1.442695020e+00, v20;
	v31 =	vmul.f32 $1.442695020e+00, v31  }
0x99: {  	v17 =	vmul.f32 $1.442695020e+00, v17;
	v22 =	vmax.f32 v22, v26;
	v53 =	vmul.f32 $2.000000030e-01, v32  }
0x9a: {  	v22 =	vmul.f32 $1.442695020e+00, v22;
	v28 =	vmax.f32 v28, v35;
	(erf) = vpow2.f32 v31  }
0x9b: {  	v19 =	vmax.f32 v19, v24;
	v28 =	vmul.f32 $1.442695020e+00, v28;
	(erf) = vpow2.f32 v17  }
0x9c: {  	v19 =	vmul.f32 $1.442695020e+00, v19;
	(erf) = vpow2.f32 v20  }
0x9d: {  	v26 =	vmul.f32 $2.000000030e-01, v29;
	(erf) = vpow2.f32 v28  }
0x9e: {  	v17 =	vmax.f32 v32, v53;
	(erf) = vpow2.f32 v22;
	v22 =	vmax.f32 v23, v27  }
0x9f: {  	v17 =	vmul.f32 $1.442695020e+00, v17;
	v20 =	vmax.f32 v29, v26;
	v22 =	vmul.f32 $1.442695020e+00, v22  }
0xa0: {  	v4 =	vmul.f32 v18, v4;
	v20 =	vmul.f32 $1.442695020e+00, v20  }
0xa1: {  	v26 =	vmul.f32 $2.000000030e-01, v25;
	v23 =	vpop (erf);
	(erf) = vpow2.f32 v17  }
0xa2: {  	(erf) = vpow2.f32 v20;
	v20 =	vperm.xlane v21, v0;
	v21 =	vpop (erf)  }
0xa3: {  	v17 =	vperm.xlane v33, v0;
	(erf) = vpow2.f32 v22;
	v22 =	vpop (erf)  }
0xa4: {  	v21 =	vperm.xlane v21, v0;
	v22 =	vperm.xlane v22, v0  }
0xa5: {  	v2 =	vmul.f32 v17, v2;
	v3 =	vmul.f32 v20, v3  }
0xa6: {  	v25 =	vmax.f32 v25, v26;
	v23 =	vperm.xlane v23, v0;
	v27 =	vpop (erf);
	v5 =	vmul.f32 v22, v5  }
0xa7: {  	v8 =	vmul.f32 v21, v8;
	[tilespmem:s11+$0x30] =	vst v2;
	v24 =	vpop (erf);
	v22 =	vmul.f32 $1.442695020e+00, v25  }
0xa8: {  	[tilespmem:s11+$0xFFFFFFF0] =	vst v3;
	v20 =	vpop (erf);
	(erf) = vpow2.f32 v19;
	v2 =	vperm.xlane v24, v0  }
0xa9: {  	[tilespmem:s11+$0xFFFFFFD0] =	vst v8;
	v3 =	vpop (erf);
	v8 =	vperm.xlane v20, v0;
	(erf) = vpow2.f32 v22  }
0xaa: {  	v6 =	vmul.f32 v23, v6;
	[tilespmem:s11+$0x10] =	vst v5;
	v1 =	vmul.f32 v2, v1;
	v5 =	vpop (erf)  }
0xab: {  	[tilespmem:s11+$0x20] =	vst v4;
	v4 =	vmul.f32 v8, v7;
	v17 =	vpop (erf)  }
0xac: {  	v2 =	vperm.xlane v27, v0;
	[tilespmem:s11+$0xFFFFFFE0] =	vst v1;
	v18 =	vpop (erf)  }
0xad: {  	v1 =	vperm.xlane v5, v0;
	[tilespmem:s11+$0xFFFFFFC0] =	vst v4;
	v4 =	vperm.xlane v18, v0  }
0xae: {  	[tilespmem:s11+$0x0] =	vst v6;
	v2 =	vmul.f32 v2, v12;
	v6 =	vpop (erf)  }
0xaf: {  	[tilespmem:s12+$0xFFFFFFC0] =	vst v30;
	v1 =	vmul.f32 v1, v11;
	v6 =	vperm.xlane v6, v0  }
0xb0: {  	[tilespmem:s13+$0xFFFFFFF0] =	vst v2;
	v2 =	vperm.xlane v3, v0;
	v3 =	vmul.f32 v4, v15  }
0xb1: {  	[tilespmem:s13+$0x30] =	vst v1;
	v5 =	vmul.f32 v6, v13;
	v6 =	vperm.xlane v17, v0;
	v4 =	vpop (erf)  }
0xb2: {  	v2 =	vmul.f32 v2, v10;
	[tilespmem:s13+$0xFFFFFFD0] =	vst v3;
	v1 =	vperm.xlane v4, v0;
	v4 =	vpop (erf)  }
0xb3: {  	[tilespmem:s13+$0x10] =	vst v5;
	v5 =	vmul.f32 v6, v14;
	v3 =	vperm.xlane v4, v0  }
0xb4: {  	[tilespmem:s13+$0x20] =	vst v2;
	v1 =	vmul.f32 v1, v9  }
0xb5: {  	[tilespmem:s13+$0x0] =	vst v5;
	v2 =	vmul.f32 v3, v16  }
0xb6: {  	[tilespmem:s13+$0xFFFFFFE0] =	vst v1  }
0xb7: {  	[tilespmem:s13+$0xFFFFFFC0] =	vst v2  }
0xb8: {  	[spmem:s2] =	stream.indirect.scatter.add.f32 [tilespmem:s23], [sflag:$0x3], $0x10, s21, s22, $0xb8;
	[tilespmem:$0x131A0] =	vst v63  }
0xb9: {  	_ =	swait.ge [sflag:s31], $0x3E80  }
0xba: {  	[sflag:s31] =	ssyncset.done $0x0  }
0xbb: {  	[sflag:s31] =	ssyncadd.s32 $0xFFFFC180  }
0xbc: {  	_ =	swait.ge [sflag:s31], $0x3E80  }
0xbd: {  	[sflag:s31] =	ssyncset.done $0x0  }
0xbe: {  	s9 =	simm.s32 $0xE3C0;
	[sflag:s31] =	ssyncadd.s32 $0xFFFFC180  }
0xbf: {  	v1 =	vld [tilespmem:s9+$0xFFFFFFC0]  }
0xc0: {  	v2 =	vld [tilespmem:s9+$0x30]  }
0xc1: {  	v3 =	vld [tilespmem:s9+$0xFFFFFFF0]  }
0xc2: {  	v4 =	vld [tilespmem:s9+$0xFFFFFFE0]  }
0xc3: {  	v5 =	vld [tilespmem:s9+$0x10]  }
0xc4: {  	v6 =	vld [tilespmem:s9+$0x20]  }
0xc5: {  	s12 =	simm.s32 $0x66C0;
	v7 =	vld [tilespmem:s9+$0x0]  }
0xc6: {  	v12 =	vld [tilespmem:s12+$0xFFFFFFF0]  }
0xc7: {  	v16 =	vld [tilespmem:s12+$0x30]  }
0xc8: {  	v14 =	vld [tilespmem:s12+$0x20]  }
0xc9: {  	v18 =	vld [tilespmem:s12+$0xFFFFFFE0]  }
0xca: {  	v19 =	vld [tilespmem:s12+$0x10]  }
0xcb: {  	v8 =	vld [tilespmem:s9+$0xFFFFFFD0]  }
0xcc: {  	v23 =	vld [tilespmem:s12+$0x0]  }
0xcd: {  	v15 =	vld [tilespmem:s12+$0xFFFFFFC0]  }
0xce: {  	s16 =	simm.s32 $0xE440;
	v20 =	vld [tilespmem:s12+$0xFFFFFFD0];
	v3 =	vadd.f32 v3, v12  }
0xcf: {  	v9 =	vld [tilespmem:s16+$0x30];
	v6 =	vadd.f32 v6, v14  }
0xd0: {  	v11 =	vld [tilespmem:s16+$0xFFFFFFF0];
	v2 =	vadd.f32 v2, v16;
	v10 =	vmul.f32 $2.000000030e-01, v3  }
0xd1: {  	s11 =	simm.s32 $0x6740;
	v17 =	vld [tilespmem:s16+$0xFFFFFFE0];
	v22 =	vadd.f32 v4, v18;
	v13 =	vmul.f32 $2.000000030e-01, v6  }
0xd2: {  	v25 =	vadd.f32 v1, v15;
	v1 =	vld [tilespmem:s11+$0xFFFFFFE0];
	v21 =	vmul.f32 $2.000000030e-01, v2;
	v3 =	vmax.f32 v3, v10  }
0xd3: {  	v24 =	vadd.f32 v5, v19;
	v5 =	vld [tilespmem:s11+$0x10];
	v6 =	vmax.f32 v6, v13;
	v3 =	vmul.f32 $1.442695020e+00, v3  }
0xd4: {  	v10 =	vld [tilespmem:s16+$0x10];
	v2 =	vmax.f32 v2, v21;
	v4 =	vmul.f32 $1.442695020e+00, v6;
	v6 =	vadd.f32 v7, v23  }
0xd5: {  	v8 =	vadd.f32 v8, v20;
	v7 =	vmul.f32 $1.442695020e+00, v2;
	v2 =	vld [tilespmem:s11+$0x30];
	(erf) = vpow2.f32 v3  }
0xd6: {  	v13 =	vld [tilespmem:s16+$0x20];
	(erf) = vpow2.f32 v4;
	v4 =	vmul.f32 $2.000000030e-01, v6  }
0xd7: {  	v26 =	vmul.f32 $2.000000030e-01, v8;
	v28 =	vmul.f32 $2.000000030e-01, v25;
	v3 =	vld [tilespmem:s11+$0xFFFFFFF0]  }
0xd8: {  	v27 =	vmul.f32 $2.000000030e-01, v24;
	v21 =	vld [tilespmem:s16+$0x0];
	(erf) = vpow2.f32 v7;
	v6 =	vmax.f32 v6, v4  }
0xd9: {  	v25 =	vmax.f32 v25, v28;
	v7 =	vmul.f32 $2.000000030e-01, v22;
	v29 =	vmul.f32 $1.442695020e+00, v6;
	v6 =	vld [tilespmem:s11+$0x0]  }
0xda: {  	v17 =	vadd.f32 v17, v1;
	v25 =	vmul.f32 $1.442695020e+00, v25;
	v4 =	vld [tilespmem:s11+$0x20];
	v9 =	vadd.f32 v9, v2  }
0xdb: {  	v22 =	vmax.f32 v22, v7;
	v7 =	vmax.f32 v8, v26;
	v8 =	vmax.f32 v24, v27  }
0xdc: {  	v7 =	vmul.f32 $1.442695020e+00, v7;
	v11 =	vadd.f32 v11, v3;
	(erf) = vpow2.f32 v29  }
0xdd: {  	v28 =	vadd.f32 v10, v5;
	v24 =	vmul.f32 $1.442695020e+00, v8;
	v27 =	vmul.f32 $2.000000030e-01, v9  }
0xde: {  	v26 =	vld [tilespmem:s16+$0xFFFFFFD0];
	(erf) = vpow2.f32 v7;
	v55 =	vmul.f32 $2.000000030e-01, v11;
	v21 =	vadd.f32 v21, v6  }
0xdf: {  	v8 =	vld [tilespmem:s11+$0xFFFFFFD0];
	v29 =	vmul.f32 $2.000000030e-01, v17;
	v13 =	vadd.f32 v13, v4;
	(erf) = vpow2.f32 v24  }
0xe0: {  	v30 =	vld [tilespmem:s16+$0xFFFFFFC0];
	v24 =	vmul.f32 $2.000000030e-01, v28;
	v11 =	vmax.f32 v11, v55;
	v58 =	vmul.f32 $2.000000030e-01, v21  }
0xe1: {  	s17 =	simm.s32 $0xE4C0;
	v7 =	vld [tilespmem:s11+$0xFFFFFFC0];
	v9 =	vmax.f32 v9, v27;
	v10 =	vpop (erf);
	v56 =	vmul.f32 $2.000000030e-01, v13;
	v11 =	vmul.f32 $1.442695020e+00, v11  }
0xe2: {  	v57 =	vld [tilespmem:s17+$0xFFFFFFC0];
	v31 =	vpop (erf);
	v59 =	vperm.xlane v10, v0;
	v10 =	vmax.f32 v21, v58;
	v21 =	vmul.f32 $1.442695020e+00, v22  }
0xe3: {  	v36 =	vld [tilespmem:s17+$0x30];
	v24 =	vmax.f32 v28, v24;
	v31 =	vperm.xlane v31, v0;
	(erf) = vpow2.f32 v11  }
0xe4: {  	v37 =	vld [tilespmem:s17+$0xFFFFFFF0];
	v26 =	vadd.f32 v26, v8;
	v54 =	vpop (erf);
	v61 =	vmul.f32 $1.442695020e+00, v24;
	(erf) = vpow2.f32 v21  }
0xe5: {  	v60 =	vld [tilespmem:s17+$0xFFFFFFE0];
	v32 =	vperm.xlane v54, v0;
	v13 =	vmax.f32 v13, v56;
	v11 =	vpop (erf);
	(erf) = vpow2.f32 v25  }
0xe6: {  	v39 =	vld [tilespmem:s17+$0x10];
	v30 =	vadd.f32 v30, v7;
	v38 =	vmul.f32 $1.442695020e+00, v10;
	v10 =	vmul.f32 $2.000000030e-01, v26  }
0xe7: {  	v40 =	vld [tilespmem:s17+$0x0];
	v17 =	vmax.f32 v17, v29;
	v13 =	vmul.f32 $1.442695020e+00, v13;
	v29 =	vmul.f32 v32, v16  }
0xe8: {  	s13 =	simm.s32 $0x67C0;
	v27 =	vld [tilespmem:s17+$0x20];
	v21 =	vmul.f32 $2.000000030e-01, v30;
	v25 =	vmul.f32 $1.442695020e+00, v9;
	v9 =	vmax.f32 v26, v10  }
0xe9: {  	v16 =	vld [tilespmem:s13+$0xFFFFFFC0];
	v22 =	vpop (erf);
	v26 =	vperm.xlane v11, v0;
	v41 =	vmul.f32 $1.442695020e+00, v9  }
0xea: {  	v11 =	vld [tilespmem:s13+$0x30];
	(erf) = vpow2.f32 v13;
	v22 =	vperm.xlane v22, v0  }
0xeb: {  	v9 =	vld [tilespmem:s13+$0xFFFFFFE0];
	v10 =	vpop (erf);
	(erf) = vpow2.f32 v25;
	v25 =	vmul.f32 v59, v12  }
0xec: {  	v42 =	vperm.xlane v10, v0;
	v10 =	vld [tilespmem:s13+$0x20];
	v24 =	vmul.f32 v22, v20;
	v20 =	vmax.f32 v30, v21;
	v21 =	vpop (erf)  }
0xed: {  	v12 =	vld [tilespmem:s13+$0xFFFFFFF0];
	[tilespmem:s12+$0xFFFFFFF0] =	vst v25;
	v25 =	vmul.f32 v26, v23;
	v23 =	vpop (erf)  }
0xee: {  	[tilespmem:s12+$0x30] =	vst v29;
	v13 =	vld [tilespmem:s13+$0x10];
	v30 =	vmul.f32 v31, v14;
	v29 =	vpop (erf)  }
0xef: {  	v14 =	vld [tilespmem:s13+$0x0];
	(erf) = vpow2.f32 v38;
	v62 =	vperm.xlane v29, v0  }
0xf0: {  	(erf) = vpow2.f32 v41;
	v19 =	vmul.f32 v42, v19;
	v22 =	vadd.f32 v36, v11;
	v29 =	vld [tilespmem:s17+$0xFFFFFFD0]  }
0xf1: {  	[tilespmem:s12+$0x20] =	vst v30;
	v28 =	vadd.f32 v27, v10;
	v27 =	vperm.xlane v23, v0;
	v30 =	vmul.f32 v62, v15;
	v15 =	vld [tilespmem:s13+$0xFFFFFFD0]  }
0xf2: {  	(erf) = vpow2.f32 v61;
	[tilespmem:s12+$0x10] =	vst v19;
	v19 =	vadd.f32 v60, v9;
	v31 =	vadd.f32 v37, v12  }
0xf3: {  	[tilespmem:s12+$0xFFFFFFD0] =	vst v24;
	v26 =	vmul.f32 $2.000000030e-01, v22;
	v23 =	vadd.f32 v39, v13;
	v63 =	vmul.f32 v27, v18  }
0xf4: {  	[tilespmem:s12+$0x0] =	vst v25;
	v25 =	vadd.f32 v57, v16;
	v24 =	vmul.f32 $2.000000030e-01, v19;
	v34 =	vmul.f32 $2.000000030e-01, v31;
	v18 =	vpop (erf)  }
0xf5: {  	s9 =	simm.s32 $0x6840;
	s16 =	simm.s32 $0x10;
	v32 =	vadd.f32 v40, v14;
	s17 =	simm.s32 $0xE540;
	v27 =	vmul.f32 $2.000000030e-01, v23;
	v33 =	vpop (erf);
	v18 =	vperm.xlane v18, v0;
	[tilespmem:s12+$0xFFFFFFE0] =	vst v63  }
.LBB2_5:
0xf6: {  	v35 =	vld [tilespmem:s17+$0xFFFFFFC0];
	s16 =	sadd.s32 $0x8, s16;
	v29 =	vadd.f32 v29, v15;
	v39 =	vmul.f32 $2.000000030e-01, v28;
	v33 =	vperm.xlane v33, v0;
	[tilespmem:s12+$0xFFFFFFC0] =	vst v30;
	v30 =	vmovc v7;
	s12 =	smov.u32 s11;
	s11 =	smov.u32 s13  }
0xf7: {  	v20 =	vmul.f32 $1.442695020e+00, v20;
	v7 =	vmovc v16;
	s13 =	smov.u32 s9;
	v37 =	vld [tilespmem:s17+$0x30];
	v31 =	vmax.f32 v31, v34;
	v34 =	vmul.f32 $2.000000030e-01, v32  }
0xf8: {  	v21 =	vperm.xlane v21, v0;
	p0 =	slt.u32 s16, $0x3E0;
	v38 =	vld [tilespmem:s17+$0xFFFFFFF0];
	v40 =	vmul.f32 $1.442695020e+00, v31;
	v28 =	vmax.f32 v28, v39  }
0xf9: {  	v31 =	vld [tilespmem:s17+$0xFFFFFFE0];
	v32 =	vmax.f32 v32, v34;
	v28 =	vmul.f32 $1.442695020e+00, v28;
	v34 =	vmul.f32 $1.442695020e+00, v17;
	v36 =	vpop (erf)  }
0xfa: {  	v43 =	vmax.f32 v22, v26;
	v39 =	vld [tilespmem:s17+$0x10];
	v32 =	vmul.f32 $1.442695020e+00, v32;
	(erf) = vpow2.f32 v40;
	v16 =	vpop (erf)  }
0xfb: {  	v41 =	vmul.f32 $2.000000030e-01, v29;
	v17 =	vmax.f32 v19, v24;
	v40 =	vmul.f32 $2.000000030e-01, v25;
	v26 =	vld [tilespmem:s17+$0x20]  }
0xfc: {  	v19 =	vmul.f32 $1.442695020e+00, v43;
	v42 =	vld [tilespmem:s17+$0x0];
	(erf) = vpow2.f32 v34;
	v22 =	vpop (erf)  }
0xfd: {  	v29 =	vmax.f32 v29, v41;
	v34 =	vperm.xlane v36, v0;
	v24 =	vld [tilespmem:s9+$0xFFFFFFF0];
	(erf) = vpow2.f32 v20  }
0xfe: {  	v20 =	vmax.f32 v25, v40;
	v25 =	vmul.f32 $1.442695020e+00, v29;
	v36 =	vld [tilespmem:s9+$0x30];
	(erf) = vpow2.f32 v28  }
0xff: {  	v16 =	vperm.xlane v16, v0;
	v22 =	vperm.xlane v22, v0;
	v40 =	vld [tilespmem:s9+$0x20]  }
0x100: {  	v41 =	vld [tilespmem:s9+$0xFFFFFFE0];
	(erf) = vpow2.f32 v19;
	v19 =	vmul.f32 v21, v3;
	v3 =	vmov v12  }
0x101: {  	v28 =	vmax.f32 v23, v27;
	v27 =	vmul.f32 v33, v2;
	v2 =	vmovc v11;
	v23 =	vmul.f32 v22, v5;
	v43 =	vld [tilespmem:s9+$0x10]  }
0x102: {  	v44 =	vmul.f32 v16, v8;
	v8 =	vmovc v15;
	v33 =	vmul.f32 $1.442695020e+00, v28;
	v5 =	vmovc v13;
	v29 =	vld [tilespmem:s17+$0xFFFFFFD0];
	[tilespmem:s12+$0xFFFFFFF0] =	vst v19;
	v12 =	vmov v24  }
0x103: {  	v18 =	vmul.f32 v18, v4;
	v24 =	vmul.f32 v34, v6;
	v45 =	vld [tilespmem:s9+$0x0];
	v22 =	vadd.f32 v37, v36;
	v21 =	vpop (erf);
	[tilespmem:s12+$0x10] =	vst v23  }
0x104: {  	v4 =	vmovc v10;
	v6 =	vmovc v14;
	v11 =	vmov v36;
	v16 =	vld [tilespmem:s9+$0xFFFFFFC0];
	v28 =	vadd.f32 v26, v40;
	[tilespmem:s12+$0x30] =	vst v27;
	v10 =	vmov v40  }
0x105: {  	v19 =	vadd.f32 v31, v41;
	v26 =	vmul.f32 $2.000000030e-01, v22;
	(erf) = vpow2.f32 v32;
	[tilespmem:s12+$0xFFFFFFD0] =	vst v44;
	v14 =	vpop (erf)  }
.Ltmp3:
0x106: {  	v15 =	vld [tilespmem:s9+$0xFFFFFFD0];
	(erf) = vpow2.f32 v25;
	v14 =	vperm.xlane v14, v0;
	[tilespmem:s12+$0x0] =	vst v24;
	v25 =	vpop (erf);
	v13 =	vmov v43;
	(pc) =	sbr.rel @p0 .LBB2_5-.Ltmp3, $4  }
0x107: {  	v24 =	vmul.f32 $2.000000030e-01, v19;
	v23 =	vadd.f32 v39, v13;
	v36 =	vpop (erf);
	v32 =	vperm.xlane v25, v0;
	[tilespmem:s12+$0x20] =	vst v18  }
0x108: {  	v31 =	vadd.f32 v38, v12;
	(erf) = vpow2.f32 v33;
	v37 =	vmul.f32 v14, v1;
	v1 =	vmovc v9;
	v9 =	vmovc v41  }
0x109: {  	v25 =	vadd.f32 v35, v16;
	v27 =	vmul.f32 $2.000000030e-01, v23;
	v33 =	vpop (erf);
	v30 =	vmul.f32 v32, v30  }
0x10a: {  	s17 =	sadd.s32 $0x80, s17;
	s9 =	sadd.s32 $0x80, s9;
	v34 =	vmul.f32 $2.000000030e-01, v31;
	v18 =	vperm.xlane v36, v0;
	v32 =	vadd.f32 v42, v45;
	[tilespmem:s12+$0xFFFFFFE0] =	vst v37;
	v14 =	vmovc v45  }
0x10b: {  	v35 =	vmul.f32 $2.000000030e-01, v28  }
0x10c: {  	v20 =	vmul.f32 $1.442695020e+00, v20;
	v17 =	vmul.f32 $1.442695020e+00, v17  }
0x10d: {  	v42 =	vperm.xlane v33, v0;
	v44 =	vperm.xlane v21, v0;
	v31 =	vmax.f32 v31, v34  }
0x10e: {  	v22 =	vmax.f32 v22, v26;
	v47 =	vmul.f32 $2.000000030e-01, v25;
	v31 =	vmul.f32 $1.442695020e+00, v31  }
0x10f: {  	v19 =	vmax.f32 v19, v24;
	v37 =	vmul.f32 $2.000000030e-01, v32;
	v22 =	vmul.f32 $1.442695020e+00, v22  }
0x110: {  	v29 =	vadd.f32 v29, v15;
	v19 =	vmul.f32 $1.442695020e+00, v19;
	(erf) = vpow2.f32 v31  }
0x111: {  	v4 =	vmul.f32 v18, v4;
	v28 =	vmax.f32 v28, v35;
	(erf) = vpow2.f32 v17  }
0x112: {  	v38 =	vmul.f32 $2.000000030e-01, v29;
	v28 =	vmul.f32 $1.442695020e+00, v28  }
0x113: {  	v3 =	vmul.f32 v44, v3;
	v39 =	vmax.f32 v32, v37;
	(erf) = vpow2.f32 v20  }
0x114: {  	v40 =	vmax.f32 v29, v38;
	v17 =	vmul.f32 $1.442695020e+00, v39;
	(erf) = vpow2.f32 v28  }
0x115: {  	v41 =	vmax.f32 v23, v27;
	v20 =	vmul.f32 $1.442695020e+00, v40;
	(erf) = vpow2.f32 v22  }
0x116: {  	v43 =	vpop (erf);
	v22 =	vmul.f32 $1.442695020e+00, v41;
	(erf) = vpow2.f32 v17  }
0x117: {  	v2 =	vmul.f32 v42, v2;
	v45 =	vpop (erf);
	(erf) = vpow2.f32 v20  }
0x118: {  	v25 =	vmax.f32 v25, v47;
	v23 =	vperm.xlane v43, v0;
	v46 =	vpop (erf);
	(erf) = vpow2.f32 v22  }
0x119: {  	[tilespmem:s12+$0xFFFFFFC0] =	vst v30;
	v51 =	vmul.f32 $1.442695020e+00, v25;
	v21 =	vperm.xlane v45, v0;
	v48 =	vpop (erf)  }
0x11a: {  	[tilespmem:s11+$0x20] =	vst v4;
	v6 =	vmul.f32 v23, v6;
	(erf) = vpow2.f32 v19;
	v49 =	vpop (erf)  }
0x11b: {  	[tilespmem:s11+$0x30] =	vst v2;
	(erf) = vpow2.f32 v51;
	v2 =	vperm.xlane v49, v0  }
0x11c: {  	[tilespmem:s11+$0xFFFFFFF0] =	vst v3;
	v8 =	vmul.f32 v21, v8;
	v22 =	vperm.xlane v46, v0;
	v50 =	vpop (erf)  }
0x11d: {  	[tilespmem:s11+$0x0] =	vst v6;
	v3 =	vpop (erf);
	v54 =	vperm.xlane v50, v0;
	v1 =	vmul.f32 v2, v1  }
0x11e: {  	[tilespmem:s11+$0xFFFFFFD0] =	vst v8;
	v5 =	vmul.f32 v22, v5;
	v52 =	vpop (erf);
	v2 =	vperm.xlane v48, v0  }
0x11f: {  	v53 =	vpop (erf);
	v57 =	vmul.f32 v54, v7;
	[tilespmem:s11+$0xFFFFFFE0] =	vst v1;
	v1 =	vperm.xlane v52, v0  }
0x120: {  	[tilespmem:s11+$0x10] =	vst v5;
	v55 =	vpop (erf);
	v2 =	vmul.f32 v2, v12;
	v60 =	vperm.xlane v53, v0  }
0x121: {  	v56 =	vpop (erf);
	[tilespmem:s11+$0xFFFFFFC0] =	vst v57;
	v58 =	vperm.xlane v55, v0;
	v1 =	vmul.f32 v1, v11  }
0x122: {  	v6 =	vperm.xlane v56, v0;
	[tilespmem:s13+$0xFFFFFFF0] =	vst v2;
	v62 =	vmul.f32 v60, v14  }
0x123: {  	v2 =	vperm.xlane v3, v0;
	v61 =	vpop (erf);
	v3 =	vmul.f32 v58, v15;
	[tilespmem:s13+$0x30] =	vst v1  }
0x124: {  	v63 =	vpop (erf);
	v59 =	vmul.f32 v6, v13;
	v1 =	vperm.xlane v61, v0;
	[tilespmem:s13+$0x0] =	vst v62  }
0x125: {  	v2 =	vmul.f32 v2, v10;
	[tilespmem:s13+$0xFFFFFFD0] =	vst v3;
	v3 =	vperm.xlane v63, v0  }
0x126: {  	[tilespmem:s13+$0x10] =	vst v59;
	v1 =	vmul.f32 v1, v9  }
0x127: {  	[tilespmem:s13+$0x20] =	vst v2;
	v2 =	vmul.f32 v3, v16  }
0x128: {  	p0 =	seq.s32 s10, $0x4;
	[tilespmem:s13+$0xFFFFFFE0] =	vst v1  }
.Ltmp4:
0x129: {  	[tilespmem:s13+$0xFFFFFFC0] =	vst v2;
	(pc) =	sbr.rel @p0 .LBB2_8-.Ltmp4, $4  }
0x12a: {  	[spmem:s2] =	stream.indirect.scatter.add.f32 [tilespmem:s28], [sflag:$0x4], $0x10, s26, s22, $0xb8;
	[tilespmem:$0x131A0] =	vst v63  }
0x12b: {  	_ =	swait.ge [sflag:s0], $0x3E80  }
0x12c: {  	[sflag:s0] =	ssyncset.done $0x0  }
0x12d: {  	[sflag:s0] =	ssyncadd.s32 $0xFFFFC180  }
0x12e: {  	s9 =	smul.u32 $0x7D0, s10;
	_ =	sdelay $0x1  }
0x12f: {  	s11 =	sadd.s32 s9, s14  }
0x130: {  	s11 =	sshrl.u32 s11, $0x3  }
0x131: {  	s12 =	sadd.s32 s6, s11  }
0x132: {  	[tilespmem:s20], [sflag:$0x5] =	stream.linear.gather [hbm4b:s12+s3], $0x3E8, $0x38;
	[tilespmem:$0x131A0] =	vst v63  }
0x133: {  	_ =	swait.ge [sflag:s19], $0x3E8  }
0x134: {  	[sflag:s19] =	ssyncset.done $0x0  }
0x135: {  	s11 =	sadd.s32 s7, s11;
	[sflag:s19] =	ssyncadd.s32 $0xFFFFFC18  }
0x136: {  	[tilespmem:s21], [sflag:$0x5] =	stream.linear.gather [hbm4b:s11+s3], $0x3E8, $0x38;
	[tilespmem:$0x131A0] =	vst v63  }
0x137: {  	_ =	swait.ge [sflag:s19], $0x3E8  }
0x138: {  	[sflag:s19] =	ssyncset.done $0x0  }
0x139: {  	[sflag:s19] =	ssyncadd.s32 $0xFFFFFC18  }
0x13a: {  	[tilespmem:s23], [sflag:$0x1] =	stream.indirect.gather [hbm4b:s4+s22], $0x10, s20, s22, $0xb8;
	[tilespmem:$0x131A0] =	vst v63  }
0x13b: {  	_ = 	snop  }
0x13c: {  	[tilespmem:s24], [sflag:$0x1] =	stream.indirect.gather [hbm4b:s5+s22], $0x10, s21, s22, $0xb8;
	[tilespmem:$0x131A0] =	vst v63  }
0x13d: {  	s9 =	sadd.s32 s9, s15;
	_ =	swait.ge [sflag:s1], $0x3E80  }
0x13e: {  	s9 =	sshrl.u32 s9, $0x3;
	[sflag:s1] =	ssyncset.done $0x0  }
0x13f: {  	s17 =	sadd.s32 s6, s9;
	[sflag:s1] =	ssyncadd.s32 $0xFFFFC180  }
0x140: {  	[tilespmem:s25], [sflag:$0x5] =	stream.linear.gather [hbm4b:s17+s3], $0x3E8, $0x38;
	[tilespmem:$0x131A0] =	vst v63  }
0x141: {  	_ =	swait.ge [sflag:s19], $0x3E8  }
0x142: {  	[sflag:s19] =	ssyncset.done $0x0  }
0x143: {  	s9 =	sadd.s32 s7, s9;
	[sflag:s19] =	ssyncadd.s32 $0xFFFFFC18  }
0x144: {  	[tilespmem:s26], [sflag:$0x5] =	stream.linear.gather [hbm4b:s9+s3], $0x3E8, $0x38;
	[tilespmem:$0x131A0] =	vst v63  }
0x145: {  	_ =	swait.ge [sflag:s19], $0x3E8  }
.Ltmp5:
0x146: {  	[sflag:s19] =	ssyncset.done $0x0;
	(pc) =	sbr.rel .LBB2_2-.Ltmp5, $4  }
0x147: {  	[sflag:s19] =	ssyncadd.s32 $0xFFFFFC18  }
0x148: {  	[tilespmem:s28], [sflag:$0x2] =	stream.indirect.gather [hbm4b:s4+s22], $0x10, s25, s22, $0xb8;
	[tilespmem:$0x131A0] =	vst v63  }
0x149: {  	s10 =	sadd.s32 $0x1, s10  }
0x14a: {  	[tilespmem:s29], [sflag:$0x2] =	stream.indirect.gather [hbm4b:s5+s22], $0x10, s26, s22, $0xb8;
	[tilespmem:$0x131A0] =	vst v63  }
.LBB2_9:
0x14b: {  	_ =	sfence.sel $0x180000  }
0x14c: {  	[bflag:$0x0] =	sbarrier.arrive $0xFFFF  }
0x14d: {  	_ =	strace $0x9000004A  }
0x14e: {  	s0 =	stileid.u32;
	[bflag:$0x2] =	sbarrier.arrive $0xFFFF  }
0x14f: {  	p0 =	sne.s32 s0, $0x0;
	s0 =	rddreg [dreg:$0x2]  }
0x150: {  	s0 =	sadd.s32 @!p0 $0x100000, s0  }
0x151: {  	[sflag:s0] =	ssyncadd.tile.s32 @!p0 $0x1;
	_ =	shalt  }
.Lfunc_end2:
_tile_overlayer_lowered:
.L_overlay_start_2:
0x152: {  	(tag) =	ssettag $0x2  }
0x153: {  	s0 =	rddreg [dreg:$0x0];
	s2 =	stileid.u32  }
0x154: {  	s1 =	rddreg [dreg:$0x1];
	p0 =	sne.s32 s2, $0x0  }
0x155: {  	s3 =	rddreg [dreg:$0x2];
	[bflag:$0x3] =	sbarrier.arrive $0xFFFF;
	s2 =	simm.s32 @!p0 $0x1C05  }
0x156: {  	[timem:s3], [sflag:s2] =	dma.local @!p0 [hbm:s0], s1  }
0x157: {  	s0 =	simm.s32 @!p0 $0x5  }
0x158: {  	_ =	swait.ge @!p0 [sflag:s0], s1  }
0x159: {  	s1 =	ssub.s32 @!p0 $0x0, s1;
	[sflag:s0] =	ssyncset.done @!p0 $0x0  }
0x15a: {  	[sflag:s0] =	ssyncadd.s32 @!p0 s1  }
0x15b: {  	[bflag:$0x3] =	sbarrier.arrive $0xFFFF  }
0x15c: {  	_ =	shalt  }

// kernel: kernel.7.cloned.1.call-start
scs
__scs_entry_jumppad:
0x0: {  	(pc) =	sbr.rel $0x88, $3  }
0x1: {  	(tag) =	ssettag $0x0;
	lr =	simm.s32 $0x1  }
0x2: {  	[smem:$0x3F97] =	sst lr;
	_ =	strace $0xD0000000  }
0x3: {  	_ = 	snop  }
0x4: {  	_ = 	snop  }
0x5: {  	_ = 	snop  }
0x6: {  	_ = 	snop  }
0x7: {  	_ = 	snop  }
__scs_overlays_trampoline_lowered:
0x8: {  	[smem:$0x3FA6] =	sst s0  }
0x9: {  	[smem:$0x3FA7] =	sst s1  }
0xa: {  	[smem:$0x3FA8] =	sst s2  }
0xb: {  	[smem:$0x3FA9] =	sst s3  }
0xc: {  	[smem:$0x3FAA] =	sst s4  }
0xd: {  	[smem:$0x3FAB] =	sst s5  }
0xe: {  	[smem:$0x3FAC] =	sst s6  }
0xf: {  	[smem:$0x3FAD] =	sst s7  }
0x10: {  	[smem:$0x3FAE] =	sst s8  }
0x11: {  	[smem:$0x3FAF] =	sst s9;
	s0 =	simm.s32 @!p0 $0x0  }
0x12: {  	s1 =	sld [smem:$0x3F95];
	s0 =	simm.s32 @p0 $0x1  }
0x13: {  	[smem:$0x3FB0] =	sst s0;
	s0 =	simm.s32 @!p1 $0x0  }
0x14: {  	s2 =	sld [smem:$0x3F94];
	s0 =	simm.s32 @p1 $0x1  }
0x15: {  	[smem:$0x3FB1] =	sst s0;
	s0 =	simm.s32 @!p2 $0x0  }
0x16: {  	s3 =	sld [smem:$0x3FDB];
	s0 =	simm.s32 @p2 $0x1  }
0x17: {  	s4 =	simm.s32 $0x1BF5;
	[smem:$0x3FB3] =	sst s0  }
0x18: {  	s0 =	sld [smem:$0x3F96];
	_ =	swait.ge [sflag:s4], $0x0  }
0x19: {  	s7 =	sld [smem:$0x3F97]  }
0x1a: {  	s8 =	sadd.s32 $0xFFFFE003, lr  }
0x1b: {  	s9 =	sadd.s32 $0xFFFFFEF7, lr;
	s5 =	simm.s32 $0xFFFFFFFF;
	p2 =	slt.u32 s8, $0xFFFFF086  }
0x1c: {  	p1 =	slt.u32 s9, $0xF7A;
	s5 =	simm.s32 @!p2 $0x0  }
0x1d: {  	s5 =	simm.s32 @p1 $0x1;
	p0 =	seq.s32 s7, s2  }
0x1e: {  	s7 =	smul.u32 @!p0 $0xF7A, s2;
	p2 =	seq.s32 @!p0 s5, $0x0  }
0x1f: {  	s9 =	smul.u32 $0xF7A, s1;
	s8 =	simm.s32 @!p0 $0x1BF5;
	p2 =	por !p2, p0  }
0x20: {  	[sflag:s8] =	ssyncset.s32 @!p0 $0xFFFFF086;
	s6 =	sadd.s32 @!p0 s3, s7;
	s7 =	simm.s32 @!p0 $0x108  }
0x21: {  	s3 =	sadd.s32 s3, s9;
	s6 =	sadd.s32 @!p0 $0x88, s6;
	s7 =	simm.s32 @p2 $0x1082  }
0x22: {  	[simem:s7], [sflag:s8] =	dma.local @!p0 [hbm:s6], $0xF7A  }
0x23: {  	s9 =	sor.u32 $0xD0000000, s2;
	s6 =	simm.s32 $0x108;
	_ =	swait.ge @!p0 [sflag:s8], $0x0  }
0x24: {  	s3 =	sadd.s32 $0x88, s3;
	s6 =	simm.s32 @!p1 $0x1082;
	[sflag:s4] =	ssyncset.s32 $0xFFFFF086  }
0x25: {  	[simem:s6], [sflag:s4] =	dma.local [hbm:s3], $0xF7A  }
0x26: {  	[smem:$0x3F97] =	sst s1;
	(tag) =	ssettag s2;
	_ =	strace s9  }
0x27: {  	s1 =	sld [smem:$0x3FA7]  }
0x28: {  	s2 =	sld [smem:$0x3FA8]  }
0x29: {  	s4 =	sld [smem:$0x3FAA]  }
0x2a: {  	p0 =	seq.s32 s5, $0x0;
	s5 =	sld [smem:$0x3FAB]  }
0x2b: {  	s6 =	sld [smem:$0x3FAC]  }
0x2c: {  	s7 =	sld [smem:$0x3FAD]  }
0x2d: {  	s3 =	simm.s32 $0x108;
	s8 =	sld [smem:$0x3FAE]  }
0x2e: {  	s3 =	simm.s32 @!p0 $0x1082;
	s9 =	sld [smem:$0x3FAF]  }
0x2f: {  	lr =	sadd.s32 s0, s3;
	s0 =	sld [smem:$0x3FA6]  }
0x30: {  	s3 =	sld [smem:$0x3FA9]  }
0x31: {  	[smem:$0x3FB2] =	sst s10  }
0x32: {  	s10 =	sld [smem:$0x3FB0];
	_ =	sdelay $0x3  }
0x33: {  	p0 =	seq.s32 s10, $0x1;
	s10 =	sld [smem:$0x3FB2];
	_ =	sdelay $0x3  }
0x34: {  	[smem:$0x3FB2] =	sst s10  }
0x35: {  	s10 =	sld [smem:$0x3FB1];
	_ =	sdelay $0x3  }
0x36: {  	p1 =	seq.s32 s10, $0x1;
	s10 =	sld [smem:$0x3FB2];
	_ =	sdelay $0x3  }
0x37: {  	[smem:$0x3FB2] =	sst s10  }
0x38: {  	s10 =	sld [smem:$0x3FB3]  }
0x39: {  	_ = 	snop;
	(pc) =	sbr.ind lr, $3  }
0x3a: {  	_ = 	snop  }
0x3b: {  	_ = 	snop  }
0x3c: {  	p2 =	seq.s32 s10, $0x1;
	s10 =	sld [smem:$0x3FB2]  }
0x3d: {  	_ =	shalt  }
0x3e: {  	_ =	shalt  }
0x3f: {  	_ =	shalt  }
0x40: {  	_ =	shalt  }
0x41: {  	_ =	shalt  }
0x42: {  	_ =	shalt  }
0x43: {  	_ =	shalt  }
0x44: {  	_ =	shalt  }
0x45: {  	_ =	shalt  }
0x46: {  	_ =	shalt  }
0x47: {  	_ =	shalt  }
0x48: {  	_ =	shalt  }
0x49: {  	_ =	shalt  }
0x4a: {  	_ =	shalt  }
0x4b: {  	_ =	shalt  }
0x4c: {  	_ =	shalt  }
0x4d: {  	_ =	shalt  }
0x4e: {  	_ =	shalt  }
0x4f: {  	_ =	shalt  }
0x50: {  	_ =	shalt  }
0x51: {  	_ =	shalt  }
0x52: {  	_ =	shalt  }
0x53: {  	_ =	shalt  }
0x54: {  	_ =	shalt  }
0x55: {  	_ =	shalt  }
0x56: {  	_ =	shalt  }
0x57: {  	_ =	shalt  }
0x58: {  	_ =	shalt  }
0x59: {  	_ =	shalt  }
0x5a: {  	_ =	shalt  }
0x5b: {  	_ =	shalt  }
0x5c: {  	_ =	shalt  }
0x5d: {  	_ =	shalt  }
0x5e: {  	_ =	shalt  }
0x5f: {  	_ =	shalt  }
0x60: {  	_ =	shalt  }
0x61: {  	_ =	shalt  }
0x62: {  	_ =	shalt  }
0x63: {  	_ =	shalt  }
0x64: {  	_ =	shalt  }
0x65: {  	_ =	shalt  }
0x66: {  	_ =	shalt  }
0x67: {  	_ =	shalt  }
0x68: {  	_ =	shalt  }
0x69: {  	_ =	shalt  }
0x6a: {  	_ =	shalt  }
0x6b: {  	_ =	shalt  }
0x6c: {  	_ =	shalt  }
0x6d: {  	_ =	shalt  }
0x6e: {  	_ =	shalt  }
0x6f: {  	_ =	shalt  }
0x70: {  	_ =	shalt  }
0x71: {  	_ =	shalt  }
0x72: {  	_ =	shalt  }
0x73: {  	_ =	shalt  }
0x74: {  	_ =	shalt  }
0x75: {  	_ =	shalt  }
0x76: {  	_ =	shalt  }
0x77: {  	_ =	shalt  }
0x78: {  	_ =	shalt  }
0x79: {  	_ =	shalt  }
0x7a: {  	_ =	shalt  }
0x7b: {  	_ =	shalt  }
0x7c: {  	_ =	shalt  }
0x7d: {  	_ =	shalt  }
0x7e: {  	_ =	shalt  }
0x7f: {  	_ =	shalt  }
0x80: {  	_ =	shalt  }
0x81: {  	_ =	shalt  }
0x82: {  	_ =	shalt  }
0x83: {  	_ =	shalt  }
0x84: {  	_ =	shalt  }
0x85: {  	_ =	shalt  }
0x86: {  	_ =	shalt  }
0x87: {  	_ =	shalt  }
.Lfunc_end0:
.L_simem_size_0:
called_computation_lowered:
.L_overlay_start_0:
0x88: {  	s2 =	sld [smem:$0x3FD9]  }
0x89: {  	s3 =	sld [smem:$0x3FFE];
	_ =	sdelay $0x1  }
0x8a: {  	s1 =	srdreg.scid  }
0x8b: {  	s0 =	sand.u32 $0x1, s1  }
0x8c: {  	s16 =	sshll.u32 s0, $0xA;
	s2 =	sadd.s32 s3, s2  }
0x8d: {  	s2 =	sadd.s32 s2, s16  }
0x8e: {  	[smem:$0x3FBE] =	sst s2  }
0x8f: {  	_ = 	snop  }
0x90: {  	(tm) =	ssettm $0x1  }
0x91: {  	s17 =	sld [smem:$0x3FFB];
	_ =	sdelay $0x3  }
0x92: {  	_ =	strace s17  }
0x93: {  	s2 =	sld [smem:$0x3FFC];
	_ =	sdelay $0x3  }
0x94: {  	_ =	strace s2  }
0x95: {  	s2 =	sld [smem:$0x3FFD];
	_ =	sdelay $0x3  }
0x96: {  	_ =	strace s2  }
0x97: {  	_ =	strace $0x8FFFFFFF  }
0x98: {  	s18 =	sld [smem:$0x3FDB];
	_ =	sdelay $0x1  }
0x99: {  	s19 =	simm.s32 $_scs_section_size  }
0x9a: {  	s4 =	simm.s32 $_size__tile_overlayer_lowered;
	s5 =	simm.s32 $_tile_overlayer_lowered  }
0x9b: {  	s22 =	simm.s32 $0x1BFF;
	s21 =	sshll.u32 s5, $0x1;
	s2 =	sadd.s32 s19, s18  }
0x9c: {  	s6 =	simm.s32 $0x0;
	s20 =	sshll.u32 s4, $0x1;
	s4 =	sadd.s32 s21, s2  }
0x9d: {  	[timem:s6], [sflag:s22] =	dma.local [hbm:s4], s20  }
0x9e: {  	_ =	swait.ge [sflag:s22], s20  }
0x9f: {  	s3 =	ssub.s32 $0x0, s20;
	[sflag:s22] =	ssyncset.done $0x0  }
0xa0: {  	[sflag:s22] =	ssyncadd.s32 s3;
	_ =	sdelay $0x1  }
0xa1: {  	s23 =	simm.s32 $0x1B8B  }
0xa2: {  	_ =	swait.ge [sflag:s23], $0x1  }
0xa3: {  	[sflag:s23] =	ssyncset.done $0x0  }
0xa4: {  	s25 =	simm.s32 $0x1B8E;
	s24 =	sld [smem:$0x3FFE];
	[sflag:s23] =	ssyncadd.s32 $0xFFFFFFFF  }
0xa5: {  	s26 =	simm.s32 $execute0_lowered;
	[smem:$0x3FD2] =	sst s25  }
0xa6: {  	s4 =	sshll.u32 s26, $0x1;
	_ =	strace $0x80000046;
	[dreg:$0x1] =	wrdreg $0xFFFFFFFF  }
0xa7: {  	s28 =	simm.s32 $_size_execute0_lowered;
	s2 =	sadd.s32 s2, s4;
	[dreg:$0x0] =	wrdreg $0x0  }
0xa8: {  	s4 =	sshll.u32 s28, $0x1;
	[dreg:$0x2] =	wrdreg s2  }
0xa9: {  	[dreg:$0x3] =	wrdreg s4  }
0xaa: {  	[dreg:$0x4] =	wrdreg $0xC0  }
0xab: {  	_ =	task [dreg:s6], $0x5FFFF  }
0xac: {  	[dreg:$0x1] =	wrdreg $0xFFFFFFFF  }
0xad: {  	[dreg:$0x0] =	wrdreg $0x60  }
0xae: {  	[dreg:$0x2] =	wrdreg s24  }
0xaf: {  	[dreg:$0x3] =	wrdreg $0x0  }
0xb0: {  	[dreg:$0x4] =	wrdreg $0x9  }
0xb1: {  	_ =	task.clear_ibuf [dreg:s6], $0x5FFFF;
	_ =	strace $0x90000046  }
0xb2: {  	s29 =	simm.s32 $0x9;
	_ =	strace $0x80000048  }
0xb3: {  	_ =	swait.ge [sflag:s29], $0x1  }
0xb4: {  	[sflag:s29] =	ssyncadd.s32 $0xFFFFFFFF  }
0xb5: {  	_ =	strace $0x90000048  }
0xb6: {  	_ =	sfence  }
0xb7: {  	s30 =	sld [smem:$0x0];
	_ =	sdelay $0x2  }
0xb8: {  	s31 =	sshll.u32 s1, $0xD;
	s1 =	sshrl.u32 s1, $0x2  }
0xb9: {  	s3 =	sand.u32 $0x4000, s31;
	s1 =	sadd.s32 s1, s30  }
0xba: {  	s0 =	sor.u32 s3, s0;
	s1 =	sshll.u32 s1, $0x11  }
0xbb: {  	s0 =	sor.u32 s1, s0  }
0xbc: {  	s0 =	sadd.s32 $0x8F2B, s0  }
0xbd: {  	[sflag:s0] =	ssyncadd.remote.s32 $0x1  }
0xbe: {  	_ =	sfence.sel $0xFFFF  }
0xbf: {  	[dreg:$0x0] =	wrdreg $0xFFFFFFFF;
	(pc) =	sbr.abs _section_cstart, $3  }
0xc0: {  	[dreg:$0x1] =	wrdreg $0xFFFFFFFF  }
0xc1: {  	_ =	task.clear_ibuf [dreg:s6], $0x2FFFF;
	_ =	strace $0x9FFFFFFF  }
0xc2: {  	(tm) =	ssettm $0x7FFFFFFF  }
0xc3: {  	_ =	shalt  }
tec
execute0_lowered:
.L_overlay_start_1:
0x0: {  	(tag) =	ssettag $0x1  }
0x1: {  	s0 =	rddreg [dreg:$0x0]  }
0x2: {  	s2 =	rddreg [dreg:$0x1];
	s3 =	simm.s32 $0x0  }
0x3: {  	s13 =	stileid.u32;
	s1 =	srdreg.scid;
	s19 =	simm.s32 $0x5  }
0x4: {  	s20 =	simm.s32 $0x1F400;
	s28 =	simm.s32 $0x14500;
	s30 =	simm.s32 $0x1  }
0x5: {  	s31 =	simm.s32 $0x2;
	[smem:$0x7FF] =	sst s3;
	s8 =	smul.u32 $0xC800, s13  }
0x6: {  	s1 =	sand.u32 $0x1, s1;
	s4 =	sadd.s32 $0x1600, s0;
	s5 =	sadd.s32 $0x19E00, s0  }
0x7: {  	s6 =	sadd.s32 $0x28C00, s0;
	s7 =	sadd.s32 $0x1EE00, s0;
	s11 =	sshll.u32 s13, $0x1  }
0x8: {  	s23 =	sshll.u32 s13, $0x6;
	_ =	strace $0x80000047;
	s9 =	smul.u32 $0xC8000, s1  }
0x9: {  	s12 =	ssub.s32 $0x2, s1;
	s1 =	sor.u32 s1, s11;
	s10 =	sshrl.u32 s8, $0x3  }
0xa: {  	s21 =	sshrl.u32 s12, $0x1;
	s1 =	smul.u32 $0x2710, s1;
	s10 =	sadd.s32 s10, s0  }
0xb: {  	s9 =	sadd.s32 s8, s9;
	s22 =	ssub.s32 s12, s21;
	s8 =	sadd.s32 s8, s2  }
0xc: {  	s21 =	simm.s32 $0x1F720;
	s9 =	sshrl.u32 s9, $0x3;
	s10 =	sadd.s32 $0x32A00, s10  }
0xd: {  	s24 =	sshrl.u32 s1, $0x3;
	s14 =	sadd.s32 $0x320, s1;
	s15 =	sadd.s32 $0x4B0, s1  }
0xe: {  	s17 =	smax.u32 s22, $0x1;
	s18 =	sshrl.u32 s8, $0x3;
	s22 =	simm.s32 $0x190  }
0xf: {  	s1 =	simm.s32 $0x0;
	s0 =	sadd.s32 s9, s0;
	[dreg:$0x3] =	wrdreg s10  }
.Ltmp0:
0x10: {  	s9 =	sor.u32 $0x1C05, s23;
	s25 =	sadd.s32 s6, s24;
	(pc) =	sbr.rel .LBB2_1-.Ltmp0, $4  }
0x11: {  	s26 =	sadd.s32 s7, s24;
	s10 =	sadd.s32 $0x32, s24;
	[dreg:$0x4] =	wrdreg s25  }
0x12: {  	v0 =	vlaneseq.u32;
	s23 =	simm.s32 $0xC800;
	s24 =	simm.s32 $0x1C200;
	[dreg:$0x5] =	wrdreg s26  }
0x13: {  	v0 =	vshrl.u32 v0, $0x3;
	s29 =	sadd.s32 s6, s10;
	s13 =	sadd.s32 s7, s10;
	s16 =	sadd.s32 $0x4BA00, s0  }
0x14: {  	v1 =	vor.u32 $0x2, v0;
	v2 =	vor.u32 $0x4, v0;
	v3 =	vor.u32 $0x6, v0;
	s26 =	simm.s32 $0x1F8B0;
	s0 =	simm.s32 $0x3;
	[dreg:$0x6] =	wrdreg s29  }
.LBB2_10:
0x15: {  	s1 =	sadd.s32 $0x1, s1  }
0x16: {  	p0 =	sne.s32 s1, s17  }
.Ltmp1:
0x17: {  	[bflag:$0x0] =	sbarrier.arrive $0xFFFF;
	(pc) =	sbr.rel @!p0 .LBB2_11-.Ltmp1, $4  }
0x18: {  	[hbm:s16], [sflag:s9] =	dma.local [spmem:s18], $0x1900  }
0x19: {  	_ =	swait.ge [sflag:s19], $0x1900  }
0x1a: {  	[sflag:s19] =	ssyncset.done $0x0  }
0x1b: {  	[sflag:s19] =	ssyncadd.s32 $0xFFFFE700  }
.LBB2_1:
0x1c: {  	s8 =	rddreg [dreg:$0x3]  }
0x1d: {  	[spmem:s18], [sflag:s9] =	dma.local [hbm:s8], $0x1900  }
0x1e: {  	_ =	swait.ge [sflag:s19], $0x1900  }
0x1f: {  	[sflag:s19] =	ssyncset.done $0x0  }
0x20: {  	[sflag:s19] =	ssyncadd.s32 $0xFFFFE700  }
0x21: {  	[bflag:$0x0] =	sbarrier.arrive $0xFFFF  }
0x22: {  	s10 =	rddreg [dreg:$0x4]  }
0x23: {  	[tilespmem:s20], [sflag:$0x5] =	stream.linear.gather [hbm4b:s10+s3], $0x190, $0x38;
	[tilespmem:$0x1FA40] =	vst v63  }
0x24: {  	_ =	swait.ge [sflag:s19], $0x190  }
0x25: {  	[sflag:s19] =	ssyncset.done $0x0  }
0x26: {  	s11 =	rddreg [dreg:$0x5];
	[sflag:s19] =	ssyncadd.s32 $0xFFFFFE70  }
0x27: {  	[tilespmem:s21], [sflag:$0x5] =	stream.linear.gather [hbm4b:s11+s3], $0x190, $0x38;
	[tilespmem:$0x1FA40] =	vst v63  }
0x28: {  	_ =	swait.ge [sflag:s19], $0x190  }
0x29: {  	[sflag:s19] =	ssyncset.done $0x0  }
0x2a: {  	[sflag:s19] =	ssyncadd.s32 $0xFFFFFE70  }
0x2b: {  	[tilespmem:s23], [sflag:$0x1] =	stream.indirect.gather [hbm4b:s4+s22], $0x50, s20, s22, $0xb8;
	[tilespmem:$0x1FA40] =	vst v63  }
0x2c: {  	_ = 	snop  }
0x2d: {  	[tilespmem:s24], [sflag:$0x1] =	stream.indirect.gather [hbm4b:s5+s22], $0x10, s21, s22, $0xb8;
	[tilespmem:$0x1FA40] =	vst v63  }
0x2e: {  	s10 =	simm.s32 $0x1F590;
	s12 =	rddreg [dreg:$0x6]  }
0x2f: {  	[tilespmem:s10], [sflag:$0x5] =	stream.linear.gather [hbm4b:s12+s3], $0x190, $0x38;
	[tilespmem:$0x1FA40] =	vst v63  }
0x30: {  	_ =	swait.ge [sflag:s19], $0x190  }
0x31: {  	[sflag:s19] =	ssyncset.done $0x0  }
0x32: {  	[sflag:s19] =	ssyncadd.s32 $0xFFFFFE70  }
0x33: {  	[tilespmem:s26], [sflag:$0x5] =	stream.linear.gather [hbm4b:s13+s3], $0x190, $0x38;
	[tilespmem:$0x1FA40] =	vst v63  }
0x34: {  	_ =	swait.ge [sflag:s19], $0x190  }
0x35: {  	[sflag:s19] =	ssyncset.done $0x0  }
0x36: {  	[sflag:s19] =	ssyncadd.s32 $0xFFFFFE70  }
0x37: {  	[tilespmem:s28], [sflag:$0x2] =	stream.indirect.gather [hbm4b:s4+s22], $0x50, s10, s22, $0xb8;
	[tilespmem:$0x1FA40] =	vst v63  }
0x38: {  	s25 =	simm.s32 $0x1DB00;
	s29 =	simm.s32 $0x0  }
0x39: {  	[tilespmem:s25], [sflag:$0x2] =	stream.indirect.gather [hbm4b:s5+s22], $0x10, s26, s22, $0xb8;
	[tilespmem:$0x1FA40] =	vst v63  }
.LBB2_2:
0x3a: {  	_ =	swait.ge [sflag:s30], $0x7D00  }
0x3b: {  	[sflag:s30] =	ssyncset.done $0x0  }
0x3c: {  	[sflag:s30] =	ssyncadd.s32 $0xFFFF8300  }
0x3d: {  	_ =	swait.ge [sflag:s30], $0x1900  }
0x3e: {  	[sflag:s30] =	ssyncset.done $0x0  }
0x3f: {  	s10 =	simm.s32 $0x1C240;
	[sflag:s30] =	ssyncadd.s32 $0xFFFFE700  }
0x40: {  	s8 =	simm.s32 $0xC940;
	v4 =	vld [tilespmem:s10+$0x30]  }
0x41: {  	v5 =	vld [tilespmem:s8+$0x130]  }
0x42: {  	v6 =	vld [tilespmem:s8+$0xFFFFFF00]  }
0x43: {  	v7 =	vld [tilespmem:s10+$0xFFFFFFD0]  }
0x44: {  	v8 =	vld [tilespmem:s8+$0xFFFFFF50]  }
0x45: {  	v9 =	vld [tilespmem:s10+$0xFFFFFFE0]  }
0x46: {  	v10 =	vld [tilespmem:s8+$0xFFFFFFA0]  }
0x47: {  	v11 =	vld [tilespmem:s8+$0xFFFFFFF0]  }
0x48: {  	v4 =	vadd.f32 v5, v4;
	v5 =	vld [tilespmem:s10+$0xFFFFFFF0]  }
0x49: {  	v13 =	vld [tilespmem:s10+$0x0]  }
0x4a: {  	v14 =	vld [tilespmem:s8+$0x40];
	v7 =	vadd.f32 v8, v7;
	v12 =	vmul.f32 $2.000000030e-01, v4  }
0x4b: {  	v8 =	vld [tilespmem:s10+$0x10]  }
0x4c: {  	v9 =	vadd.f32 v10, v9;
	v10 =	vld [tilespmem:s8+$0x90];
	v4 =	vmax.f32 v4, v12;
	v12 =	vmul.f32 $2.000000030e-01, v7  }
0x4d: {  	v4 =	vmul.f32 $1.442695020e+00, v4;
	v5 =	vadd.f32 v11, v5;
	v11 =	vld [tilespmem:s10+$0x20]  }
0x4e: {  	v7 =	vmax.f32 v7, v12;
	v12 =	vld [tilespmem:s10+$0xFFFFFFC0]  }
0x4f: {  	v13 =	vadd.f32 v14, v13;
	v15 =	vmul.f32 $2.000000030e-01, v9;
	(erf) = vpow2.f32 v4;
	v4 =	vld [tilespmem:s8+$0xE0]  }
0x50: {  	v16 =	vmul.f32 $2.000000030e-01, v5;
	v7 =	vmul.f32 $1.442695020e+00, v7  }
0x51: {  	v26 =	vld [tilespmem:s8+$0xFFFFFEC0];
	v14 =	vmul.f32 $2.000000030e-01, v13;
	v9 =	vmax.f32 v9, v15;
	v8 =	vadd.f32 v10, v8  }
0x52: {  	v37 =	vld [tilespmem:s8+$0xFFFFFED0];
	v9 =	vmul.f32 $1.442695020e+00, v9;
	v5 =	vmax.f32 v5, v16;
	(erf) = vpow2.f32 v7  }
0x53: {  	v39 =	vld [tilespmem:s8+$0xFFFFFEE0];
	v10 =	vmul.f32 $2.000000030e-01, v8;
	v5 =	vmul.f32 $1.442695020e+00, v5;
	v6 =	vadd.f32 v6, v12  }
0x54: {  	v40 =	vld [tilespmem:s8+$0xFFFFFEF0];
	v7 =	vmax.f32 v13, v14;
	(erf) = vpow2.f32 v9;
	v4 =	vadd.f32 v4, v11  }
0x55: {  	v42 =	vld [tilespmem:s8+$0xFFFFFF10];
	(erf) = vpow2.f32 v5;
	v5 =	vmax.f32 v8, v10;
	v10 =	vmul.f32 $2.000000030e-01, v6  }
0x56: {  	v7 =	vmul.f32 $1.442695020e+00, v7;
	v9 =	vld [tilespmem:s8+$0x120];
	v8 =	vmul.f32 $2.000000030e-01, v4  }
0x57: {  	v43 =	vld [tilespmem:s8+$0xFFFFFF20];
	v5 =	vmul.f32 $1.442695020e+00, v5;
	v6 =	vmax.f32 v6, v10  }
0x58: {  	v45 =	vld [tilespmem:s8+$0xFFFFFF30];
	v44 =	vpop (erf);
	(erf) = vpow2.f32 v7;
	v4 =	vmax.f32 v4, v8;
	v6 =	vmul.f32 $1.442695020e+00, v6  }
0x59: {  	v46 =	vld [tilespmem:s8+$0xFFFFFF40];
	v7 =	vperm.xlane v44, v3;
	v8 =	vmul.f32 $1.442695020e+00, v4  }
0x5a: {  	v51 =	vld [tilespmem:s8+$0xFFFFFF60];
	(erf) = vpow2.f32 v5;
	v4 =	vperm.xlane v44, v0  }
0x5b: {  	v52 =	vld [tilespmem:s8+$0xFFFFFF70];
	v5 =	vperm.xlane v44, v1;
	v28 =	vpop (erf);
	v27 =	vmul.f32 v9, v7  }
0x5c: {  	v53 =	vld [tilespmem:s8+$0xFFFFFF80];
	(erf) = vpow2.f32 v8;
	v47 =	vperm.xlane v28, v0  }
0x5d: {  	v17 =	vld [tilespmem:s8+$0x10];
	v48 =	vperm.xlane v28, v1;
	v54 =	vperm.xlane v28, v2  }
0x5e: {  	v22 =	vld [tilespmem:s8+$0x20];
	v32 =	vpop (erf);
	v55 =	vperm.xlane v28, v3;
	(erf) = vpow2.f32 v6  }
0x5f: {  	v25 =	vld [tilespmem:s8+$0x30];
	v56 =	vperm.xlane v32, v0;
	v57 =	vperm.xlane v32, v1  }
0x60: {  	v29 =	vld [tilespmem:s8+$0x50];
	v58 =	vperm.xlane v32, v2;
	v16 =	vperm.xlane v32, v3;
	v11 =	vpop (erf)  }
0x61: {  	v31 =	vld [tilespmem:s8+$0x60];
	v23 =	vperm.xlane v11, v0;
	v13 =	vperm.xlane v11, v1  }
0x62: {  	v36 =	vld [tilespmem:s8+$0x70];
	[tilespmem:s8+$0xFFFFFFF0] =	vst v11;
	v20 =	vperm.xlane v11, v2;
	v11 =	vperm.xlane v11, v3;
	v15 =	vpop (erf)  }
0x63: {  	v35 =	vld [tilespmem:s8+$0x80];
	v21 =	vperm.xlane v15, v0;
	v14 =	vperm.xlane v15, v1  }
0x64: {  	v38 =	vld [tilespmem:s8+$0xA0];
	[tilespmem:s8+$0x40] =	vst v15;
	v30 =	vpop (erf);
	v19 =	vperm.xlane v15, v2;
	v15 =	vperm.xlane v15, v3  }
0x65: {  	v12 =	vld [tilespmem:s8+$0x0];
	[tilespmem:s8+$0xFFFFFF50] =	vst v28;
	v24 =	vperm.xlane v30, v0;
	v18 =	vperm.xlane v30, v1  }
0x66: {  	v10 =	vld [tilespmem:s8+$0xFFFFFFE0];
	[tilespmem:s8+$0x90] =	vst v30;
	v33 =	vperm.xlane v30, v2;
	v30 =	vperm.xlane v30, v3;
	v41 =	vpop (erf)  }
0x67: {  	v7 =	vld [tilespmem:s8+$0xFFFFFFC0];
	[tilespmem:s8+$0xFFFFFFA0] =	vst v32;
	v34 =	vperm.xlane v41, v0;
	v28 =	vperm.xlane v41, v1  }
0x68: {  	v8 =	vld [tilespmem:s8+$0xFFFFFF90];
	[tilespmem:s8+$0x120] =	vst v27;
	v49 =	vpop (erf);
	v32 =	vperm.xlane v41, v2;
	v27 =	vperm.xlane v41, v3  }
0x69: {  	v9 =	vld [tilespmem:s8+$0xFFFFFFD0];
	v50 =	vperm.xlane v49, v0;
	v59 =	vperm.xlane v49, v1  }
0x6a: {  	v6 =	vld [tilespmem:s8+$0xFFFFFFB0];
	[tilespmem:s8+$0xE0] =	vst v41;
	v60 =	vperm.xlane v49, v2;
	v61 =	vperm.xlane v49, v3  }
0x6b: {  	v41 =	vld [tilespmem:s8+$0xB0];
	[tilespmem:s8+$0xFFFFFF00] =	vst v49;
	v49 =	vmul.f32 v43, v48;
	v50 =	vmul.f32 v26, v50  }
0x6c: {  	[tilespmem:s8+$0x130] =	vst v44;
	v43 =	vld [tilespmem:s8+$0x110];
	v26 =	vperm.xlane v44, v2;
	v44 =	vmul.f32 v37, v59  }
0x6d: {  	v48 =	vmul.f32 v46, v55;
	v59 =	vmul.f32 v39, v60;
	v37 =	vld [tilespmem:s8+$0xC0];
	[tilespmem:s8+$0xFFFFFEC0] =	vst v50  }
0x6e: {  	v46 =	vmul.f32 v52, v57;
	v60 =	vmul.f32 v40, v61;
	v39 =	vld [tilespmem:s8+$0xD0];
	[tilespmem:s8+$0xFFFFFED0] =	vst v44  }
0x6f: {  	v40 =	vld [tilespmem:s8+$0xF0];
	v50 =	vmul.f32 v42, v47;
	v47 =	vmul.f32 v45, v54;
	[tilespmem:s8+$0xFFFFFEE0] =	vst v59  }
0x70: {  	s25 =	simm.s32 $0x0;
	s11 =	simm.s32 $0xC940;
	s10 =	simm.s32 $0x1C2C0;
	v45 =	vmul.f32 v51, v56;
	v42 =	vld [tilespmem:s8+$0x100];
	[tilespmem:s8+$0xFFFFFEF0] =	vst v60;
	v44 =	vmul.f32 v53, v58  }
.LBB2_3:
0x71: {  	v51 =	vld [tilespmem:s10+$0x30];
	[tilespmem:s8+$0xFFFFFF10] =	vst v50;
	v8 =	vmul.f32 v8, v16;
	v6 =	vmul.f32 v6, v23;
	s11 =	sadd.s32 $0x280, s11  }
0x72: {  	s25 =	sadd.s32 $0x8, s25;
	v7 =	vmul.f32 v7, v13;
	v9 =	vmul.f32 v9, v20;
	v16 =	vld [tilespmem:s11+$0x130];
	[tilespmem:s8+$0xFFFFFF20] =	vst v49  }
0x73: {  	v10 =	vmul.f32 v10, v11;
	v11 =	vmul.f32 v12, v21;
	p0 =	slt.u32 s25, $0x188;
	v13 =	vld [tilespmem:s11+$0xFFFFFF00];
	[tilespmem:s8+$0xFFFFFF30] =	vst v47  }
0x74: {  	v14 =	vmul.f32 v17, v14;
	v17 =	vmul.f32 v22, v19;
	v12 =	vld [tilespmem:s10+$0xFFFFFFD0];
	[tilespmem:s8+$0xFFFFFF40] =	vst v48  }
0x75: {  	v15 =	vmul.f32 v25, v15;
	v20 =	vmul.f32 v29, v24;
	v19 =	vld [tilespmem:s11+$0xFFFFFF50];
	[tilespmem:s8+$0xFFFFFF60] =	vst v45  }
0x76: {  	v18 =	vmul.f32 v31, v18;
	v22 =	vmul.f32 v36, v33;
	v21 =	vld [tilespmem:s10+$0xFFFFFFE0];
	[tilespmem:s8+$0xFFFFFF70] =	vst v46  }
0x77: {  	v24 =	vmul.f32 v35, v30;
	v25 =	vmul.f32 v38, v34;
	v23 =	vld [tilespmem:s11+$0xFFFFFFA0];
	v16 =	vadd.f32 v16, v51;
	[tilespmem:s8+$0xFFFFFF80] =	vst v44  }
0x78: {  	v29 =	vld [tilespmem:s10+$0xFFFFFFF0];
	[tilespmem:s8+$0xFFFFFF90] =	vst v8;
	v8 =	vmul.f32 v41, v28;
	v28 =	vmul.f32 v37, v32  }
0x79: {  	v30 =	vld [tilespmem:s11+$0xFFFFFFF0];
	v31 =	vmul.f32 $2.000000030e-01, v16;
	[tilespmem:s8+$0xFFFFFFB0] =	vst v6;
	v6 =	vmul.f32 v39, v27  }
0x7a: {  	v4 =	vmul.f32 v40, v4;
	v5 =	vmul.f32 v42, v5;
	v12 =	vadd.f32 v19, v12;
	v19 =	vld [tilespmem:s10+$0x0];
	[tilespmem:s8+$0xFFFFFFC0] =	vst v7  }
0x7b: {  	v7 =	vld [tilespmem:s11+$0x40];
	v16 =	vmax.f32 v16, v31;
	[tilespmem:s8+$0xFFFFFFD0] =	vst v9;
	v9 =	vmul.f32 v43, v26  }
0x7c: {  	v26 =	vmul.f32 $2.000000030e-01, v12;
	v21 =	vadd.f32 v23, v21;
	v23 =	vld [tilespmem:s10+$0x10];
	v16 =	vmul.f32 $1.442695020e+00, v16;
	[tilespmem:s8+$0xFFFFFFE0] =	vst v10  }
0x7d: {  	v10 =	vld [tilespmem:s11+$0x90];
	[tilespmem:s8+$0x0] =	vst v11  }
0x7e: {  	v11 =	vmul.f32 $2.000000030e-01, v21;
	v27 =	vadd.f32 v30, v29;
	v29 =	vld [tilespmem:s10+$0x20];
	(erf) = vpow2.f32 v16;
	[tilespmem:s8+$0x10] =	vst v14  }
0x7f: {  	v12 =	vmax.f32 v12, v26;
	v14 =	vld [tilespmem:s11+$0xE0];
	[tilespmem:s8+$0x20] =	vst v17  }
0x80: {  	v16 =	vld [tilespmem:s10+$0xFFFFFFC0];
	v11 =	vmax.f32 v21, v11;
	v17 =	vmul.f32 $2.000000030e-01, v27;
	v7 =	vadd.f32 v7, v19;
	[tilespmem:s8+$0x30] =	vst v15  }
0x81: {  	v12 =	vmul.f32 $1.442695020e+00, v12;
	v26 =	vld [tilespmem:s11+$0xFFFFFEC0];
	v11 =	vmul.f32 $1.442695020e+00, v11;
	[tilespmem:s8+$0x50] =	vst v20  }
0x82: {  	v37 =	vld [tilespmem:s11+$0xFFFFFED0];
	v15 =	vmax.f32 v27, v17;
	v17 =	vmul.f32 $2.000000030e-01, v7;
	v10 =	vadd.f32 v10, v23;
	[tilespmem:s8+$0x60] =	vst v18  }
0x83: {  	v39 =	vld [tilespmem:s11+$0xFFFFFEE0];
	v15 =	vmul.f32 $1.442695020e+00, v15;
	(erf) = vpow2.f32 v12;
	[tilespmem:s8+$0x70] =	vst v22  }
0x84: {  	v40 =	vld [tilespmem:s11+$0xFFFFFEF0];
	v7 =	vmax.f32 v7, v17;
	v12 =	vmul.f32 $2.000000030e-01, v10;
	v14 =	vadd.f32 v14, v29;
	[tilespmem:s8+$0x80] =	vst v24  }
0x85: {  	v13 =	vadd.f32 v13, v16;
	v7 =	vmul.f32 $1.442695020e+00, v7;
	v16 =	vld [tilespmem:s11+$0x120];
	(erf) = vpow2.f32 v11;
	[tilespmem:s8+$0xA0] =	vst v25  }
0x86: {  	v42 =	vld [tilespmem:s11+$0xFFFFFF10];
	v10 =	vmax.f32 v10, v12;
	v11 =	vmul.f32 $2.000000030e-01, v14;
	(erf) = vpow2.f32 v15;
	[tilespmem:s8+$0xB0] =	vst v8  }
0x87: {  	v8 =	vmul.f32 $2.000000030e-01, v13;
	v43 =	vld [tilespmem:s11+$0xFFFFFF20];
	v10 =	vmul.f32 $1.442695020e+00, v10;
	v44 =	vpop (erf);
	[tilespmem:s8+$0xC0] =	vst v28  }
0x88: {  	v45 =	vld [tilespmem:s11+$0xFFFFFF30];
	v11 =	vmax.f32 v14, v11;
	v12 =	vperm.xlane v44, v3;
	(erf) = vpow2.f32 v7;
	[tilespmem:s8+$0xD0] =	vst v6  }
0x89: {  	v6 =	vmax.f32 v13, v8;
	v46 =	vld [tilespmem:s11+$0xFFFFFF40];
	v7 =	vmul.f32 $1.442695020e+00, v11;
	(erf) = vpow2.f32 v10;
	[tilespmem:s8+$0xF0] =	vst v4  }
0x8a: {  	v10 =	vmul.f32 $1.442695020e+00, v6;
	v51 =	vld [tilespmem:s11+$0xFFFFFF60];
	v8 =	vmul.f32 v16, v12;
	[tilespmem:s8+$0x100] =	vst v5  }
0x8b: {  	v4 =	vperm.xlane v44, v0;
	v52 =	vld [tilespmem:s11+$0xFFFFFF70];
	(erf) = vpow2.f32 v7;
	[tilespmem:s8+$0x110] =	vst v9;
	s8 =	smov.u32 s11  }
0x8c: {  	v5 =	vperm.xlane v44, v1;
	v53 =	vld [tilespmem:s11+$0xFFFFFF80];
	[tilespmem:s11+$0x120] =	vst v8;
	(erf) = vpow2.f32 v10;
	v6 =	vpop (erf)  }
0x8d: {  	[tilespmem:s11+$0xFFFFFF50] =	vst v6;
	v47 =	vperm.xlane v6, v0;
	v48 =	vperm.xlane v6, v1;
	v8 =	vld [tilespmem:s11+$0xFFFFFF90]  }
0x8e: {  	v54 =	vperm.xlane v6, v2;
	v55 =	vperm.xlane v6, v3;
	v6 =	vld [tilespmem:s11+$0xFFFFFFB0];
	[tilespmem:s11+$0x130] =	vst v44;
	v9 =	vpop (erf)  }
0x8f: {  	[tilespmem:s11+$0xFFFFFFA0] =	vst v9;
	v56 =	vperm.xlane v9, v0;
	v57 =	vperm.xlane v9, v1;
	v7 =	vld [tilespmem:s11+$0xFFFFFFC0];
	v11 =	vpop (erf)  }
0x90: {  	v58 =	vperm.xlane v9, v2;
	v16 =	vperm.xlane v9, v3;
	[tilespmem:s11+$0xFFFFFFF0] =	vst v11;
	v9 =	vld [tilespmem:s11+$0xFFFFFFD0]  }
0x91: {  	v23 =	vperm.xlane v11, v0;
	v13 =	vperm.xlane v11, v1;
	v10 =	vld [tilespmem:s11+$0xFFFFFFE0];
	v15 =	vpop (erf)  }
0x92: {  	v20 =	vperm.xlane v11, v2;
	v11 =	vperm.xlane v11, v3;
	[tilespmem:s11+$0x40] =	vst v15;
	v12 =	vld [tilespmem:s11+$0x0];
	v27 =	vpop (erf)  }
0x93: {  	v21 =	vperm.xlane v15, v0;
	v14 =	vperm.xlane v15, v1;
	v17 =	vld [tilespmem:s11+$0x10];
	[tilespmem:s11+$0x90] =	vst v27  }
0x94: {  	v19 =	vperm.xlane v15, v2;
	v15 =	vperm.xlane v15, v3;
	v22 =	vld [tilespmem:s11+$0x20];
	v41 =	vpop (erf)  }
0x95: {  	v24 =	vperm.xlane v27, v0;
	v18 =	vperm.xlane v27, v1;
	v25 =	vld [tilespmem:s11+$0x30];
	[tilespmem:s11+$0xE0] =	vst v41;
	v28 =	vpop (erf)  }
0x96: {  	[tilespmem:s11+$0xFFFFFF00] =	vst v28;
	v49 =	vperm.xlane v28, v0;
	v50 =	vperm.xlane v28, v1;
	v29 =	vld [tilespmem:s11+$0x50]  }
0x97: {  	v59 =	vperm.xlane v28, v2;
	v60 =	vperm.xlane v28, v3;
	v31 =	vld [tilespmem:s11+$0x60]  }
0x98: {  	v33 =	vperm.xlane v27, v2;
	v30 =	vperm.xlane v27, v3;
	v36 =	vld [tilespmem:s11+$0x70]  }
0x99: {  	v34 =	vperm.xlane v41, v0;
	v28 =	vperm.xlane v41, v1;
	v35 =	vld [tilespmem:s11+$0x80]  }
0x9a: {  	v32 =	vperm.xlane v41, v2;
	v27 =	vperm.xlane v41, v3;
	v38 =	vld [tilespmem:s11+$0xA0]  }
0x9b: {  	v49 =	vmul.f32 v26, v49;
	v26 =	vperm.xlane v44, v2;
	v41 =	vld [tilespmem:s11+$0xB0]  }
.Ltmp2:
0x9c: {  	v44 =	vmul.f32 v37, v50;
	v59 =	vmul.f32 v39, v59;
	v37 =	vld [tilespmem:s11+$0xC0];
	(pc) =	sbr.rel @p0 .LBB2_3-.Ltmp2, $4  }
0x9d: {  	v60 =	vmul.f32 v40, v60;
	v50 =	vmul.f32 v42, v47;
	[tilespmem:s11+$0xFFFFFEC0] =	vst v49;
	v39 =	vld [tilespmem:s11+$0xD0]  }
0x9e: {  	v47 =	vmul.f32 v45, v54;
	v49 =	vmul.f32 v43, v48;
	[tilespmem:s11+$0xFFFFFED0] =	vst v44;
	v40 =	vld [tilespmem:s11+$0xF0]  }
0x9f: {  	v45 =	vmul.f32 v51, v56;
	v48 =	vmul.f32 v46, v55;
	[tilespmem:s11+$0xFFFFFEE0] =	vst v59;
	v42 =	vld [tilespmem:s11+$0x100]  }
0xa0: {  	s10 =	sadd.s32 $0x80, s10;
	v46 =	vmul.f32 v52, v57;
	v44 =	vmul.f32 v53, v58;
	[tilespmem:s11+$0xFFFFFEF0] =	vst v60;
	v43 =	vld [tilespmem:s11+$0x110]  }
0xa1: {  	[tilespmem:s8+$0xFFFFFF10] =	vst v50  }
0xa2: {  	[tilespmem:s8+$0xFFFFFF20] =	vst v49  }
0xa3: {  	[tilespmem:s8+$0xFFFFFF30] =	vst v47  }
0xa4: {  	[tilespmem:s8+$0xFFFFFF40] =	vst v48  }
0xa5: {  	[tilespmem:s8+$0xFFFFFF60] =	vst v45  }
0xa6: {  	v8 =	vmul.f32 v8, v16;
	[tilespmem:s8+$0xFFFFFF70] =	vst v46  }
0xa7: {  	v6 =	vmul.f32 v6, v23;
	[tilespmem:s8+$0xFFFFFF80] =	vst v44  }
0xa8: {  	v7 =	vmul.f32 v7, v13;
	[tilespmem:s8+$0xFFFFFF90] =	vst v8  }
0xa9: {  	v49 =	vmul.f32 v9, v20;
	[tilespmem:s8+$0xFFFFFFB0] =	vst v6  }
0xaa: {  	v50 =	vmul.f32 v10, v11;
	[tilespmem:s8+$0xFFFFFFC0] =	vst v7  }
0xab: {  	v51 =	vmul.f32 v12, v21;
	[tilespmem:s8+$0xFFFFFFD0] =	vst v49  }
0xac: {  	v52 =	vmul.f32 v17, v14;
	[tilespmem:s8+$0xFFFFFFE0] =	vst v50  }
0xad: {  	v53 =	vmul.f32 v22, v19;
	[tilespmem:s8+$0x0] =	vst v51  }
0xae: {  	v54 =	vmul.f32 v25, v15;
	[tilespmem:s8+$0x10] =	vst v52  }
0xaf: {  	v55 =	vmul.f32 v29, v24;
	[tilespmem:s8+$0x20] =	vst v53  }
0xb0: {  	v56 =	vmul.f32 v31, v18;
	[tilespmem:s8+$0x30] =	vst v54  }
0xb1: {  	v57 =	vmul.f32 v36, v33;
	[tilespmem:s8+$0x50] =	vst v55  }
0xb2: {  	v58 =	vmul.f32 v35, v30;
	[tilespmem:s8+$0x60] =	vst v56  }
0xb3: {  	v59 =	vmul.f32 v38, v34;
	[tilespmem:s8+$0x70] =	vst v57  }
0xb4: {  	v60 =	vmul.f32 v41, v28;
	[tilespmem:s8+$0x80] =	vst v58  }
0xb5: {  	v61 =	vmul.f32 v37, v32;
	[tilespmem:s8+$0xA0] =	vst v59  }
0xb6: {  	v62 =	vmul.f32 v39, v27;
	[tilespmem:s8+$0xB0] =	vst v60  }
0xb7: {  	p0 =	sgt.u32 s29, $0xB;
	v4 =	vmul.f32 v40, v4;
	[tilespmem:s8+$0xC0] =	vst v61  }
.Ltmp3:
0xb8: {  	v5 =	vmul.f32 v42, v5;
	[tilespmem:s8+$0xD0] =	vst v62;
	(pc) =	sbr.rel @p0 .LBB2_8-.Ltmp3, $4  }
0xb9: {  	v63 =	vmul.f32 v43, v26;
	[tilespmem:s8+$0xF0] =	vst v4  }
0xba: {  	[tilespmem:s8+$0x100] =	vst v5  }
0xbb: {  	[tilespmem:s8+$0x110] =	vst v63  }
0xbc: {  	[spmem:s2] =	stream.indirect.scatter.add.f32 [tilespmem:s23], [sflag:$0x3], $0x50, s21, s22, $0xb8;
	[tilespmem:$0x1FA40] =	vst v63  }
0xbd: {  	_ =	swait.ge [sflag:s31], $0x7D00  }
0xbe: {  	[sflag:s31] =	ssyncset.done $0x0  }
0xbf: {  	[sflag:s31] =	ssyncadd.s32 $0xFFFF8300  }
0xc0: {  	_ =	swait.ge [sflag:s31], $0x1900  }
0xc1: {  	[sflag:s31] =	ssyncset.done $0x0  }
0xc2: {  	s10 =	simm.s32 $0x1DB40;
	[sflag:s31] =	ssyncadd.s32 $0xFFFFE700  }
0xc3: {  	s8 =	simm.s32 $0x14640;
	v4 =	vld [tilespmem:s10+$0x30]  }
0xc4: {  	v5 =	vld [tilespmem:s8+$0x130]  }
0xc5: {  	v6 =	vld [tilespmem:s8+$0xFFFFFF00]  }
0xc6: {  	v7 =	vld [tilespmem:s10+$0xFFFFFFD0]  }
0xc7: {  	v8 =	vld [tilespmem:s8+$0xFFFFFF50]  }
0xc8: {  	v9 =	vld [tilespmem:s10+$0xFFFFFFE0]  }
0xc9: {  	v10 =	vld [tilespmem:s8+$0xFFFFFFA0]  }
0xca: {  	v11 =	vld [tilespmem:s8+$0xFFFFFFF0]  }
0xcb: {  	v4 =	vadd.f32 v5, v4;
	v5 =	vld [tilespmem:s10+$0xFFFFFFF0]  }
0xcc: {  	v13 =	vld [tilespmem:s10+$0x0]  }
0xcd: {  	v14 =	vld [tilespmem:s8+$0x40];
	v7 =	vadd.f32 v8, v7;
	v12 =	vmul.f32 $2.000000030e-01, v4  }
0xce: {  	v8 =	vld [tilespmem:s10+$0x10]  }
0xcf: {  	v9 =	vadd.f32 v10, v9;
	v10 =	vld [tilespmem:s8+$0x90];
	v4 =	vmax.f32 v4, v12;
	v12 =	vmul.f32 $2.000000030e-01, v7  }
0xd0: {  	v4 =	vmul.f32 $1.442695020e+00, v4;
	v5 =	vadd.f32 v11, v5;
	v11 =	vld [tilespmem:s10+$0x20]  }
0xd1: {  	v7 =	vmax.f32 v7, v12;
	v12 =	vld [tilespmem:s10+$0xFFFFFFC0]  }
0xd2: {  	v13 =	vadd.f32 v14, v13;
	v15 =	vmul.f32 $2.000000030e-01, v9;
	(erf) = vpow2.f32 v4;
	v4 =	vld [tilespmem:s8+$0xE0]  }
0xd3: {  	v16 =	vmul.f32 $2.000000030e-01, v5;
	v7 =	vmul.f32 $1.442695020e+00, v7  }
0xd4: {  	v26 =	vld [tilespmem:s8+$0xFFFFFEC0];
	v14 =	vmul.f32 $2.000000030e-01, v13;
	v9 =	vmax.f32 v9, v15;
	v8 =	vadd.f32 v10, v8  }
0xd5: {  	v37 =	vld [tilespmem:s8+$0xFFFFFED0];
	v9 =	vmul.f32 $1.442695020e+00, v9;
	v5 =	vmax.f32 v5, v16;
	(erf) = vpow2.f32 v7  }
0xd6: {  	v39 =	vld [tilespmem:s8+$0xFFFFFEE0];
	v10 =	vmul.f32 $2.000000030e-01, v8;
	v5 =	vmul.f32 $1.442695020e+00, v5;
	v6 =	vadd.f32 v6, v12  }
0xd7: {  	v40 =	vld [tilespmem:s8+$0xFFFFFEF0];
	v7 =	vmax.f32 v13, v14;
	(erf) = vpow2.f32 v9;
	v4 =	vadd.f32 v4, v11  }
0xd8: {  	v42 =	vld [tilespmem:s8+$0xFFFFFF10];
	(erf) = vpow2.f32 v5;
	v5 =	vmax.f32 v8, v10;
	v10 =	vmul.f32 $2.000000030e-01, v6  }
0xd9: {  	v7 =	vmul.f32 $1.442695020e+00, v7;
	v9 =	vld [tilespmem:s8+$0x120];
	v8 =	vmul.f32 $2.000000030e-01, v4  }
0xda: {  	v43 =	vld [tilespmem:s8+$0xFFFFFF20];
	v5 =	vmul.f32 $1.442695020e+00, v5;
	v6 =	vmax.f32 v6, v10  }
0xdb: {  	v45 =	vld [tilespmem:s8+$0xFFFFFF30];
	v44 =	vpop (erf);
	(erf) = vpow2.f32 v7;
	v4 =	vmax.f32 v4, v8;
	v6 =	vmul.f32 $1.442695020e+00, v6  }
0xdc: {  	v46 =	vld [tilespmem:s8+$0xFFFFFF40];
	v7 =	vperm.xlane v44, v3;
	v8 =	vmul.f32 $1.442695020e+00, v4  }
0xdd: {  	v51 =	vld [tilespmem:s8+$0xFFFFFF60];
	(erf) = vpow2.f32 v5;
	v4 =	vperm.xlane v44, v0  }
0xde: {  	v52 =	vld [tilespmem:s8+$0xFFFFFF70];
	v5 =	vperm.xlane v44, v1;
	v28 =	vpop (erf);
	v27 =	vmul.f32 v9, v7  }
0xdf: {  	v53 =	vld [tilespmem:s8+$0xFFFFFF80];
	(erf) = vpow2.f32 v8;
	v47 =	vperm.xlane v28, v0  }
0xe0: {  	v17 =	vld [tilespmem:s8+$0x10];
	v48 =	vperm.xlane v28, v1;
	v54 =	vperm.xlane v28, v2  }
0xe1: {  	v22 =	vld [tilespmem:s8+$0x20];
	v32 =	vpop (erf);
	v55 =	vperm.xlane v28, v3;
	(erf) = vpow2.f32 v6  }
0xe2: {  	v25 =	vld [tilespmem:s8+$0x30];
	v56 =	vperm.xlane v32, v0;
	v57 =	vperm.xlane v32, v1  }
0xe3: {  	v29 =	vld [tilespmem:s8+$0x50];
	v58 =	vperm.xlane v32, v2;
	v16 =	vperm.xlane v32, v3;
	v11 =	vpop (erf)  }
0xe4: {  	v31 =	vld [tilespmem:s8+$0x60];
	v23 =	vperm.xlane v11, v0;
	v13 =	vperm.xlane v11, v1  }
0xe5: {  	v36 =	vld [tilespmem:s8+$0x70];
	[tilespmem:s8+$0xFFFFFFF0] =	vst v11;
	v20 =	vperm.xlane v11, v2;
	v11 =	vperm.xlane v11, v3;
	v15 =	vpop (erf)  }
0xe6: {  	v35 =	vld [tilespmem:s8+$0x80];
	v21 =	vperm.xlane v15, v0;
	v14 =	vperm.xlane v15, v1  }
0xe7: {  	v38 =	vld [tilespmem:s8+$0xA0];
	[tilespmem:s8+$0x40] =	vst v15;
	v30 =	vpop (erf);
	v19 =	vperm.xlane v15, v2;
	v15 =	vperm.xlane v15, v3  }
0xe8: {  	v12 =	vld [tilespmem:s8+$0x0];
	[tilespmem:s8+$0xFFFFFF50] =	vst v28;
	v24 =	vperm.xlane v30, v0;
	v18 =	vperm.xlane v30, v1  }
0xe9: {  	v10 =	vld [tilespmem:s8+$0xFFFFFFE0];
	[tilespmem:s8+$0x90] =	vst v30;
	v33 =	vperm.xlane v30, v2;
	v30 =	vperm.xlane v30, v3;
	v41 =	vpop (erf)  }
0xea: {  	v7 =	vld [tilespmem:s8+$0xFFFFFFC0];
	[tilespmem:s8+$0xFFFFFFA0] =	vst v32;
	v34 =	vperm.xlane v41, v0;
	v28 =	vperm.xlane v41, v1  }
0xeb: {  	v8 =	vld [tilespmem:s8+$0xFFFFFF90];
	[tilespmem:s8+$0x120] =	vst v27;
	v49 =	vpop (erf);
	v32 =	vperm.xlane v41, v2;
	v27 =	vperm.xlane v41, v3  }
0xec: {  	v9 =	vld [tilespmem:s8+$0xFFFFFFD0];
	v50 =	vperm.xlane v49, v0;
	v59 =	vperm.xlane v49, v1  }
0xed: {  	v6 =	vld [tilespmem:s8+$0xFFFFFFB0];
	[tilespmem:s8+$0xE0] =	vst v41;
	v60 =	vperm.xlane v49, v2;
	v61 =	vperm.xlane v49, v3  }
0xee: {  	v41 =	vld [tilespmem:s8+$0xB0];
	[tilespmem:s8+$0xFFFFFF00] =	vst v49;
	v49 =	vmul.f32 v43, v48;
	v50 =	vmul.f32 v26, v50  }
0xef: {  	[tilespmem:s8+$0x130] =	vst v44;
	v43 =	vld [tilespmem:s8+$0x110];
	v26 =	vperm.xlane v44, v2;
	v44 =	vmul.f32 v37, v59  }
0xf0: {  	v48 =	vmul.f32 v46, v55;
	v59 =	vmul.f32 v39, v60;
	v37 =	vld [tilespmem:s8+$0xC0];
	[tilespmem:s8+$0xFFFFFEC0] =	vst v50  }
0xf1: {  	v46 =	vmul.f32 v52, v57;
	v60 =	vmul.f32 v40, v61;
	v39 =	vld [tilespmem:s8+$0xD0];
	[tilespmem:s8+$0xFFFFFED0] =	vst v44  }
0xf2: {  	v40 =	vld [tilespmem:s8+$0xF0];
	v50 =	vmul.f32 v42, v47;
	v47 =	vmul.f32 v45, v54;
	[tilespmem:s8+$0xFFFFFEE0] =	vst v59  }
0xf3: {  	s25 =	simm.s32 $0x0;
	s11 =	simm.s32 $0x14640;
	s10 =	simm.s32 $0x1DBC0;
	v45 =	vmul.f32 v51, v56;
	v42 =	vld [tilespmem:s8+$0x100];
	[tilespmem:s8+$0xFFFFFEF0] =	vst v60;
	v44 =	vmul.f32 v53, v58  }
.LBB2_6:
0xf4: {  	v51 =	vld [tilespmem:s10+$0x30];
	[tilespmem:s8+$0xFFFFFF10] =	vst v50;
	v8 =	vmul.f32 v8, v16;
	v6 =	vmul.f32 v6, v23;
	s11 =	sadd.s32 $0x280, s11  }
0xf5: {  	s25 =	sadd.s32 $0x8, s25;
	v7 =	vmul.f32 v7, v13;
	v9 =	vmul.f32 v9, v20;
	v16 =	vld [tilespmem:s11+$0x130];
	[tilespmem:s8+$0xFFFFFF20] =	vst v49  }
0xf6: {  	v10 =	vmul.f32 v10, v11;
	v11 =	vmul.f32 v12, v21;
	p1 =	slt.u32 s25, $0x188;
	v13 =	vld [tilespmem:s11+$0xFFFFFF00];
	[tilespmem:s8+$0xFFFFFF30] =	vst v47  }
0xf7: {  	v14 =	vmul.f32 v17, v14;
	v17 =	vmul.f32 v22, v19;
	v12 =	vld [tilespmem:s10+$0xFFFFFFD0];
	[tilespmem:s8+$0xFFFFFF40] =	vst v48  }
0xf8: {  	v15 =	vmul.f32 v25, v15;
	v20 =	vmul.f32 v29, v24;
	v19 =	vld [tilespmem:s11+$0xFFFFFF50];
	[tilespmem:s8+$0xFFFFFF60] =	vst v45  }
0xf9: {  	v18 =	vmul.f32 v31, v18;
	v22 =	vmul.f32 v36, v33;
	v21 =	vld [tilespmem:s10+$0xFFFFFFE0];
	[tilespmem:s8+$0xFFFFFF70] =	vst v46  }
0xfa: {  	v24 =	vmul.f32 v35, v30;
	v25 =	vmul.f32 v38, v34;
	v23 =	vld [tilespmem:s11+$0xFFFFFFA0];
	v16 =	vadd.f32 v16, v51;
	[tilespmem:s8+$0xFFFFFF80] =	vst v44  }
0xfb: {  	v29 =	vld [tilespmem:s10+$0xFFFFFFF0];
	[tilespmem:s8+$0xFFFFFF90] =	vst v8;
	v8 =	vmul.f32 v41, v28;
	v28 =	vmul.f32 v37, v32  }
0xfc: {  	v30 =	vld [tilespmem:s11+$0xFFFFFFF0];
	v31 =	vmul.f32 $2.000000030e-01, v16;
	[tilespmem:s8+$0xFFFFFFB0] =	vst v6;
	v6 =	vmul.f32 v39, v27  }
0xfd: {  	v4 =	vmul.f32 v40, v4;
	v5 =	vmul.f32 v42, v5;
	v12 =	vadd.f32 v19, v12;
	v19 =	vld [tilespmem:s10+$0x0];
	[tilespmem:s8+$0xFFFFFFC0] =	vst v7  }
0xfe: {  	v7 =	vld [tilespmem:s11+$0x40];
	v16 =	vmax.f32 v16, v31;
	[tilespmem:s8+$0xFFFFFFD0] =	vst v9;
	v9 =	vmul.f32 v43, v26  }
0xff: {  	v26 =	vmul.f32 $2.000000030e-01, v12;
	v21 =	vadd.f32 v23, v21;
	v23 =	vld [tilespmem:s10+$0x10];
	v16 =	vmul.f32 $1.442695020e+00, v16;
	[tilespmem:s8+$0xFFFFFFE0] =	vst v10  }
0x100: {  	v10 =	vld [tilespmem:s11+$0x90];
	[tilespmem:s8+$0x0] =	vst v11  }
0x101: {  	v11 =	vmul.f32 $2.000000030e-01, v21;
	v27 =	vadd.f32 v30, v29;
	v29 =	vld [tilespmem:s10+$0x20];
	(erf) = vpow2.f32 v16;
	[tilespmem:s8+$0x10] =	vst v14  }
0x102: {  	v12 =	vmax.f32 v12, v26;
	v14 =	vld [tilespmem:s11+$0xE0];
	[tilespmem:s8+$0x20] =	vst v17  }
0x103: {  	v16 =	vld [tilespmem:s10+$0xFFFFFFC0];
	v11 =	vmax.f32 v21, v11;
	v17 =	vmul.f32 $2.000000030e-01, v27;
	v7 =	vadd.f32 v7, v19;
	[tilespmem:s8+$0x30] =	vst v15  }
0x104: {  	v12 =	vmul.f32 $1.442695020e+00, v12;
	v26 =	vld [tilespmem:s11+$0xFFFFFEC0];
	v11 =	vmul.f32 $1.442695020e+00, v11;
	[tilespmem:s8+$0x50] =	vst v20  }
0x105: {  	v37 =	vld [tilespmem:s11+$0xFFFFFED0];
	v15 =	vmax.f32 v27, v17;
	v17 =	vmul.f32 $2.000000030e-01, v7;
	v10 =	vadd.f32 v10, v23;
	[tilespmem:s8+$0x60] =	vst v18  }
0x106: {  	v39 =	vld [tilespmem:s11+$0xFFFFFEE0];
	v15 =	vmul.f32 $1.442695020e+00, v15;
	(erf) = vpow2.f32 v12;
	[tilespmem:s8+$0x70] =	vst v22  }
0x107: {  	v40 =	vld [tilespmem:s11+$0xFFFFFEF0];
	v7 =	vmax.f32 v7, v17;
	v12 =	vmul.f32 $2.000000030e-01, v10;
	v14 =	vadd.f32 v14, v29;
	[tilespmem:s8+$0x80] =	vst v24  }
0x108: {  	v13 =	vadd.f32 v13, v16;
	v7 =	vmul.f32 $1.442695020e+00, v7;
	v16 =	vld [tilespmem:s11+$0x120];
	(erf) = vpow2.f32 v11;
	[tilespmem:s8+$0xA0] =	vst v25  }
0x109: {  	v42 =	vld [tilespmem:s11+$0xFFFFFF10];
	v10 =	vmax.f32 v10, v12;
	v11 =	vmul.f32 $2.000000030e-01, v14;
	(erf) = vpow2.f32 v15;
	[tilespmem:s8+$0xB0] =	vst v8  }
0x10a: {  	v8 =	vmul.f32 $2.000000030e-01, v13;
	v43 =	vld [tilespmem:s11+$0xFFFFFF20];
	v10 =	vmul.f32 $1.442695020e+00, v10;
	v44 =	vpop (erf);
	[tilespmem:s8+$0xC0] =	vst v28  }
0x10b: {  	v45 =	vld [tilespmem:s11+$0xFFFFFF30];
	v11 =	vmax.f32 v14, v11;
	v12 =	vperm.xlane v44, v3;
	(erf) = vpow2.f32 v7;
	[tilespmem:s8+$0xD0] =	vst v6  }
0x10c: {  	v6 =	vmax.f32 v13, v8;
	v46 =	vld [tilespmem:s11+$0xFFFFFF40];
	v7 =	vmul.f32 $1.442695020e+00, v11;
	(erf) = vpow2.f32 v10;
	[tilespmem:s8+$0xF0] =	vst v4  }
0x10d: {  	v10 =	vmul.f32 $1.442695020e+00, v6;
	v51 =	vld [tilespmem:s11+$0xFFFFFF60];
	v8 =	vmul.f32 v16, v12;
	[tilespmem:s8+$0x100] =	vst v5  }
0x10e: {  	v4 =	vperm.xlane v44, v0;
	v52 =	vld [tilespmem:s11+$0xFFFFFF70];
	(erf) = vpow2.f32 v7;
	[tilespmem:s8+$0x110] =	vst v9;
	s8 =	smov.u32 s11  }
0x10f: {  	v5 =	vperm.xlane v44, v1;
	v53 =	vld [tilespmem:s11+$0xFFFFFF80];
	[tilespmem:s11+$0x120] =	vst v8;
	(erf) = vpow2.f32 v10;
	v6 =	vpop (erf)  }
0x110: {  	[tilespmem:s11+$0xFFFFFF50] =	vst v6;
	v47 =	vperm.xlane v6, v0;
	v48 =	vperm.xlane v6, v1;
	v8 =	vld [tilespmem:s11+$0xFFFFFF90]  }
0x111: {  	v54 =	vperm.xlane v6, v2;
	v55 =	vperm.xlane v6, v3;
	v6 =	vld [tilespmem:s11+$0xFFFFFFB0];
	[tilespmem:s11+$0x130] =	vst v44;
	v9 =	vpop (erf)  }
0x112: {  	[tilespmem:s11+$0xFFFFFFA0] =	vst v9;
	v56 =	vperm.xlane v9, v0;
	v57 =	vperm.xlane v9, v1;
	v7 =	vld [tilespmem:s11+$0xFFFFFFC0];
	v11 =	vpop (erf)  }
0x113: {  	v58 =	vperm.xlane v9, v2;
	v16 =	vperm.xlane v9, v3;
	[tilespmem:s11+$0xFFFFFFF0] =	vst v11;
	v9 =	vld [tilespmem:s11+$0xFFFFFFD0]  }
0x114: {  	v23 =	vperm.xlane v11, v0;
	v13 =	vperm.xlane v11, v1;
	v10 =	vld [tilespmem:s11+$0xFFFFFFE0];
	v15 =	vpop (erf)  }
0x115: {  	v20 =	vperm.xlane v11, v2;
	v11 =	vperm.xlane v11, v3;
	[tilespmem:s11+$0x40] =	vst v15;
	v12 =	vld [tilespmem:s11+$0x0];
	v27 =	vpop (erf)  }
0x116: {  	v21 =	vperm.xlane v15, v0;
	v14 =	vperm.xlane v15, v1;
	v17 =	vld [tilespmem:s11+$0x10];
	[tilespmem:s11+$0x90] =	vst v27  }
0x117: {  	v19 =	vperm.xlane v15, v2;
	v15 =	vperm.xlane v15, v3;
	v22 =	vld [tilespmem:s11+$0x20];
	v41 =	vpop (erf)  }
0x118: {  	v24 =	vperm.xlane v27, v0;
	v18 =	vperm.xlane v27, v1;
	v25 =	vld [tilespmem:s11+$0x30];
	[tilespmem:s11+$0xE0] =	vst v41;
	v28 =	vpop (erf)  }
0x119: {  	[tilespmem:s11+$0xFFFFFF00] =	vst v28;
	v49 =	vperm.xlane v28, v0;
	v50 =	vperm.xlane v28, v1;
	v29 =	vld [tilespmem:s11+$0x50]  }
0x11a: {  	v59 =	vperm.xlane v28, v2;
	v60 =	vperm.xlane v28, v3;
	v31 =	vld [tilespmem:s11+$0x60]  }
0x11b: {  	v33 =	vperm.xlane v27, v2;
	v30 =	vperm.xlane v27, v3;
	v36 =	vld [tilespmem:s11+$0x70]  }
0x11c: {  	v34 =	vperm.xlane v41, v0;
	v28 =	vperm.xlane v41, v1;
	v35 =	vld [tilespmem:s11+$0x80]  }
0x11d: {  	v32 =	vperm.xlane v41, v2;
	v27 =	vperm.xlane v41, v3;
	v38 =	vld [tilespmem:s11+$0xA0]  }
0x11e: {  	v49 =	vmul.f32 v26, v49;
	v26 =	vperm.xlane v44, v2;
	v41 =	vld [tilespmem:s11+$0xB0]  }
.Ltmp4:
0x11f: {  	v44 =	vmul.f32 v37, v50;
	v59 =	vmul.f32 v39, v59;
	v37 =	vld [tilespmem:s11+$0xC0];
	(pc) =	sbr.rel @p1 .LBB2_6-.Ltmp4, $4  }
0x120: {  	v60 =	vmul.f32 v40, v60;
	v50 =	vmul.f32 v42, v47;
	[tilespmem:s11+$0xFFFFFEC0] =	vst v49;
	v39 =	vld [tilespmem:s11+$0xD0]  }
0x121: {  	v47 =	vmul.f32 v45, v54;
	v49 =	vmul.f32 v43, v48;
	[tilespmem:s11+$0xFFFFFED0] =	vst v44;
	v40 =	vld [tilespmem:s11+$0xF0]  }
0x122: {  	v45 =	vmul.f32 v51, v56;
	v48 =	vmul.f32 v46, v55;
	[tilespmem:s11+$0xFFFFFEE0] =	vst v59;
	v42 =	vld [tilespmem:s11+$0x100]  }
0x123: {  	s10 =	sadd.s32 $0x80, s10;
	v46 =	vmul.f32 v52, v57;
	v44 =	vmul.f32 v53, v58;
	[tilespmem:s11+$0xFFFFFEF0] =	vst v60;
	v43 =	vld [tilespmem:s11+$0x110]  }
0x124: {  	[tilespmem:s8+$0xFFFFFF10] =	vst v50  }
0x125: {  	[tilespmem:s8+$0xFFFFFF20] =	vst v49  }
0x126: {  	[tilespmem:s8+$0xFFFFFF30] =	vst v47  }
0x127: {  	[tilespmem:s8+$0xFFFFFF40] =	vst v48  }
0x128: {  	[tilespmem:s8+$0xFFFFFF60] =	vst v45  }
0x129: {  	v8 =	vmul.f32 v8, v16;
	[tilespmem:s8+$0xFFFFFF70] =	vst v46  }
0x12a: {  	v6 =	vmul.f32 v6, v23;
	[tilespmem:s8+$0xFFFFFF80] =	vst v44  }
0x12b: {  	v7 =	vmul.f32 v7, v13;
	[tilespmem:s8+$0xFFFFFF90] =	vst v8  }
0x12c: {  	v49 =	vmul.f32 v9, v20;
	[tilespmem:s8+$0xFFFFFFB0] =	vst v6  }
0x12d: {  	v50 =	vmul.f32 v10, v11;
	[tilespmem:s8+$0xFFFFFFC0] =	vst v7  }
0x12e: {  	v51 =	vmul.f32 v12, v21;
	[tilespmem:s8+$0xFFFFFFD0] =	vst v49  }
0x12f: {  	v52 =	vmul.f32 v17, v14;
	[tilespmem:s8+$0xFFFFFFE0] =	vst v50  }
0x130: {  	v53 =	vmul.f32 v22, v19;
	[tilespmem:s8+$0x0] =	vst v51  }
0x131: {  	v54 =	vmul.f32 v25, v15;
	[tilespmem:s8+$0x10] =	vst v52  }
0x132: {  	v55 =	vmul.f32 v29, v24;
	[tilespmem:s8+$0x20] =	vst v53  }
0x133: {  	v56 =	vmul.f32 v31, v18;
	[tilespmem:s8+$0x30] =	vst v54  }
0x134: {  	v57 =	vmul.f32 v36, v33;
	[tilespmem:s8+$0x50] =	vst v55  }
0x135: {  	v58 =	vmul.f32 v35, v30;
	[tilespmem:s8+$0x60] =	vst v56  }
0x136: {  	v59 =	vmul.f32 v38, v34;
	[tilespmem:s8+$0x70] =	vst v57  }
0x137: {  	v60 =	vmul.f32 v41, v28;
	[tilespmem:s8+$0x80] =	vst v58  }
0x138: {  	v61 =	vmul.f32 v37, v32;
	[tilespmem:s8+$0xA0] =	vst v59  }
0x139: {  	v62 =	vmul.f32 v39, v27;
	[tilespmem:s8+$0xB0] =	vst v60  }
0x13a: {  	v4 =	vmul.f32 v40, v4;
	[tilespmem:s8+$0xC0] =	vst v61  }
0x13b: {  	v5 =	vmul.f32 v42, v5;
	[tilespmem:s8+$0xD0] =	vst v62  }
0x13c: {  	v63 =	vmul.f32 v43, v26;
	[tilespmem:s8+$0xF0] =	vst v4  }
0x13d: {  	[tilespmem:s8+$0x100] =	vst v5  }
0x13e: {  	[tilespmem:s8+$0x110] =	vst v63  }
0x13f: {  	[spmem:s2] =	stream.indirect.scatter.add.f32 [tilespmem:s28], [sflag:$0x4], $0x50, s26, s22, $0xb8;
	[tilespmem:$0x1FA40] =	vst v63  }
.LBB2_8:
0x140: {  	p1 =	seq.s32 s29, $0xC  }
.Ltmp5:
0x141: {  	_ = 	snop;
	(pc) =	sbr.rel @p1 .LBB2_10-.Ltmp5, $4  }
0x142: {  	_ = 	snop  }
0x143: {  	_ =	swait.ge [sflag:s0], $0x7D00  }
0x144: {  	[sflag:s0] =	ssyncset.done $0x0  }
0x145: {  	[sflag:s0] =	ssyncadd.s32 $0xFFFF8300  }
0x146: {  	s8 =	smul.u32 $0x320, s29;
	_ =	sdelay $0x1  }
0x147: {  	s10 =	sadd.s32 s8, s14  }
0x148: {  	s10 =	sshrl.u32 s10, $0x3  }
0x149: {  	s11 =	sadd.s32 s6, s10  }
0x14a: {  	[tilespmem:s20], [sflag:$0x5] =	stream.linear.gather [hbm4b:s11+s3], $0x190, $0x38;
	[tilespmem:$0x1FA40] =	vst v63  }
0x14b: {  	_ =	swait.ge [sflag:s19], $0x190  }
0x14c: {  	[sflag:s19] =	ssyncset.done $0x0  }
0x14d: {  	s10 =	sadd.s32 s7, s10;
	[sflag:s19] =	ssyncadd.s32 $0xFFFFFE70  }
0x14e: {  	[tilespmem:s21], [sflag:$0x5] =	stream.linear.gather [hbm4b:s10+s3], $0x190, $0x38;
	[tilespmem:$0x1FA40] =	vst v63  }
0x14f: {  	_ =	swait.ge [sflag:s19], $0x190  }
0x150: {  	[sflag:s19] =	ssyncset.done $0x0  }
0x151: {  	p1 =	seq.s32 @!p0 s29, $0xB;
	[sflag:s19] =	ssyncadd.s32 $0xFFFFFE70  }
0x152: {  	[tilespmem:s23], [sflag:$0x1] =	stream.indirect.gather [hbm4b:s4+s22], $0x50, s20, s22, $0xb8;
	[tilespmem:$0x1FA40] =	vst v63  }
0x153: {  	p1 =	por p1, p0;
	s10 =	simm.s32 @!p0 $0x4  }
0x154: {  	[tilespmem:s24], [sflag:$0x1] =	stream.indirect.gather [hbm4b:s5+s22], $0x10, s21, s22, $0xb8;
	[tilespmem:$0x1FA40] =	vst v63  }
0x155: {  	s8 =	sadd.s32 @!p1 s8, s15;
	_ =	swait.ge @!p0 [sflag:s10], $0x7D00  }
0x156: {  	s25 =	simm.s32 @!p1 $0x1F590;
	s8 =	sshrl.u32 @!p1 s8, $0x3;
	[sflag:s10] =	ssyncset.done @!p0 $0x0  }
0x157: {  	s11 =	simm.s32 @!p1 $0x0;
	[sflag:s10] =	ssyncadd.s32 @!p0 $0xFFFF8300;
	s10 =	sadd.s32 @!p1 s6, s8  }
0x158: {  	[tilespmem:s25], [sflag:$0x5] =	stream.linear.gather @!p1 [hbm4b:s10+s11], $0x190, $0x38;
	[tilespmem:$0x1FA40] =	vst v63  }
0x159: {  	s10 =	simm.s32 @!p1 $0x5  }
0x15a: {  	_ =	swait.ge @!p1 [sflag:s10], $0x190  }
0x15b: {  	[sflag:s10] =	ssyncset.done @!p1 $0x0  }
0x15c: {  	s12 =	simm.s32 @!p1 $0x1F8B0;
	s8 =	sadd.s32 @!p1 s7, s8;
	[sflag:s10] =	ssyncadd.s32 @!p1 $0xFFFFFE70  }
0x15d: {  	[tilespmem:s12], [sflag:$0x5] =	stream.linear.gather @!p1 [hbm4b:s8+s11], $0x190, $0x38;
	[tilespmem:$0x1FA40] =	vst v63  }
0x15e: {  	_ =	swait.ge @!p1 [sflag:s10], $0x190  }
.Ltmp6:
0x15f: {  	[sflag:s10] =	ssyncset.done @!p1 $0x0;
	(pc) =	sbr.rel .LBB2_2-.Ltmp6, $4  }
0x160: {  	s8 =	simm.s32 @!p1 $0x190;
	[sflag:s10] =	ssyncadd.s32 @!p1 $0xFFFFFE70;
	s10 =	simm.s32 @!p1 $0x14500  }
0x161: {  	[tilespmem:s10], [sflag:$0x2] =	stream.indirect.gather @!p1 [hbm4b:s4+s8], $0x50, s25, s8, $0xb8;
	[tilespmem:$0x1FA40] =	vst v63  }
0x162: {  	s29 =	sadd.s32 $0x1, s29;
	s10 =	simm.s32 @!p1 $0x1DB00  }
0x163: {  	[tilespmem:s10], [sflag:$0x2] =	stream.indirect.gather @!p1 [hbm4b:s5+s8], $0x10, s12, s8, $0xb8;
	[tilespmem:$0x1FA40] =	vst v63  }
.LBB2_11:
0x164: {  	_ =	sfence.sel $0x180000  }
0x165: {  	[bflag:$0x0] =	sbarrier.arrive $0xFFFF  }
0x166: {  	_ =	strace $0x90000047  }
0x167: {  	s0 =	stileid.u32;
	[bflag:$0x2] =	sbarrier.arrive $0xFFFF  }
0x168: {  	p0 =	sne.s32 s0, $0x0;
	s0 =	rddreg [dreg:$0x2]  }
0x169: {  	s0 =	sadd.s32 @!p0 $0x100000, s0  }
0x16a: {  	[sflag:s0] =	ssyncadd.tile.s32 @!p0 $0x1;
	_ =	shalt  }
.Lfunc_end2:
_tile_overlayer_lowered:
.L_overlay_start_2:
0x16b: {  	(tag) =	ssettag $0x2  }
0x16c: {  	s0 =	rddreg [dreg:$0x0];
	s2 =	stileid.u32  }
0x16d: {  	s1 =	rddreg [dreg:$0x1];
	p0 =	sne.s32 s2, $0x0  }
0x16e: {  	s3 =	rddreg [dreg:$0x2];
	[bflag:$0x3] =	sbarrier.arrive $0xFFFF;
	s2 =	simm.s32 @!p0 $0x1C05  }
0x16f: {  	[timem:s3], [sflag:s2] =	dma.local @!p0 [hbm:s0], s1  }
0x170: {  	s0 =	simm.s32 @!p0 $0x5  }
0x171: {  	_ =	swait.ge @!p0 [sflag:s0], s1  }
0x172: {  	s1 =	ssub.s32 @!p0 $0x0, s1;
	[sflag:s0] =	ssyncset.done @!p0 $0x0  }
0x173: {  	[sflag:s0] =	ssyncadd.s32 @!p0 s1  }
0x174: {  	[bflag:$0x3] =	sbarrier.arrive $0xFFFF  }
0x175: {  	_ =	shalt  }

</sc_bundles>
